<compile_context>
chip_gen: v7x
topology: tpu7x:2x2x1
jax: 0.10.2.dev20260603
libtpu: 0.0.44.dev20260713+nightly
codegen_flags: <defaults>
</compile_context>

<pallas_src>
import functools
import math

import jax
import jax.numpy as jnp
from jax import lax
from jax.experimental import pallas as pl
from jax.experimental.pallas import tpu as pltpu
from jax.experimental.pallas import tpu_sc as plsc

_NB, _NA, _NC, _NH, _NW = 32, 5, 20, 19, 19
_S = _NH * _NW
_CH = 5 + _NC
_MAXO = 30
_SIL_FACTOR = 0.6 / 1.6
_OBJ = 5.0

_ANCHORS_PX = [42.3072, 55.4064, 102.168, 128.302, 161.788, 259.165,
               303.076, 154.897, 359.565, 320.227]
_AWS = [_ANCHORS_PX[2 * n] / 32.0 for n in range(_NA)]
_AHS = [_ANCHORS_PX[2 * n + 1] / 32.0 for n in range(_NA)]
_LN2 = 0.6931471805599453
_SQRT2 = 1.4142135623730951


def _tc_dense_body(tref, oref, out_ref):
    X = oref[0, :, 0, :]
    Y = oref[0, :, 1, :]
    W = oref[0, :, 2, :]
    H = oref[0, :, 3, :]
    C = oref[0, :, 4, :]
    cellidx = lax.broadcasted_iota(jnp.int32, (_NA, _S), 1)
    ii = (cellidx % _NW).astype(jnp.float32)
    jj = (cellidx // _NW).astype(jnp.float32)
    rowidx = lax.broadcasted_iota(jnp.int32, (_NA, 1), 0)
    awcol = jnp.full((_NA, 1), _AWS[0], jnp.float32)
    ahcol = jnp.full((_NA, 1), _AHS[0], jnp.float32)
    for n in range(1, _NA):
        awcol = jnp.where(rowidx == n, _AWS[n], awcol)
        ahcol = jnp.where(rowidx == n, _AHS[n], ahcol)
    px = 1.0 / (1.0 + jnp.exp(-X)) + ii
    py = 1.0 / (1.0 + jnp.exp(-Y)) + jj
    pw = jnp.exp(W) * awcol
    ph = jnp.exp(H) * ahcol
    parea = pw * ph
    xl = px - pw / 2.0
    xr = px + pw / 2.0
    yl = py - ph / 2.0
    yr = py + ph / 2.0
    conf = 1.0 / (1.0 + jnp.exp(-C))

    def body(t, carry):
        anyh, vc = carry
        raw = tref[0, 0, 48 + t]
        vc = jnp.logical_and(vc, raw != 0.0)
        gxs = raw * 19.0
        gys = tref[0, 0, 96 + t] * 19.0
        gws = tref[0, 0, 144 + t] * 19.0
        ghs = tref[0, 0, 192 + t] * 19.0
        hgw = gws / 2.0
        hgh = ghs / 2.0
        mx = jnp.minimum(xl, gxs - hgw)
        Mx = jnp.maximum(xr, gxs + hgw)
        my = jnp.minimum(yl, gys - hgh)
        My = jnp.maximum(yr, gys + hgh)
        uw = Mx - mx
        uh = My - my
        cw = (pw + gws) - uw
        ch_ = (ph + ghs) - uh
        cond = (cw > 0.0) & (ch_ > 0.0) & ((cw * ch_) > _SIL_FACTOR * (parea + gws * ghs))
        anyh = jnp.maximum(anyh, jnp.where(jnp.logical_and(cond, vc), 1.0, 0.0))
        return anyh, vc

    anyh0 = jnp.zeros((_NA, _S), jnp.float32)
    anyh, _ = lax.fori_loop(0, _MAXO, body, (anyh0, jnp.asarray(True)),
                            unroll=6)
    cmb = 1.0 - anyh
    out_ref[0, 0, 0] = 0.5 * jnp.sum(cmb * conf * conf)


def _sc_log(v):
    bits = plsc.bitcast(v, jnp.int32)
    e = ((bits >> 23) & 0xFF) - 127
    mbits = (bits & 0x007FFFFF) | 0x3F800000
    mf = plsc.bitcast(mbits, jnp.float32)
    big = mf > _SQRT2
    mf = jnp.where(big, mf * 0.5, mf)
    e = e + big.astype(jnp.int32)
    r = (mf - 1.0) / (mf + 1.0)
    r2 = r * r
    p = 1.0 / 7.0 + r2 * (1.0 / 9.0)
    p = 1.0 / 5.0 + r2 * p
    p = 1.0 / 3.0 + r2 * p
    p = 1.0 + r2 * p
    return e.astype(jnp.float32) * _LN2 + 2.0 * r * p


def _sc_body(out3_hbm, tgt_hbm, out_hbm, obuf, trow, keys, orow):
    cid = lax.axis_index("c")
    sid = lax.axis_index("s")
    b = sid * 2 + cid
    pltpu.sync_copy(tgt_hbm.at[b], trow)
    pltpu.sync_copy(out3_hbm.at[b], obuf)

    acc = jnp.zeros((16,), jnp.float32)
    chunk_state = []
    for ci in range(2):
        toff = 16 * ci
        tv = jnp.arange(16, dtype=jnp.int32) + toff
        clsf = trow[0, pl.ds(toff, 16)]
        gxr = trow[1, pl.ds(toff, 16)]
        gyr = trow[2, pl.ds(toff, 16)]
        gwr = trow[3, pl.ds(toff, 16)]
        ghr = trow[4, pl.ds(toff, 16)]
        gx = gxr * 19.0
        gy = gyr * 19.0
        gw = gwr * 19.0
        gh = ghr * 19.0

        halfgw = gw / 2.0
        halfgh = gh / 2.0
        garea = gw * gh
        best_iou = jnp.zeros((16,), jnp.float32)
        bestn = jnp.zeros((16,), jnp.int32)
        awb = jnp.full((16,), _AWS[0], jnp.float32)
        ahb = jnp.full((16,), _AHS[0], jnp.float32)
        for n in range(_NA):
            aw_n, ah_n = _AWS[n], _AHS[n]
            mx = jnp.minimum(-aw_n / 2.0, -halfgw)
            Mx = jnp.maximum(aw_n / 2.0, halfgw)
            my = jnp.minimum(-ah_n / 2.0, -halfgh)
            My = jnp.maximum(ah_n / 2.0, halfgh)
            uw = Mx - mx
            uh = My - my
            cw = (aw_n + gw) - uw
            ch_ = (ah_n + gh) - uh
            carea = jnp.where((cw <= 0.0) | (ch_ <= 0.0), 0.0, cw * ch_)
            uarea = (aw_n * ah_n + garea) - carea
            iou = carea / uarea
            upd = iou > best_iou
            best_iou = jnp.where(upd, iou, best_iou)
            bestn = jnp.where(upd, n, bestn)
            awb = jnp.where(upd, aw_n, awb)
            ahb = jnp.where(upd, ah_n, ahb)

        gi = gx.astype(jnp.int32)
        gj = gy.astype(jnp.int32)
        gic = jnp.clip(gi, 0, _NW - 1)
        gjc = jnp.clip(gj, 0, _NH - 1)
        cell = gjc * _NW + gic
        key = bestn * _S + cell
        keys[pl.ds(toff, 16)] = key
        chunk_state.append((tv, clsf, gx, gy, gw, gh, halfgw, halfgh, garea,
                            bestn, awb, ahb, gi, gj, gic, gjc, cell, key))

    for ci in range(2):
        (tv, clsf, gx, gy, gw, gh, halfgw, halfgh, garea,
         bestn, awb, ahb, gi, gj, gic, gjc, cell, key) = chunk_state[ci]
        colbase = bestn * (_CH * _S) + cell
        xc = plsc.load_gather(obuf, [colbase])
        yc = plsc.load_gather(obuf, [colbase + _S])
        wc = plsc.load_gather(obuf, [colbase + 2 * _S])
        hc = plsc.load_gather(obuf, [colbase + 3 * _S])
        cc = plsc.load_gather(obuf, [colbase + 4 * _S])
        cvs = [plsc.load_gather(obuf, [colbase + (5 + k) * _S]) for k in range(_NC)]

        sxc = 1.0 / (1.0 + jnp.exp(-xc))
        syc = 1.0 / (1.0 + jnp.exp(-yc))
        scc = 1.0 / (1.0 + jnp.exp(-cc))
        pxg = sxc + gic.astype(jnp.float32)
        pyg = syc + gjc.astype(jnp.float32)
        pwg = jnp.exp(wc) * awb
        phg = jnp.exp(hc) * ahb
        parea_l = pwg * phg
        halfpw = pwg / 2.0
        halfph = phg / 2.0
        xl_l = pxg - halfpw
        xr_l = pxg + halfpw
        yl_l = pyg - halfph
        yr_l = pyg + halfph

        mx = jnp.minimum(gx - halfgw, xl_l)
        Mx = jnp.maximum(gx + halfgw, xr_l)
        my = jnp.minimum(gy - halfgh, yl_l)
        My = jnp.maximum(gy + halfgh, yr_l)
        uw = Mx - mx
        uh = My - my
        cw = (gw + pwg) - uw
        ch_ = (gh + phg) - uh
        carea = jnp.where((cw <= 0.0) | (ch_ <= 0.0), 0.0, cw * ch_)
        uarea = (garea + parea_l) - carea
        tconf = carea / uarea

        def body(t2, carry):
            anyh, win, validv, vc = carry
            raw = trow[1, pl.ds(t2, 16)][0]
            vc2 = jnp.logical_and(vc, raw != 0.0)
            gxs = raw * 19.0
            gys = trow[2, pl.ds(t2, 16)][0] * 19.0
            gws = trow[3, pl.ds(t2, 16)][0] * 19.0
            ghs = trow[4, pl.ds(t2, 16)][0] * 19.0
            hgw = gws * 0.5
            hgh = ghs * 0.5
            mx2 = jnp.minimum(xl_l, gxs - hgw)
            Mx2 = jnp.maximum(xr_l, gxs + hgw)
            my2 = jnp.minimum(yl_l, gys - hgh)
            My2 = jnp.maximum(yr_l, gys + hgh)
            uw2 = Mx2 - mx2
            uh2 = My2 - my2
            cw2 = (pwg + gws) - uw2
            ch2 = (phg + ghs) - uh2
            cond = (cw2 > 0.0) & (ch2 > 0.0) & ((cw2 * ch2) > _SIL_FACTOR * (parea_l + gws * ghs))
            anyh = anyh | (cond & vc2)
            keyt = keys[pl.ds(t2, 16)][0]
            over = (keyt == key) & (t2 > tv) & vc2
            win = win & jnp.logical_not(over)
            validv = validv | ((tv == t2) & vc2)
            return anyh, win, validv, vc2

        anyh, win, validv, _ = lax.fori_loop(
            0, _MAXO, body,
            (jnp.zeros((16,), jnp.bool_), jnp.ones((16,), jnp.bool_),
             jnp.zeros((16,), jnp.bool_), jnp.asarray(True)))
        win = win & validv
        cmb = jnp.where(anyh, 0.0, 1.0)

        txv = gx - gi.astype(jnp.float32)
        tyv = gy - gj.astype(jnp.float32)
        twv = _sc_log(gw / awb)
        thv = _sc_log(gh / ahb)
        dx = sxc - txv
        dy = syc - tyv
        dw = wc - twv
        dh = hc - thv
        coord = dx * dx + dy * dy + dw * dw + dh * dh
        dconf = scc - tconf
        confc = _OBJ * dconf * dconf - cmb * scc * scc

        m = cvs[0]
        for k in range(1, _NC):
            m = jnp.maximum(m, cvs[k])
        ssum = jnp.exp(cvs[0] - m)
        for k in range(1, _NC):
            ssum = ssum + jnp.exp(cvs[k] - m)
        lse = m + _sc_log(ssum)
        ci_idx = clsf.astype(jnp.int32)
        picked = jnp.zeros((16,), jnp.float32)
        for k in range(_NC):
            picked = jnp.where(ci_idx == k, cvs[k], picked)

        term = 0.5 * coord + 0.5 * confc + (lse - picked)
        acc = acc + jnp.where(win, term, 0.0)

    orow[...] = acc
    pltpu.sync_copy(orow, out_hbm.at[b])


@functools.cache
def _sc_call():
    return pl.kernel(
        _sc_body,
        out_type=jax.ShapeDtypeStruct((_NB, 16), jnp.float32),
        mesh=plsc.VectorSubcoreMesh(core_axis_name="c", subcore_axis_name="s"),
        compiler_params=pltpu.CompilerParams(needs_layout_passes=False),
        scratch_types=[
            pltpu.VMEM((_NA * _CH * _S,), jnp.float32),
            pltpu.VMEM((5, 48), jnp.float32),
            pltpu.VMEM((48,), jnp.int32),
            pltpu.VMEM((16,), jnp.float32),
        ],
    )

_TC_CALL = pl.pallas_call(
    _tc_dense_body,
    grid=(_NB,),
    in_specs=[
        pl.BlockSpec((1, 1, 240), lambda b: (b, 0, 0), memory_space=pltpu.SMEM),
        pl.BlockSpec((1, _NA, 5, _S), lambda b: (b, 0, 0, 0)),
    ],
    out_specs=pl.BlockSpec((1, 1, 1), lambda b: (b, 0, 0), memory_space=pltpu.SMEM),
    out_shape=jax.ShapeDtypeStruct((_NB, 1, 1), jnp.float32),
)


def kernel(output, target):
    out3 = output.reshape(_NB, _NA * _CH * _S)
    box = output.reshape(_NB, _NA, _CH, _NH, _NW)[:, :, 0:5, :, :].reshape(
        _NB, _NA, 5, _S)
    t3 = jnp.pad(target.reshape(_NB, _MAXO, 5).transpose(0, 2, 1),
                 ((0, 0), (0, 0), (0, 18)))
    t240 = t3.reshape(_NB, 1, 240)
    dense = _TC_CALL(t240, box)
    sparse = _sc_call()(out3, t3)
    return jnp.sum(dense) + jnp.sum(sparse)

# --- scband reference (transcript-rebuilt; emitter-appended) ---
"""Pipeline reference for scband-region-layer-14302241095754 (READ-ONLY COPY).

The authoritative reference and input builder live on the scoring server;
editing this copy changes nothing except your own understanding.
"""

import jax, jax.numpy as jnp
import numpy as np
import math

NUM_ANCHORS = 5
NUM_CLASSES = 20
STRIDE = 32
ANCHORS_PX = [42.3072, 55.4064, 102.168, 128.302, 161.788, 259.165, 303.076, 154.897, 359.565, 320.227]
NOOBJECT_SCALE = 1.0
OBJECT_SCALE = 5.0
SIL_THRESH = 0.6
SEEN = 20000
MAX_OBJECT = 30
COORD_SCALE = 1.0
CLASS_SCALE = 1.0
NB = 32
NH = 19
NW = 19


def bbox_ious_np(boxes1, boxes2):
    mx = np.minimum(boxes1[0] - boxes1[2] / 2.0, boxes2[0] - boxes2[2] / 2.0)
    Mx = np.maximum(boxes1[0] + boxes1[2] / 2.0, boxes2[0] + boxes2[2] / 2.0)
    my = np.minimum(boxes1[1] - boxes1[3] / 2.0, boxes2[1] - boxes2[3] / 2.0)
    My = np.maximum(boxes1[1] + boxes1[3] / 2.0, boxes2[1] + boxes2[3] / 2.0)
    w1 = boxes1[2]; h1 = boxes1[3]; w2 = boxes2[2]; h2 = boxes2[3]
    uw = Mx - mx; uh = My - my
    cw = w1 + w2 - uw; ch = h1 + h2 - uh
    carea = np.where((cw <= 0) | (ch <= 0), 0.0, cw * ch)
    uarea = w1 * h1 + w2 * h2 - carea
    return carea / uarea


def bbox_iou_single(box1, box2):
    mx = min(box1[0] - box1[2] / 2.0, box2[0] - box2[2] / 2.0)
    Mx = max(box1[0] + box1[2] / 2.0, box2[0] + box2[2] / 2.0)
    my = min(box1[1] - box1[3] / 2.0, box2[1] - box2[3] / 2.0)
    My = max(box1[1] + box1[3] / 2.0, box2[1] + box2[3] / 2.0)
    w1 = box1[2]; h1 = box1[3]; w2 = box2[2]; h2 = box2[3]
    uw = Mx - mx; uh = My - my
    cw = w1 + w2 - uw; ch = h1 + h2 - uh
    if cw <= 0 or ch <= 0:
        return 0.0
    carea = cw * ch
    uarea = w1 * h1 + w2 * h2 - carea
    return float(carea / uarea)


def build_targets_np(pred_boxes, target, anchors, nA, nC, nH, nW, noobject_scale, object_scale, sil_thresh, seen, max_object):
    nB = target.shape[0]
    anchor_step = len(anchors) // nA
    conf_mask = np.ones((nB, nA, nH, nW), np.float32) * noobject_scale
    coord_mask = np.zeros((nB, nA, nH, nW), np.float32)
    cls_mask = np.zeros((nB, nA, nH, nW), np.float32)
    tx = np.zeros((nB, nA, nH, nW), np.float32)
    ty = np.zeros((nB, nA, nH, nW), np.float32)
    tw = np.zeros((nB, nA, nH, nW), np.float32)
    th = np.zeros((nB, nA, nH, nW), np.float32)
    tconf = np.zeros((nB, nA, nH, nW), np.float32)
    tcls = np.zeros((nB, nA, nH, nW), np.float32)
    nAnchors = nA * nH * nW
    nPixels = nH * nW
    for b in range(nB):
        cur_pred_boxes = pred_boxes[b * nAnchors:(b + 1) * nAnchors].T
        cur_ious = np.zeros(nAnchors, np.float32)
        for t in range(max_object):
            if target[b, t * 5 + 1] == 0:
                break
            gx = target[b, t * 5 + 1] * nW
            gy = target[b, t * 5 + 2] * nH
            gw = target[b, t * 5 + 3] * nW
            gh = target[b, t * 5 + 4] * nH
            cur_gt_boxes = np.tile(np.array([gx, gy, gw, gh], np.float32)[:, None], (1, nAnchors))
            cur_ious = np.maximum(cur_ious, bbox_ious_np(cur_pred_boxes, cur_gt_boxes))
        conf_mask[b][(cur_ious > sil_thresh).reshape(nA, nH, nW)] = 0.0
    if seen < 12800:
        tx.fill(0.5); ty.fill(0.5); tw.fill(0.0); th.fill(0.0); coord_mask.fill(1.0)
    nGT = 0; nCorrect = 0
    for b in range(nB):
        for t in range(max_object):
            if target[b, t * 5 + 1] == 0:
                break
            nGT += 1
            best_iou = 0.0; best_n = -1
            gx = target[b, t * 5 + 1] * nW
            gy = target[b, t * 5 + 2] * nH
            gi = int(gx); gj = int(gy)
            gw = target[b, t * 5 + 3] * nW
            gh = target[b, t * 5 + 4] * nH
            gt_box = [0.0, 0.0, gw, gh]
            for n in range(nA):
                aw = anchors[anchor_step * n]; ah = anchors[anchor_step * n + 1]
                iou = bbox_iou_single([0.0, 0.0, aw, ah], gt_box)
                if iou > best_iou:
                    best_iou = iou; best_n = n
            gt_box = [gx, gy, gw, gh]
            pred_box = pred_boxes[b * nAnchors + best_n * nPixels + gj * nW + gi]
            coord_mask[b, best_n, gj, gi] = 1.0
            cls_mask[b, best_n, gj, gi] = 1.0
            conf_mask[b, best_n, gj, gi] = object_scale
            tx[b, best_n, gj, gi] = gx - gi
            ty[b, best_n, gj, gi] = gy - gj
            tw[b, best_n, gj, gi] = math.log(gw / anchors[anchor_step * best_n])
            th[b, best_n, gj, gi] = math.log(gh / anchors[anchor_step * best_n + 1])
            iou = bbox_iou_single(gt_box, pred_box)
            tconf[b, best_n, gj, gi] = iou
            tcls[b, best_n, gj, gi] = target[b, t * 5]
            if iou > 0.5:
                nCorrect += 1
    return nGT, nCorrect, coord_mask, conf_mask, cls_mask, tx, ty, tw, th, tconf, tcls


def _build_constants(output_np, target_np, nA, nC, nH, nW):
    nB = output_np.shape[0]
    anchors = [a / STRIDE for a in ANCHORS_PX]
    out = output_np.reshape(nB, nA, 5 + nC, nH, nW)
    xn = 1.0 / (1.0 + np.exp(-out[:, :, 0]))
    yn = 1.0 / (1.0 + np.exp(-out[:, :, 1]))
    wn = out[:, :, 2]; hn = out[:, :, 3]
    grid_x = np.tile(np.tile(np.arange(nW, dtype=np.float32), (nH, 1)).reshape(-1), nB * nA)
    grid_y = np.tile(np.tile(np.arange(nH, dtype=np.float32)[:, None], (1, nW)).reshape(-1), nB * nA)
    aw = np.array(anchors, np.float32).reshape(nA, 2)[:, 0]
    ah = np.array(anchors, np.float32).reshape(nA, 2)[:, 1]
    aw_flat = np.tile(np.repeat(aw, nH * nW), nB)
    ah_flat = np.tile(np.repeat(ah, nH * nW), nB)
    pred_boxes = np.stack([xn.reshape(-1) + grid_x, yn.reshape(-1) + grid_y,
                           np.exp(wn.reshape(-1)) * aw_flat, np.exp(hn.reshape(-1)) * ah_flat], axis=1).astype(np.float32)
    return build_targets_np(pred_boxes, target_np, anchors, nA, nC, nH, nW,
                            NOOBJECT_SCALE, OBJECT_SCALE, SIL_THRESH, SEEN, MAX_OBJECT)


def setup_inputs(seed: int = 0):
    key = jax.random.key(seed)
    k1, k2, k3, k4 = jax.random.split(key, 4)
    output = jax.random.normal(k1, (NB, NUM_ANCHORS * (5 + NUM_CLASSES), NH, NW), dtype=jnp.float32) * 0.5
    cls = jax.random.uniform(k2, (NB, MAX_OBJECT, 1), minval=0.0, maxval=float(NUM_CLASSES), dtype=jnp.float32)
    xy = jax.random.uniform(k3, (NB, MAX_OBJECT, 2), minval=0.05, maxval=0.95, dtype=jnp.float32)
    wh = jax.random.uniform(k4, (NB, MAX_OBJECT, 2), minval=0.05, maxval=0.3, dtype=jnp.float32)
    target = jnp.concatenate([cls, xy, wh], axis=2).reshape(NB, MAX_OBJECT * 5)
    return {"output": output, "target": target}


def reference(output, target):
    nB, _, nH, nW = output.shape
    nA = NUM_ANCHORS; nC = NUM_CLASSES
    out = jnp.reshape(output, (nB, nA, 5 + nC, nH, nW))
    x = jax.nn.sigmoid(out[:, :, 0])
    y = jax.nn.sigmoid(out[:, :, 1])
    w = out[:, :, 2]
    h = out[:, :, 3]
    conf = jax.nn.sigmoid(out[:, :, 4])
    cls_ = jnp.transpose(jnp.reshape(out[:, :, 5:], (nB * nA, nC, nH * nW)), (0, 2, 1)).reshape(nB * nA * nH * nW, nC)

    anchors = jnp.asarray([a / STRIDE for a in ANCHORS_PX], jnp.float32)
    aw = anchors[0::2]
    ah = anchors[1::2]
    grid_x = jnp.tile(jnp.arange(nW, dtype=jnp.float32)[None, :], (nH, 1))
    grid_y = jnp.tile(jnp.arange(nH, dtype=jnp.float32)[:, None], (1, nW))
    px = x + grid_x
    py = y + grid_y
    pw = jnp.exp(w) * aw[None, :, None, None]
    ph = jnp.exp(h) * ah[None, :, None, None]

    tgt = jnp.reshape(target, (nB, MAX_OBJECT, 5))
    valid = jnp.cumprod((tgt[:, :, 1] != 0).astype(jnp.float32), axis=1) > 0
    gx = tgt[:, :, 1] * nW
    gy = tgt[:, :, 2] * nH
    gw = tgt[:, :, 3] * nW
    gh = tgt[:, :, 4] * nH

    def box_iou(x1, y1, w1, h1, x2, y2, w2, h2):
        mx = jnp.minimum(x1 - w1 / 2.0, x2 - w2 / 2.0)
        Mx = jnp.maximum(x1 + w1 / 2.0, x2 + w2 / 2.0)
        my = jnp.minimum(y1 - h1 / 2.0, y2 - h2 / 2.0)
        My = jnp.maximum(y1 + h1 / 2.0, y2 + h2 / 2.0)
        uw = Mx - mx; uh = My - my
        cw = w1 + w2 - uw; ch = h1 + h2 - uh
        carea = jnp.where((cw <= 0) | (ch <= 0), 0.0, cw * ch)
        uarea = w1 * h1 + w2 * h2 - carea
        return carea / uarea

    ious_all = box_iou(px[:, None], py[:, None], pw[:, None], ph[:, None],
                       gx[:, :, None, None, None], gy[:, :, None, None, None],
                       gw[:, :, None, None, None], gh[:, :, None, None, None])
    cur_ious = jnp.max(jnp.where(valid[:, :, None, None, None], ious_all, 0.0), axis=1)
    conf_mask = jnp.where(cur_ious > SIL_THRESH, jnp.float32(0.0),
                          jnp.full((nB, nA, nH, nW), NOOBJECT_SCALE, jnp.float32))
    coord_mask = jnp.zeros((nB, nA, nH, nW), jnp.float32)
    cls_mask = jnp.zeros((nB, nA, nH, nW), jnp.float32)
    tx = jnp.zeros((nB, nA, nH, nW), jnp.float32)
    ty = jnp.zeros((nB, nA, nH, nW), jnp.float32)
    tw = jnp.zeros((nB, nA, nH, nW), jnp.float32)
    th = jnp.zeros((nB, nA, nH, nW), jnp.float32)
    tconf = jnp.zeros((nB, nA, nH, nW), jnp.float32)
    tcls = jnp.zeros((nB, nA, nH, nW), jnp.float32)
    if SEEN < 12800:
        tx = jnp.full_like(tx, 0.5)
        ty = jnp.full_like(ty, 0.5)
        tw = jnp.zeros_like(tw)
        th = jnp.zeros_like(th)
        coord_mask = jnp.ones_like(coord_mask)

    a_ious = box_iou(jnp.float32(0.0), jnp.float32(0.0), aw[None, None, :], ah[None, None, :],
                     jnp.float32(0.0), jnp.float32(0.0), gw[:, :, None], gh[:, :, None])
    best_n = jnp.argmax(a_ious, axis=2).astype(jnp.int32)
    gi = jnp.floor(gx).astype(jnp.int32)
    gj = jnp.floor(gy).astype(jnp.int32)
    bi = jnp.arange(nB)
    aw_b = aw[best_n]
    ah_b = ah[best_n]
    tx_v = gx - gi.astype(jnp.float32)
    ty_v = gy - gj.astype(jnp.float32)
    tw_v = jnp.log(gw / aw_b)
    th_v = jnp.log(gh / ah_b)
    px_g = px[bi[:, None], best_n, gj, gi]
    py_g = py[bi[:, None], best_n, gj, gi]
    pw_g = pw[bi[:, None], best_n, gj, gi]
    ph_g = ph[bi[:, None], best_n, gj, gi]
    tconf_v = box_iou(gx, gy, gw, gh, px_g, py_g, pw_g, ph_g)
    tcls_v = tgt[:, :, 0]

    def body(t, arrs):
        cm, clm, cfm, txA, tyA, twA, thA, tcA, tclA = arrs
        idx = (bi, best_n[:, t], gj[:, t], gi[:, t])
        v = valid[:, t]

        def upd(arr, val):
            old = arr[idx]
            return arr.at[idx].set(jnp.where(v, val, old))

        cm = upd(cm, jnp.float32(1.0))
        clm = upd(clm, jnp.float32(1.0))
        cfm = upd(cfm, jnp.float32(OBJECT_SCALE))
        txA = upd(txA, tx_v[:, t])
        tyA = upd(tyA, ty_v[:, t])
        twA = upd(twA, tw_v[:, t])
        thA = upd(thA, th_v[:, t])
        tcA = upd(tcA, tconf_v[:, t])
        tclA = upd(tclA, tcls_v[:, t])
        return (cm, clm, cfm, txA, tyA, twA, thA, tcA, tclA)

    (coord_mask, cls_mask, conf_mask, tx, ty, tw, th, tconf, tcls) = jax.lax.fori_loop(
        0, MAX_OBJECT, body,
        (coord_mask, cls_mask, conf_mask, tx, ty, tw, th, tconf, tcls))

    conf_mask_s = jnp.sqrt(conf_mask)
    cm = coord_mask
    loss_x = COORD_SCALE * jnp.sum((x * cm - tx * cm) ** 2) / 2.0
    loss_y = COORD_SCALE * jnp.sum((y * cm - ty * cm) ** 2) / 2.0
    loss_w = COORD_SCALE * jnp.sum((w * cm - tw * cm) ** 2) / 2.0
    loss_h = COORD_SCALE * jnp.sum((h * cm - th * cm) ** 2) / 2.0
    cms = conf_mask_s
    loss_conf = jnp.sum((conf * cms - tconf * cms) ** 2) / 2.0
    mask_flat = (cls_mask == 1).reshape(-1)
    tcls_idx = tcls.reshape(-1).astype(jnp.int32)
    lse = jax.nn.logsumexp(cls_, axis=1)
    picked = jnp.take_along_axis(cls_, tcls_idx[:, None], axis=1)[:, 0]
    loss_cls = CLASS_SCALE * jnp.sum(jnp.where(mask_flat, lse - picked, jnp.float32(0.0)))
    return loss_x + loss_y + loss_w + loss_h + loss_conf + loss_cls

if __name__ == "__main__":
    import jax
    _d = setup_inputs()
    print(jax.jit(kernel)(*tuple(_d.values())))

</pallas_src>

<mosaic_0001>
#map = affine_map<(d0, d1) -> (0, 0)>
#map1 = affine_map<(d0, d1) -> (0, 0, 0)>
module attributes {stable_mosaic.version = 14 : i64} {
  func.func @_sc_body(%arg0: i32, %arg1: i32, %arg2: memref<32x45125xf32, #tpu.memory_space<hbm>>, %arg3: memref<32x5x48xf32, #tpu.memory_space<hbm>>, %arg4: memref<32x16xf32, #tpu.memory_space<hbm>>, %arg5: memref<45125xf32, #tpu.memory_space<vmem>>, %arg6: memref<5x48xf32, #tpu.memory_space<vmem>>, %arg7: memref<48xi32, #tpu.memory_space<vmem>>, %arg8: memref<16xf32, #tpu.memory_space<vmem>>) attributes {dimension_semantics = [#tpu.dimension_semantics<core_parallel>, #tpu.dimension_semantics<subcore_parallel>], iteration_bounds = array<i64: 2, 16>, scalar_prefetch = 0 : i64, scratch_operands = 4 : i64, tpu.core_type = #tpu.core_type<sc_vector_subcore>, window_params = [{transform_indices = #map}, {transform_indices = #map1}, {transform_indices = #map}]} {
    %mul3A = arith.constant 2 : i32
    %mul3A_0 = arith.muli %arg1, %mul3A : i32
    %add3A = arith.addi %mul3A_0, %arg0 : i32
    "tpu.region"() ({
      %run_scoped3A = tpu.sem_alloc : memref<!tpu.dma_semaphore, #tpu.memory_space<semaphore_mem>>
      %dma_start3A = arith.constant 0 : i32
      %dma_start3A_1843 = arith.constant 0 : i32
      %dma_start3A_1844 = tpu.memref_slice %arg3[%add3A, %dma_start3A, %dma_start3A_1843] : memref<32x5x48xf32, #tpu.memory_space<hbm>> -> memref<1x5x48xf32, #tpu.memory_space<hbm>>
      %dma_start3A_1845 = tpu.memref_squeeze %dma_start3A_1844 : memref<1x5x48xf32, #tpu.memory_space<hbm>> -> memref<5x48xf32, #tpu.memory_space<hbm>>
      %dma_start3A_1846 = arith.constant 0 : i32
      %dma_start3A_1847 = arith.constant 0 : i32
      %dma_start3A_1848 = tpu.memref_slice %arg3[%add3A, %dma_start3A_1846, %dma_start3A_1847] : memref<32x5x48xf32, #tpu.memory_space<hbm>> -> memref<1x5x48xf32, #tpu.memory_space<hbm>>
      %dma_start3A_1849 = tpu.memref_squeeze %dma_start3A_1848 : memref<1x5x48xf32, #tpu.memory_space<hbm>> -> memref<5x48xf32, #tpu.memory_space<hbm>>
      tpu.enqueue_dma source(%dma_start3A_1849 : memref<5x48xf32, #tpu.memory_space<hbm>>) target(%arg6 : memref<5x48xf32, #tpu.memory_space<vmem>>) target_semaphore(%run_scoped3A : memref<!tpu.dma_semaphore, #tpu.memory_space<semaphore_mem>>)
      %dma_wait3A = arith.constant 0 : i32
      %dma_wait3A_1850 = arith.constant 0 : i32
      %dma_wait3A_1851 = tpu.memref_slice %arg3[%add3A, %dma_wait3A, %dma_wait3A_1850] : memref<32x5x48xf32, #tpu.memory_space<hbm>> -> memref<1x5x48xf32, #tpu.memory_space<hbm>>
      %dma_wait3A_1852 = tpu.memref_squeeze %dma_wait3A_1851 : memref<1x5x48xf32, #tpu.memory_space<hbm>> -> memref<5x48xf32, #tpu.memory_space<hbm>>
      %dma_wait3A_1853 = arith.constant 0 : i32
      %dma_wait3A_1854 = arith.constant 0 : i32
      %dma_wait3A_1855 = tpu.memref_slice %arg3[%add3A, %dma_wait3A_1853, %dma_wait3A_1854] : memref<32x5x48xf32, #tpu.memory_space<hbm>> -> memref<1x5x48xf32, #tpu.memory_space<hbm>>
      %dma_wait3A_1856 = tpu.memref_squeeze %dma_wait3A_1855 : memref<1x5x48xf32, #tpu.memory_space<hbm>> -> memref<5x48xf32, #tpu.memory_space<hbm>>
      tpu.wait_dma2 semaphore(%run_scoped3A : memref<!tpu.dma_semaphore, #tpu.memory_space<semaphore_mem>>) src(%dma_wait3A_1856 : memref<5x48xf32, #tpu.memory_space<hbm>>) dst(%arg6 : memref<5x48xf32, #tpu.memory_space<vmem>>)
      tpu.yield
    }) : () -> ()
    "tpu.region"() ({
      %run_scoped3A = tpu.sem_alloc : memref<!tpu.dma_semaphore, #tpu.memory_space<semaphore_mem>>
      %dma_start3A = arith.constant 0 : i32
      %dma_start3A_1843 = tpu.memref_slice %arg2[%add3A, %dma_start3A] : memref<32x45125xf32, #tpu.memory_space<hbm>> -> memref<1x45125xf32, #tpu.memory_space<hbm>>
      %dma_start3A_1844 = tpu.memref_squeeze %dma_start3A_1843 : memref<1x45125xf32, #tpu.memory_space<hbm>> -> memref<45125xf32, #tpu.memory_space<hbm>>
      %dma_start3A_1845 = arith.constant 0 : i32
      %dma_start3A_1846 = tpu.memref_slice %arg2[%add3A, %dma_start3A_1845] : memref<32x45125xf32, #tpu.memory_space<hbm>> -> memref<1x45125xf32, #tpu.memory_space<hbm>>
      %dma_start3A_1847 = tpu.memref_squeeze %dma_start3A_1846 : memref<1x45125xf32, #tpu.memory_space<hbm>> -> memref<45125xf32, #tpu.memory_space<hbm>>
      tpu.enqueue_dma source(%dma_start3A_1847 : memref<45125xf32, #tpu.memory_space<hbm>>) target(%arg5 : memref<45125xf32, #tpu.memory_space<vmem>>) target_semaphore(%run_scoped3A : memref<!tpu.dma_semaphore, #tpu.memory_space<semaphore_mem>>)
      %dma_wait3A = arith.constant 0 : i32
      %dma_wait3A_1848 = tpu.memref_slice %arg2[%add3A, %dma_wait3A] : memref<32x45125xf32, #tpu.memory_space<hbm>> -> memref<1x45125xf32, #tpu.memory_space<hbm>>
      %dma_wait3A_1849 = tpu.memref_squeeze %dma_wait3A_1848 : memref<1x45125xf32, #tpu.memory_space<hbm>> -> memref<45125xf32, #tpu.memory_space<hbm>>
      %dma_wait3A_1850 = arith.constant 0 : i32
      %dma_wait3A_1851 = tpu.memref_slice %arg2[%add3A, %dma_wait3A_1850] : memref<32x45125xf32, #tpu.memory_space<hbm>> -> memref<1x45125xf32, #tpu.memory_space<hbm>>
      %dma_wait3A_1852 = tpu.memref_squeeze %dma_wait3A_1851 : memref<1x45125xf32, #tpu.memory_space<hbm>> -> memref<45125xf32, #tpu.memory_space<hbm>>
      tpu.wait_dma2 semaphore(%run_scoped3A : memref<!tpu.dma_semaphore, #tpu.memory_space<semaphore_mem>>) src(%dma_wait3A_1852 : memref<45125xf32, #tpu.memory_space<hbm>>) dst(%arg5 : memref<45125xf32, #tpu.memory_space<vmem>>)
      tpu.yield
    }) : () -> ()
    %broadcast_in_dim3A = arith.constant 0.000000e+00 : f32
    %broadcast_in_dim3A_1 = vector.broadcast %broadcast_in_dim3A : f32 to vector<16xf32>
    %iota3A = tpu.iota {dimensions = array<i32: 0>} : vector<16xi32>
    %add3A_2 = arith.constant 0 : i32
    %add3A_3 = vector.broadcast %add3A_2 : i32 to vector<16xi32>
    %add3A_4 = arith.addi %iota3A, %add3A_3 : vector<16xi32>
    %get3A = arith.constant 0 : i32
    %get3A_5 = arith.index_cast %get3A : i32 to index
    %get3A_6 = arith.constant 0 : index
    %get3A_7 = tpu.vector_load %arg6[%get3A_5, %get3A_6] {strides = array<i32>} : memref<5x48xf32, #tpu.memory_space<vmem>>, vector<16xf32>,
    %get3A_8 = arith.constant 1 : i32
    %get3A_9 = arith.index_cast %get3A_8 : i32 to index
    %get3A_10 = arith.constant 0 : index
    %get3A_11 = tpu.vector_load %arg6[%get3A_9, %get3A_10] {strides = array<i32>} : memref<5x48xf32, #tpu.memory_space<vmem>>, vector<16xf32>,
    %get3A_12 = arith.constant 2 : i32
    %get3A_13 = arith.index_cast %get3A_12 : i32 to index
    %get3A_14 = arith.constant 0 : index
    %get3A_15 = tpu.vector_load %arg6[%get3A_13, %get3A_14] {strides = array<i32>} : memref<5x48xf32, #tpu.memory_space<vmem>>, vector<16xf32>,
    %get3A_16 = arith.constant 3 : i32
    %get3A_17 = arith.index_cast %get3A_16 : i32 to index
    %get3A_18 = arith.constant 0 : index
    %get3A_19 = tpu.vector_load %arg6[%get3A_17, %get3A_18] {strides = array<i32>} : memref<5x48xf32, #tpu.memory_space<vmem>>, vector<16xf32>,
    %get3A_20 = arith.constant 4 : i32
    %get3A_21 = arith.index_cast %get3A_20 : i32 to index
    %get3A_22 = arith.constant 0 : index
    %get3A_23 = tpu.vector_load %arg6[%get3A_21, %get3A_22] {strides = array<i32>} : memref<5x48xf32, #tpu.memory_space<vmem>>, vector<16xf32>,
    %mul3A_24 = arith.constant 1.900000e+01 : f32
    %mul3A_25 = vector.broadcast %mul3A_24 : f32 to vector<16xf32>
    %mul3A_26 = arith.mulf %get3A_11, %mul3A_25 : vector<16xf32>
    %mul3A_27 = arith.constant 1.900000e+01 : f32
    %mul3A_28 = vector.broadcast %mul3A_27 : f32 to vector<16xf32>
    %mul3A_29 = arith.mulf %get3A_15, %mul3A_28 : vector<16xf32>
    %mul3A_30 = arith.constant 1.900000e+01 : f32
    %mul3A_31 = vector.broadcast %mul3A_30 : f32 to vector<16xf32>
    %mul3A_32 = arith.mulf %get3A_19, %mul3A_31 : vector<16xf32>
    %mul3A_33 = arith.constant 1.900000e+01 : f32
    %mul3A_34 = vector.broadcast %mul3A_33 : f32 to vector<16xf32>
    %mul3A_35 = arith.mulf %get3A_23, %mul3A_34 : vector<16xf32>
    %div3A = arith.constant 2.000000e+00 : f32
    %div3A_36 = vector.broadcast %div3A : f32 to vector<16xf32>
    %div3A_37 = arith.divf %mul3A_32, %div3A_36 : vector<16xf32>
    %div3A_38 = arith.constant 2.000000e+00 : f32
    %div3A_39 = vector.broadcast %div3A_38 : f32 to vector<16xf32>
    %div3A_40 = arith.divf %mul3A_35, %div3A_39 : vector<16xf32>
    %mul3A_41 = arith.mulf %mul3A_32, %mul3A_35 : vector<16xf32>
    %broadcast_in_dim3A_42 = arith.constant 0.000000e+00 : f32
    %broadcast_in_dim3A_43 = vector.broadcast %broadcast_in_dim3A_42 : f32 to vector<16xf32>
    %broadcast_in_dim3A_44 = arith.constant 0 : i32
    %broadcast_in_dim3A_45 = vector.broadcast %broadcast_in_dim3A_44 : i32 to vector<16xi32>
    %broadcast_in_dim3A_46 = arith.constant 1.322100e+00 : f32
    %broadcast_in_dim3A_47 = vector.broadcast %broadcast_in_dim3A_46 : f32 to vector<16xf32>
    %broadcast_in_dim3A_48 = arith.constant 1.731450e+00 : f32
    %broadcast_in_dim3A_49 = vector.broadcast %broadcast_in_dim3A_48 : f32 to vector<16xf32>
    %neg3A = arith.constant 0.000000e+00 : f32
    %neg3A_50 = vector.broadcast %neg3A : f32 to vector<16xf32>
    %neg3A_51 = arith.subf %neg3A_50, %div3A_37 : vector<16xf32>
    %min3A = arith.constant -6.610500e-01 : f32
    %min3A_52 = vector.broadcast %min3A : f32 to vector<16xf32>
    %min3A_53 = arith.minimumf %min3A_52, %neg3A_51 : vector<16xf32>
    %max3A = arith.constant 6.610500e-01 : f32
    %max3A_54 = vector.broadcast %max3A : f32 to vector<16xf32>
    %max3A_55 = arith.maximumf %max3A_54, %div3A_37 : vector<16xf32>
    %neg3A_56 = arith.constant 0.000000e+00 : f32
    %neg3A_57 = vector.broadcast %neg3A_56 : f32 to vector<16xf32>
    %neg3A_58 = arith.subf %neg3A_57, %div3A_40 : vector<16xf32>
    %min3A_59 = arith.constant -0.86572498 : f32
    %min3A_60 = vector.broadcast %min3A_59 : f32 to vector<16xf32>
    %min3A_61 = arith.minimumf %min3A_60, %neg3A_58 : vector<16xf32>
    %max3A_62 = arith.constant 0.86572498 : f32
    %max3A_63 = vector.broadcast %max3A_62 : f32 to vector<16xf32>
    %max3A_64 = arith.maximumf %max3A_63, %div3A_40 : vector<16xf32>
    %sub3A = arith.subf %max3A_55, %min3A_53 : vector<16xf32>
    %sub3A_65 = arith.subf %max3A_64, %min3A_61 : vector<16xf32>
    %add3A_66 = arith.constant 1.322100e+00 : f32
    %add3A_67 = vector.broadcast %add3A_66 : f32 to vector<16xf32>
    %add3A_68 = arith.addf %add3A_67, %mul3A_32 : vector<16xf32>
    %sub3A_69 = arith.subf %add3A_68, %sub3A : vector<16xf32>
    %add3A_70 = arith.constant 1.731450e+00 : f32
    %add3A_71 = vector.broadcast %add3A_70 : f32 to vector<16xf32>
    %add3A_72 = arith.addf %add3A_71, %mul3A_35 : vector<16xf32>
    %sub3A_73 = arith.subf %add3A_72, %sub3A_65 : vector<16xf32>
    %le3A = arith.constant 0.000000e+00 : f32
    %le3A_74 = vector.broadcast %le3A : f32 to vector<16xf32>
    %le3A_75 = arith.cmpf ole, %sub3A_69, %le3A_74 : vector<16xf32>
    %le3A_76 = arith.constant 0.000000e+00 : f32
    %le3A_77 = vector.broadcast %le3A_76 : f32 to vector<16xf32>
    %le3A_78 = arith.cmpf ole, %sub3A_73, %le3A_77 : vector<16xf32>
    %or3A = arith.ori %le3A_75, %le3A_78 : vector<16xi1>
    %mul3A_79 = arith.mulf %sub3A_69, %sub3A_73 : vector<16xf32>
    %jit3A = arith.constant 0.000000e+00 : f32
    %broadcast_in_dim3A_80 = vector.broadcast %jit3A : f32 to vector<16xf32>
    %select_n3A = arith.select %or3A, %broadcast_in_dim3A_80, %mul3A_79 : vector<16xi1>, vector<16xf32>
    %add3A_81 = arith.constant 2.289150e+00 : f32
    %add3A_82 = vector.broadcast %add3A_81 : f32 to vector<16xf32>
    %add3A_83 = arith.addf %add3A_82, %mul3A_41 : vector<16xf32>
    %sub3A_84 = arith.subf %add3A_83, %select_n3A : vector<16xf32>
    %div3A_85 = arith.divf %select_n3A, %sub3A_84 : vector<16xf32>
    %gt3A = arith.cmpf ogt, %div3A_85, %broadcast_in_dim3A_43 : vector<16xf32>
    %select_n3A_86 = arith.select %gt3A, %div3A_85, %broadcast_in_dim3A_43 : vector<16xi1>, vector<16xf32>
    %jit3A_87 = arith.constant 0 : i32
    %broadcast_in_dim3A_88 = vector.broadcast %jit3A_87 : i32 to vector<16xi32>
    %select_n3A_89 = arith.select %gt3A, %broadcast_in_dim3A_88, %broadcast_in_dim3A_45 : vector<16xi1>, vector<16xi32>
    %jit3A_90 = arith.constant 1.322100e+00 : f32
    %broadcast_in_dim3A_91 = vector.broadcast %jit3A_90 : f32 to vector<16xf32>
    %select_n3A_92 = arith.select %gt3A, %broadcast_in_dim3A_91, %broadcast_in_dim3A_47 : vector<16xi1>, vector<16xf32>
    %jit3A_93 = arith.constant 1.731450e+00 : f32
    %broadcast_in_dim3A_94 = vector.broadcast %jit3A_93 : f32 to vector<16xf32>
    %select_n3A_95 = arith.select %gt3A, %broadcast_in_dim3A_94, %broadcast_in_dim3A_49 : vector<16xi1>, vector<16xf32>
    %neg3A_96 = arith.constant 0.000000e+00 : f32
    %neg3A_97 = vector.broadcast %neg3A_96 : f32 to vector<16xf32>
    %neg3A_98 = arith.subf %neg3A_97, %div3A_37 : vector<16xf32>
    %min3A_99 = arith.constant -1.59637499 : f32
    %min3A_100 = vector.broadcast %min3A_99 : f32 to vector<16xf32>
    %min3A_101 = arith.minimumf %min3A_100, %neg3A_98 : vector<16xf32>
    %max3A_102 = arith.constant 1.59637499 : f32
    %max3A_103 = vector.broadcast %max3A_102 : f32 to vector<16xf32>
    %max3A_104 = arith.maximumf %max3A_103, %div3A_37 : vector<16xf32>
    %neg3A_105 = arith.constant 0.000000e+00 : f32
    %neg3A_106 = vector.broadcast %neg3A_105 : f32 to vector<16xf32>
    %neg3A_107 = arith.subf %neg3A_106, %div3A_40 : vector<16xf32>
    %min3A_108 = arith.constant -2.00471878 : f32
    %min3A_109 = vector.broadcast %min3A_108 : f32 to vector<16xf32>
    %min3A_110 = arith.minimumf %min3A_109, %neg3A_107 : vector<16xf32>
    %max3A_111 = arith.constant 2.00471878 : f32
    %max3A_112 = vector.broadcast %max3A_111 : f32 to vector<16xf32>
    %max3A_113 = arith.maximumf %max3A_112, %div3A_40 : vector<16xf32>
    %sub3A_114 = arith.subf %max3A_104, %min3A_101 : vector<16xf32>
    %sub3A_115 = arith.subf %max3A_113, %min3A_110 : vector<16xf32>
    %add3A_116 = arith.constant 3.192750e+00 : f32
    %add3A_117 = vector.broadcast %add3A_116 : f32 to vector<16xf32>
    %add3A_118 = arith.addf %add3A_117, %mul3A_32 : vector<16xf32>
    %sub3A_119 = arith.subf %add3A_118, %sub3A_114 : vector<16xf32>
    %add3A_120 = arith.constant 4.00943756 : f32
    %add3A_121 = vector.broadcast %add3A_120 : f32 to vector<16xf32>
    %add3A_122 = arith.addf %add3A_121, %mul3A_35 : vector<16xf32>
    %sub3A_123 = arith.subf %add3A_122, %sub3A_115 : vector<16xf32>
    %le3A_124 = arith.constant 0.000000e+00 : f32
    %le3A_125 = vector.broadcast %le3A_124 : f32 to vector<16xf32>
    %le3A_126 = arith.cmpf ole, %sub3A_119, %le3A_125 : vector<16xf32>
    %le3A_127 = arith.constant 0.000000e+00 : f32
    %le3A_128 = vector.broadcast %le3A_127 : f32 to vector<16xf32>
    %le3A_129 = arith.cmpf ole, %sub3A_123, %le3A_128 : vector<16xf32>
    %or3A_130 = arith.ori %le3A_126, %le3A_129 : vector<16xi1>
    %mul3A_131 = arith.mulf %sub3A_119, %sub3A_123 : vector<16xf32>
    %jit3A_132 = arith.constant 0.000000e+00 : f32
    %broadcast_in_dim3A_133 = vector.broadcast %jit3A_132 : f32 to vector<16xf32>
    %select_n3A_134 = arith.select %or3A_130, %broadcast_in_dim3A_133, %mul3A_131 : vector<16xi1>, vector<16xf32>
    %add3A_135 = arith.constant 12.8011312 : f32
    %add3A_136 = vector.broadcast %add3A_135 : f32 to vector<16xf32>
    %add3A_137 = arith.addf %add3A_136, %mul3A_41 : vector<16xf32>
    %sub3A_138 = arith.subf %add3A_137, %select_n3A_134 : vector<16xf32>
    %div3A_139 = arith.divf %select_n3A_134, %sub3A_138 : vector<16xf32>
    %gt3A_140 = arith.cmpf ogt, %div3A_139, %select_n3A_86 : vector<16xf32>
    %select_n3A_141 = arith.select %gt3A_140, %div3A_139, %select_n3A_86 : vector<16xi1>, vector<16xf32>
    %jit3A_142 = arith.constant 1 : i32
    %broadcast_in_dim3A_143 = vector.broadcast %jit3A_142 : i32 to vector<16xi32>
    %select_n3A_144 = arith.select %gt3A_140, %broadcast_in_dim3A_143, %select_n3A_89 : vector<16xi1>, vector<16xi32>
    %jit3A_145 = arith.constant 3.192750e+00 : f32
    %broadcast_in_dim3A_146 = vector.broadcast %jit3A_145 : f32 to vector<16xf32>
    %select_n3A_147 = arith.select %gt3A_140, %broadcast_in_dim3A_146, %select_n3A_92 : vector<16xi1>, vector<16xf32>
    %jit3A_148 = arith.constant 4.00943756 : f32
    %broadcast_in_dim3A_149 = vector.broadcast %jit3A_148 : f32 to vector<16xf32>
    %select_n3A_150 = arith.select %gt3A_140, %broadcast_in_dim3A_149, %select_n3A_95 : vector<16xi1>, vector<16xf32>
    %neg3A_151 = arith.constant 0.000000e+00 : f32
    %neg3A_152 = vector.broadcast %neg3A_151 : f32 to vector<16xf32>
    %neg3A_153 = arith.subf %neg3A_152, %div3A_37 : vector<16xf32>
    %min3A_154 = arith.constant -2.52793741 : f32
    %min3A_155 = vector.broadcast %min3A_154 : f32 to vector<16xf32>
    %min3A_156 = arith.minimumf %min3A_155, %neg3A_153 : vector<16xf32>
    %max3A_157 = arith.constant 2.52793741 : f32
    %max3A_158 = vector.broadcast %max3A_157 : f32 to vector<16xf32>
    %max3A_159 = arith.maximumf %max3A_158, %div3A_37 : vector<16xf32>
    %neg3A_160 = arith.constant 0.000000e+00 : f32
    %neg3A_161 = vector.broadcast %neg3A_160 : f32 to vector<16xf32>
    %neg3A_162 = arith.subf %neg3A_161, %div3A_40 : vector<16xf32>
    %min3A_163 = arith.constant -4.04945326 : f32
    %min3A_164 = vector.broadcast %min3A_163 : f32 to vector<16xf32>
    %min3A_165 = arith.minimumf %min3A_164, %neg3A_162 : vector<16xf32>
    %max3A_166 = arith.constant 4.04945326 : f32
    %max3A_167 = vector.broadcast %max3A_166 : f32 to vector<16xf32>
    %max3A_168 = arith.maximumf %max3A_167, %div3A_40 : vector<16xf32>
    %sub3A_169 = arith.subf %max3A_159, %min3A_156 : vector<16xf32>
    %sub3A_170 = arith.subf %max3A_168, %min3A_165 : vector<16xf32>
    %add3A_171 = arith.constant 5.05587482 : f32
    %add3A_172 = vector.broadcast %add3A_171 : f32 to vector<16xf32>
    %add3A_173 = arith.addf %add3A_172, %mul3A_32 : vector<16xf32>
    %sub3A_174 = arith.subf %add3A_173, %sub3A_169 : vector<16xf32>
    %add3A_175 = arith.constant 8.09890651 : f32
    %add3A_176 = vector.broadcast %add3A_175 : f32 to vector<16xf32>
    %add3A_177 = arith.addf %add3A_176, %mul3A_35 : vector<16xf32>
    %sub3A_178 = arith.subf %add3A_177, %sub3A_170 : vector<16xf32>
    %le3A_179 = arith.constant 0.000000e+00 : f32
    %le3A_180 = vector.broadcast %le3A_179 : f32 to vector<16xf32>
    %le3A_181 = arith.cmpf ole, %sub3A_174, %le3A_180 : vector<16xf32>
    %le3A_182 = arith.constant 0.000000e+00 : f32
    %le3A_183 = vector.broadcast %le3A_182 : f32 to vector<16xf32>
    %le3A_184 = arith.cmpf ole, %sub3A_178, %le3A_183 : vector<16xf32>
    %or3A_185 = arith.ori %le3A_181, %le3A_184 : vector<16xi1>
    %mul3A_186 = arith.mulf %sub3A_174, %sub3A_178 : vector<16xf32>
    %jit3A_187 = arith.constant 0.000000e+00 : f32
    %broadcast_in_dim3A_188 = vector.broadcast %jit3A_187 : f32 to vector<16xf32>
    %select_n3A_189 = arith.select %or3A_185, %broadcast_in_dim3A_188, %mul3A_186 : vector<16xi1>, vector<16xf32>
    %add3A_190 = arith.constant 40.9470558 : f32
    %add3A_191 = vector.broadcast %add3A_190 : f32 to vector<16xf32>
    %add3A_192 = arith.addf %add3A_191, %mul3A_41 : vector<16xf32>
    %sub3A_193 = arith.subf %add3A_192, %select_n3A_189 : vector<16xf32>
    %div3A_194 = arith.divf %select_n3A_189, %sub3A_193 : vector<16xf32>
    %gt3A_195 = arith.cmpf ogt, %div3A_194, %select_n3A_141 : vector<16xf32>
    %select_n3A_196 = arith.select %gt3A_195, %div3A_194, %select_n3A_141 : vector<16xi1>, vector<16xf32>
    %jit3A_197 = arith.constant 2 : i32
    %broadcast_in_dim3A_198 = vector.broadcast %jit3A_197 : i32 to vector<16xi32>
    %select_n3A_199 = arith.select %gt3A_195, %broadcast_in_dim3A_198, %select_n3A_144 : vector<16xi1>, vector<16xi32>
    %jit3A_200 = arith.constant 5.05587482 : f32
    %broadcast_in_dim3A_201 = vector.broadcast %jit3A_200 : f32 to vector<16xf32>
    %select_n3A_202 = arith.select %gt3A_195, %broadcast_in_dim3A_201, %select_n3A_147 : vector<16xi1>, vector<16xf32>
    %jit3A_203 = arith.constant 8.09890651 : f32
    %broadcast_in_dim3A_204 = vector.broadcast %jit3A_203 : f32 to vector<16xf32>
    %select_n3A_205 = arith.select %gt3A_195, %broadcast_in_dim3A_204, %select_n3A_150 : vector<16xi1>, vector<16xf32>
    %neg3A_206 = arith.constant 0.000000e+00 : f32
    %neg3A_207 = vector.broadcast %neg3A_206 : f32 to vector<16xf32>
    %neg3A_208 = arith.subf %neg3A_207, %div3A_37 : vector<16xf32>
    %min3A_209 = arith.constant -4.73556232 : f32
    %min3A_210 = vector.broadcast %min3A_209 : f32 to vector<16xf32>
    %min3A_211 = arith.minimumf %min3A_210, %neg3A_208 : vector<16xf32>
    %max3A_212 = arith.constant 4.73556232 : f32
    %max3A_213 = vector.broadcast %max3A_212 : f32 to vector<16xf32>
    %max3A_214 = arith.maximumf %max3A_213, %div3A_37 : vector<16xf32>
    %neg3A_215 = arith.constant 0.000000e+00 : f32
    %neg3A_216 = vector.broadcast %neg3A_215 : f32 to vector<16xf32>
    %neg3A_217 = arith.subf %neg3A_216, %div3A_40 : vector<16xf32>
    %min3A_218 = arith.constant -2.42026567 : f32
    %min3A_219 = vector.broadcast %min3A_218 : f32 to vector<16xf32>
    %min3A_220 = arith.minimumf %min3A_219, %neg3A_217 : vector<16xf32>
    %max3A_221 = arith.constant 2.42026567 : f32
    %max3A_222 = vector.broadcast %max3A_221 : f32 to vector<16xf32>
    %max3A_223 = arith.maximumf %max3A_222, %div3A_40 : vector<16xf32>
    %sub3A_224 = arith.subf %max3A_214, %min3A_211 : vector<16xf32>
    %sub3A_225 = arith.subf %max3A_223, %min3A_220 : vector<16xf32>
    %add3A_226 = arith.constant 9.47112464 : f32
    %add3A_227 = vector.broadcast %add3A_226 : f32 to vector<16xf32>
    %add3A_228 = arith.addf %add3A_227, %mul3A_32 : vector<16xf32>
    %sub3A_229 = arith.subf %add3A_228, %sub3A_224 : vector<16xf32>
    %add3A_230 = arith.constant 4.84053135 : f32
    %add3A_231 = vector.broadcast %add3A_230 : f32 to vector<16xf32>
    %add3A_232 = arith.addf %add3A_231, %mul3A_35 : vector<16xf32>
    %sub3A_233 = arith.subf %add3A_232, %sub3A_225 : vector<16xf32>
    %le3A_234 = arith.constant 0.000000e+00 : f32
    %le3A_235 = vector.broadcast %le3A_234 : f32 to vector<16xf32>
    %le3A_236 = arith.cmpf ole, %sub3A_229, %le3A_235 : vector<16xf32>
    %le3A_237 = arith.constant 0.000000e+00 : f32
    %le3A_238 = vector.broadcast %le3A_237 : f32 to vector<16xf32>
    %le3A_239 = arith.cmpf ole, %sub3A_233, %le3A_238 : vector<16xf32>
    %or3A_240 = arith.ori %le3A_236, %le3A_239 : vector<16xi1>
    %mul3A_241 = arith.mulf %sub3A_229, %sub3A_233 : vector<16xf32>
    %jit3A_242 = arith.constant 0.000000e+00 : f32
    %broadcast_in_dim3A_243 = vector.broadcast %jit3A_242 : f32 to vector<16xf32>
    %select_n3A_244 = arith.select %or3A_240, %broadcast_in_dim3A_243, %mul3A_241 : vector<16xi1>, vector<16xf32>
    %add3A_245 = arith.constant 45.8452759 : f32
    %add3A_246 = vector.broadcast %add3A_245 : f32 to vector<16xf32>
    %add3A_247 = arith.addf %add3A_246, %mul3A_41 : vector<16xf32>
    %sub3A_248 = arith.subf %add3A_247, %select_n3A_244 : vector<16xf32>
    %div3A_249 = arith.divf %select_n3A_244, %sub3A_248 : vector<16xf32>
    %gt3A_250 = arith.cmpf ogt, %div3A_249, %select_n3A_196 : vector<16xf32>
    %select_n3A_251 = arith.select %gt3A_250, %div3A_249, %select_n3A_196 : vector<16xi1>, vector<16xf32>
    %jit3A_252 = arith.constant 3 : i32
    %broadcast_in_dim3A_253 = vector.broadcast %jit3A_252 : i32 to vector<16xi32>
    %select_n3A_254 = arith.select %gt3A_250, %broadcast_in_dim3A_253, %select_n3A_199 : vector<16xi1>, vector<16xi32>
    %jit3A_255 = arith.constant 9.47112464 : f32
    %broadcast_in_dim3A_256 = vector.broadcast %jit3A_255 : f32 to vector<16xf32>
    %select_n3A_257 = arith.select %gt3A_250, %broadcast_in_dim3A_256, %select_n3A_202 : vector<16xi1>, vector<16xf32>
    %jit3A_258 = arith.constant 4.84053135 : f32
    %broadcast_in_dim3A_259 = vector.broadcast %jit3A_258 : f32 to vector<16xf32>
    %select_n3A_260 = arith.select %gt3A_250, %broadcast_in_dim3A_259, %select_n3A_205 : vector<16xi1>, vector<16xf32>
    %neg3A_261 = arith.constant 0.000000e+00 : f32
    %neg3A_262 = vector.broadcast %neg3A_261 : f32 to vector<16xf32>
    %neg3A_263 = arith.subf %neg3A_262, %div3A_37 : vector<16xf32>
    %min3A_264 = arith.constant -5.61820316 : f32
    %min3A_265 = vector.broadcast %min3A_264 : f32 to vector<16xf32>
    %min3A_266 = arith.minimumf %min3A_265, %neg3A_263 : vector<16xf32>
    %max3A_267 = arith.constant 5.61820316 : f32
    %max3A_268 = vector.broadcast %max3A_267 : f32 to vector<16xf32>
    %max3A_269 = arith.maximumf %max3A_268, %div3A_37 : vector<16xf32>
    %neg3A_270 = arith.constant 0.000000e+00 : f32
    %neg3A_271 = vector.broadcast %neg3A_270 : f32 to vector<16xf32>
    %neg3A_272 = arith.subf %neg3A_271, %div3A_40 : vector<16xf32>
    %min3A_273 = arith.constant -5.00354671 : f32
    %min3A_274 = vector.broadcast %min3A_273 : f32 to vector<16xf32>
    %min3A_275 = arith.minimumf %min3A_274, %neg3A_272 : vector<16xf32>
    %max3A_276 = arith.constant 5.00354671 : f32
    %max3A_277 = vector.broadcast %max3A_276 : f32 to vector<16xf32>
    %max3A_278 = arith.maximumf %max3A_277, %div3A_40 : vector<16xf32>
    %sub3A_279 = arith.subf %max3A_269, %min3A_266 : vector<16xf32>
    %sub3A_280 = arith.subf %max3A_278, %min3A_275 : vector<16xf32>
    %add3A_281 = arith.constant 11.2364063 : f32
    %add3A_282 = vector.broadcast %add3A_281 : f32 to vector<16xf32>
    %add3A_283 = arith.addf %add3A_282, %mul3A_32 : vector<16xf32>
    %sub3A_284 = arith.subf %add3A_283, %sub3A_279 : vector<16xf32>
    %add3A_285 = arith.constant 10.0070934 : f32
    %add3A_286 = vector.broadcast %add3A_285 : f32 to vector<16xf32>
    %add3A_287 = arith.addf %add3A_286, %mul3A_35 : vector<16xf32>
    %sub3A_288 = arith.subf %add3A_287, %sub3A_280 : vector<16xf32>
    %le3A_289 = arith.constant 0.000000e+00 : f32
    %le3A_290 = vector.broadcast %le3A_289 : f32 to vector<16xf32>
    %le3A_291 = arith.cmpf ole, %sub3A_284, %le3A_290 : vector<16xf32>
    %le3A_292 = arith.constant 0.000000e+00 : f32
    %le3A_293 = vector.broadcast %le3A_292 : f32 to vector<16xf32>
    %le3A_294 = arith.cmpf ole, %sub3A_288, %le3A_293 : vector<16xf32>
    %or3A_295 = arith.ori %le3A_291, %le3A_294 : vector<16xi1>
    %mul3A_296 = arith.mulf %sub3A_284, %sub3A_288 : vector<16xf32>
    %jit3A_297 = arith.constant 0.000000e+00 : f32
    %broadcast_in_dim3A_298 = vector.broadcast %jit3A_297 : f32 to vector<16xf32>
    %select_n3A_299 = arith.select %or3A_295, %broadcast_in_dim3A_298, %mul3A_296 : vector<16xi1>, vector<16xf32>
    %add3A_300 = arith.constant 112.443771 : f32
    %add3A_301 = vector.broadcast %add3A_300 : f32 to vector<16xf32>
    %add3A_302 = arith.addf %add3A_301, %mul3A_41 : vector<16xf32>
    %sub3A_303 = arith.subf %add3A_302, %select_n3A_299 : vector<16xf32>
    %div3A_304 = arith.divf %select_n3A_299, %sub3A_303 : vector<16xf32>
    %gt3A_305 = arith.cmpf ogt, %div3A_304, %select_n3A_251 : vector<16xf32>
    %select_n3A_306 = arith.select %gt3A_305, %div3A_304, %select_n3A_251 : vector<16xi1>, vector<16xf32>
    %jit3A_307 = arith.constant 4 : i32
    %broadcast_in_dim3A_308 = vector.broadcast %jit3A_307 : i32 to vector<16xi32>
    %select_n3A_309 = arith.select %gt3A_305, %broadcast_in_dim3A_308, %select_n3A_254 : vector<16xi1>, vector<16xi32>
    %jit3A_310 = arith.constant 11.2364063 : f32
    %broadcast_in_dim3A_311 = vector.broadcast %jit3A_310 : f32 to vector<16xf32>
    %select_n3A_312 = arith.select %gt3A_305, %broadcast_in_dim3A_311, %select_n3A_257 : vector<16xi1>, vector<16xf32>
    %jit3A_313 = arith.constant 10.0070934 : f32
    %broadcast_in_dim3A_314 = vector.broadcast %jit3A_313 : f32 to vector<16xf32>
    %select_n3A_315 = arith.select %gt3A_305, %broadcast_in_dim3A_314, %select_n3A_260 : vector<16xi1>, vector<16xf32>
    %convert_element_type3A = arith.fptosi %mul3A_26 : vector<16xf32> to vector<16xi32>
    %convert_element_type3A_316 = arith.fptosi %mul3A_29 : vector<16xf32> to vector<16xi32>
    %jit3A_317 = arith.constant 0 : i32
    %jit3A_318 = arith.constant 18 : i32
    %max3A_319 = vector.broadcast %jit3A_317 : i32 to vector<16xi32>
    %max3A_320 = arith.maxsi %max3A_319, %convert_element_type3A : vector<16xi32>
    %min3A_321 = vector.broadcast %jit3A_318 : i32 to vector<16xi32>
    %min3A_322 = arith.minsi %min3A_321, %max3A_320 : vector<16xi32>
    %jit3A_323 = arith.constant 0 : i32
    %jit3A_324 = arith.constant 18 : i32
    %max3A_325 = vector.broadcast %jit3A_323 : i32 to vector<16xi32>
    %max3A_326 = arith.maxsi %max3A_325, %convert_element_type3A_316 : vector<16xi32>
    %min3A_327 = vector.broadcast %jit3A_324 : i32 to vector<16xi32>
    %min3A_328 = arith.minsi %min3A_327, %max3A_326 : vector<16xi32>
    %mul3A_329 = arith.constant 19 : i32
    %mul3A_330 = vector.broadcast %mul3A_329 : i32 to vector<16xi32>
    %mul3A_331 = arith.muli %min3A_328, %mul3A_330 : vector<16xi32>
    %add3A_332 = arith.addi %mul3A_331, %min3A_322 : vector<16xi32>
    %mul3A_333 = arith.constant 361 : i32
    %mul3A_334 = vector.broadcast %mul3A_333 : i32 to vector<16xi32>
    %mul3A_335 = arith.muli %select_n3A_309, %mul3A_334 : vector<16xi32>
    %add3A_336 = arith.addi %mul3A_335, %add3A_332 : vector<16xi32>
    %swap3A = arith.constant 0 : index
    %swap3A_337 = tpu.vector_load %arg7[%swap3A] {strides = array<i32>} : memref<48xi32, #tpu.memory_space<vmem>>, vector<16xi32>,
    tpu.vector_store %arg7[%swap3A], %add3A_336 {strides = array<i32>} : memref<48xi32, #tpu.memory_space<vmem>>, vector<16xi32>,
    %iota3A_338 = tpu.iota {dimensions = array<i32: 0>} : vector<16xi32>
    %add3A_339 = arith.constant 16 : i32
    %add3A_340 = vector.broadcast %add3A_339 : i32 to vector<16xi32>
    %add3A_341 = arith.addi %iota3A_338, %add3A_340 : vector<16xi32>
    %get3A_342 = arith.constant 0 : i32
    %get3A_343 = arith.index_cast %get3A_342 : i32 to index
    %get3A_344 = arith.constant 16 : index
    %get3A_345 = tpu.vector_load %arg6[%get3A_343, %get3A_344] {strides = array<i32>} : memref<5x48xf32, #tpu.memory_space<vmem>>, vector<16xf32>,
    %get3A_346 = arith.constant 1 : i32
    %get3A_347 = arith.index_cast %get3A_346 : i32 to index
    %get3A_348 = arith.constant 16 : index
    %get3A_349 = tpu.vector_load %arg6[%get3A_347, %get3A_348] {strides = array<i32>} : memref<5x48xf32, #tpu.memory_space<vmem>>, vector<16xf32>,
    %get3A_350 = arith.constant 2 : i32
    %get3A_351 = arith.index_cast %get3A_350 : i32 to index
    %get3A_352 = arith.constant 16 : index
    %get3A_353 = tpu.vector_load %arg6[%get3A_351, %get3A_352] {strides = array<i32>} : memref<5x48xf32, #tpu.memory_space<vmem>>, vector<16xf32>,
    %get3A_354 = arith.constant 3 : i32
    %get3A_355 = arith.index_cast %get3A_354 : i32 to index
    %get3A_356 = arith.constant 16 : index
    %get3A_357 = tpu.vector_load %arg6[%get3A_355, %get3A_356] {strides = array<i32>} : memref<5x48xf32, #tpu.memory_space<vmem>>, vector<16xf32>,
    %get3A_358 = arith.constant 4 : i32
    %get3A_359 = arith.index_cast %get3A_358 : i32 to index
    %get3A_360 = arith.constant 16 : index
    %get3A_361 = tpu.vector_load %arg6[%get3A_359, %get3A_360] {strides = array<i32>} : memref<5x48xf32, #tpu.memory_space<vmem>>, vector<16xf32>,
    %mul3A_362 = arith.constant 1.900000e+01 : f32
    %mul3A_363 = vector.broadcast %mul3A_362 : f32 to vector<16xf32>
    %mul3A_364 = arith.mulf %get3A_349, %mul3A_363 : vector<16xf32>
    %mul3A_365 = arith.constant 1.900000e+01 : f32
    %mul3A_366 = vector.broadcast %mul3A_365 : f32 to vector<16xf32>
    %mul3A_367 = arith.mulf %get3A_353, %mul3A_366 : vector<16xf32>
    %mul3A_368 = arith.constant 1.900000e+01 : f32
    %mul3A_369 = vector.broadcast %mul3A_368 : f32 to vector<16xf32>
    %mul3A_370 = arith.mulf %get3A_357, %mul3A_369 : vector<16xf32>
    %mul3A_371 = arith.constant 1.900000e+01 : f32
    %mul3A_372 = vector.broadcast %mul3A_371 : f32 to vector<16xf32>
    %mul3A_373 = arith.mulf %get3A_361, %mul3A_372 : vector<16xf32>
    %div3A_374 = arith.constant 2.000000e+00 : f32
    %div3A_375 = vector.broadcast %div3A_374 : f32 to vector<16xf32>
    %div3A_376 = arith.divf %mul3A_370, %div3A_375 : vector<16xf32>
    %div3A_377 = arith.constant 2.000000e+00 : f32
    %div3A_378 = vector.broadcast %div3A_377 : f32 to vector<16xf32>
    %div3A_379 = arith.divf %mul3A_373, %div3A_378 : vector<16xf32>
    %mul3A_380 = arith.mulf %mul3A_370, %mul3A_373 : vector<16xf32>
    %broadcast_in_dim3A_381 = arith.constant 0.000000e+00 : f32
    %broadcast_in_dim3A_382 = vector.broadcast %broadcast_in_dim3A_381 : f32 to vector<16xf32>
    %broadcast_in_dim3A_383 = arith.constant 0 : i32
    %broadcast_in_dim3A_384 = vector.broadcast %broadcast_in_dim3A_383 : i32 to vector<16xi32>
    %broadcast_in_dim3A_385 = arith.constant 1.322100e+00 : f32
    %broadcast_in_dim3A_386 = vector.broadcast %broadcast_in_dim3A_385 : f32 to vector<16xf32>
    %broadcast_in_dim3A_387 = arith.constant 1.731450e+00 : f32
    %broadcast_in_dim3A_388 = vector.broadcast %broadcast_in_dim3A_387 : f32 to vector<16xf32>
    %neg3A_389 = arith.constant 0.000000e+00 : f32
    %neg3A_390 = vector.broadcast %neg3A_389 : f32 to vector<16xf32>
    %neg3A_391 = arith.subf %neg3A_390, %div3A_376 : vector<16xf32>
    %min3A_392 = arith.constant -6.610500e-01 : f32
    %min3A_393 = vector.broadcast %min3A_392 : f32 to vector<16xf32>
    %min3A_394 = arith.minimumf %min3A_393, %neg3A_391 : vector<16xf32>
    %max3A_395 = arith.constant 6.610500e-01 : f32
    %max3A_396 = vector.broadcast %max3A_395 : f32 to vector<16xf32>
    %max3A_397 = arith.maximumf %max3A_396, %div3A_376 : vector<16xf32>
    %neg3A_398 = arith.constant 0.000000e+00 : f32
    %neg3A_399 = vector.broadcast %neg3A_398 : f32 to vector<16xf32>
    %neg3A_400 = arith.subf %neg3A_399, %div3A_379 : vector<16xf32>
    %min3A_401 = arith.constant -0.86572498 : f32
    %min3A_402 = vector.broadcast %min3A_401 : f32 to vector<16xf32>
    %min3A_403 = arith.minimumf %min3A_402, %neg3A_400 : vector<16xf32>
    %max3A_404 = arith.constant 0.86572498 : f32
    %max3A_405 = vector.broadcast %max3A_404 : f32 to vector<16xf32>
    %max3A_406 = arith.maximumf %max3A_405, %div3A_379 : vector<16xf32>
    %sub3A_407 = arith.subf %max3A_397, %min3A_394 : vector<16xf32>
    %sub3A_408 = arith.subf %max3A_406, %min3A_403 : vector<16xf32>
    %add3A_409 = arith.constant 1.322100e+00 : f32
    %add3A_410 = vector.broadcast %add3A_409 : f32 to vector<16xf32>
    %add3A_411 = arith.addf %add3A_410, %mul3A_370 : vector<16xf32>
    %sub3A_412 = arith.subf %add3A_411, %sub3A_407 : vector<16xf32>
    %add3A_413 = arith.constant 1.731450e+00 : f32
    %add3A_414 = vector.broadcast %add3A_413 : f32 to vector<16xf32>
    %add3A_415 = arith.addf %add3A_414, %mul3A_373 : vector<16xf32>
    %sub3A_416 = arith.subf %add3A_415, %sub3A_408 : vector<16xf32>
    %le3A_417 = arith.constant 0.000000e+00 : f32
    %le3A_418 = vector.broadcast %le3A_417 : f32 to vector<16xf32>
    %le3A_419 = arith.cmpf ole, %sub3A_412, %le3A_418 : vector<16xf32>
    %le3A_420 = arith.constant 0.000000e+00 : f32
    %le3A_421 = vector.broadcast %le3A_420 : f32 to vector<16xf32>
    %le3A_422 = arith.cmpf ole, %sub3A_416, %le3A_421 : vector<16xf32>
    %or3A_423 = arith.ori %le3A_419, %le3A_422 : vector<16xi1>
    %mul3A_424 = arith.mulf %sub3A_412, %sub3A_416 : vector<16xf32>
    %jit3A_425 = arith.constant 0.000000e+00 : f32
    %broadcast_in_dim3A_426 = vector.broadcast %jit3A_425 : f32 to vector<16xf32>
    %select_n3A_427 = arith.select %or3A_423, %broadcast_in_dim3A_426, %mul3A_424 : vector<16xi1>, vector<16xf32>
    %add3A_428 = arith.constant 2.289150e+00 : f32
    %add3A_429 = vector.broadcast %add3A_428 : f32 to vector<16xf32>
    %add3A_430 = arith.addf %add3A_429, %mul3A_380 : vector<16xf32>
    %sub3A_431 = arith.subf %add3A_430, %select_n3A_427 : vector<16xf32>
    %div3A_432 = arith.divf %select_n3A_427, %sub3A_431 : vector<16xf32>
    %gt3A_433 = arith.cmpf ogt, %div3A_432, %broadcast_in_dim3A_382 : vector<16xf32>
    %select_n3A_434 = arith.select %gt3A_433, %div3A_432, %broadcast_in_dim3A_382 : vector<16xi1>, vector<16xf32>
    %jit3A_435 = arith.constant 0 : i32
    %broadcast_in_dim3A_436 = vector.broadcast %jit3A_435 : i32 to vector<16xi32>
    %select_n3A_437 = arith.select %gt3A_433, %broadcast_in_dim3A_436, %broadcast_in_dim3A_384 : vector<16xi1>, vector<16xi32>
    %jit3A_438 = arith.constant 1.322100e+00 : f32
    %broadcast_in_dim3A_439 = vector.broadcast %jit3A_438 : f32 to vector<16xf32>
    %select_n3A_440 = arith.select %gt3A_433, %broadcast_in_dim3A_439, %broadcast_in_dim3A_386 : vector<16xi1>, vector<16xf32>
    %jit3A_441 = arith.constant 1.731450e+00 : f32
    %broadcast_in_dim3A_442 = vector.broadcast %jit3A_441 : f32 to vector<16xf32>
    %select_n3A_443 = arith.select %gt3A_433, %broadcast_in_dim3A_442, %broadcast_in_dim3A_388 : vector<16xi1>, vector<16xf32>
    %neg3A_444 = arith.constant 0.000000e+00 : f32
    %neg3A_445 = vector.broadcast %neg3A_444 : f32 to vector<16xf32>
    %neg3A_446 = arith.subf %neg3A_445, %div3A_376 : vector<16xf32>
    %min3A_447 = arith.constant -1.59637499 : f32
    %min3A_448 = vector.broadcast %min3A_447 : f32 to vector<16xf32>
    %min3A_449 = arith.minimumf %min3A_448, %neg3A_446 : vector<16xf32>
    %max3A_450 = arith.constant 1.59637499 : f32
    %max3A_451 = vector.broadcast %max3A_450 : f32 to vector<16xf32>
    %max3A_452 = arith.maximumf %max3A_451, %div3A_376 : vector<16xf32>
    %neg3A_453 = arith.constant 0.000000e+00 : f32
    %neg3A_454 = vector.broadcast %neg3A_453 : f32 to vector<16xf32>
    %neg3A_455 = arith.subf %neg3A_454, %div3A_379 : vector<16xf32>
    %min3A_456 = arith.constant -2.00471878 : f32
    %min3A_457 = vector.broadcast %min3A_456 : f32 to vector<16xf32>
    %min3A_458 = arith.minimumf %min3A_457, %neg3A_455 : vector<16xf32>
    %max3A_459 = arith.constant 2.00471878 : f32
    %max3A_460 = vector.broadcast %max3A_459 : f32 to vector<16xf32>
    %max3A_461 = arith.maximumf %max3A_460, %div3A_379 : vector<16xf32>
    %sub3A_462 = arith.subf %max3A_452, %min3A_449 : vector<16xf32>
    %sub3A_463 = arith.subf %max3A_461, %min3A_458 : vector<16xf32>
    %add3A_464 = arith.constant 3.192750e+00 : f32
    %add3A_465 = vector.broadcast %add3A_464 : f32 to vector<16xf32>
    %add3A_466 = arith.addf %add3A_465, %mul3A_370 : vector<16xf32>
    %sub3A_467 = arith.subf %add3A_466, %sub3A_462 : vector<16xf32>
    %add3A_468 = arith.constant 4.00943756 : f32
    %add3A_469 = vector.broadcast %add3A_468 : f32 to vector<16xf32>
    %add3A_470 = arith.addf %add3A_469, %mul3A_373 : vector<16xf32>
    %sub3A_471 = arith.subf %add3A_470, %sub3A_463 : vector<16xf32>
    %le3A_472 = arith.constant 0.000000e+00 : f32
    %le3A_473 = vector.broadcast %le3A_472 : f32 to vector<16xf32>
    %le3A_474 = arith.cmpf ole, %sub3A_467, %le3A_473 : vector<16xf32>
    %le3A_475 = arith.constant 0.000000e+00 : f32
    %le3A_476 = vector.broadcast %le3A_475 : f32 to vector<16xf32>
    %le3A_477 = arith.cmpf ole, %sub3A_471, %le3A_476 : vector<16xf32>
    %or3A_478 = arith.ori %le3A_474, %le3A_477 : vector<16xi1>
    %mul3A_479 = arith.mulf %sub3A_467, %sub3A_471 : vector<16xf32>
    %jit3A_480 = arith.constant 0.000000e+00 : f32
    %broadcast_in_dim3A_481 = vector.broadcast %jit3A_480 : f32 to vector<16xf32>
    %select_n3A_482 = arith.select %or3A_478, %broadcast_in_dim3A_481, %mul3A_479 : vector<16xi1>, vector<16xf32>
    %add3A_483 = arith.constant 12.8011312 : f32
    %add3A_484 = vector.broadcast %add3A_483 : f32 to vector<16xf32>
    %add3A_485 = arith.addf %add3A_484, %mul3A_380 : vector<16xf32>
    %sub3A_486 = arith.subf %add3A_485, %select_n3A_482 : vector<16xf32>
    %div3A_487 = arith.divf %select_n3A_482, %sub3A_486 : vector<16xf32>
    %gt3A_488 = arith.cmpf ogt, %div3A_487, %select_n3A_434 : vector<16xf32>
    %select_n3A_489 = arith.select %gt3A_488, %div3A_487, %select_n3A_434 : vector<16xi1>, vector<16xf32>
    %jit3A_490 = arith.constant 1 : i32
    %broadcast_in_dim3A_491 = vector.broadcast %jit3A_490 : i32 to vector<16xi32>
    %select_n3A_492 = arith.select %gt3A_488, %broadcast_in_dim3A_491, %select_n3A_437 : vector<16xi1>, vector<16xi32>
    %jit3A_493 = arith.constant 3.192750e+00 : f32
    %broadcast_in_dim3A_494 = vector.broadcast %jit3A_493 : f32 to vector<16xf32>
    %select_n3A_495 = arith.select %gt3A_488, %broadcast_in_dim3A_494, %select_n3A_440 : vector<16xi1>, vector<16xf32>
    %jit3A_496 = arith.constant 4.00943756 : f32
    %broadcast_in_dim3A_497 = vector.broadcast %jit3A_496 : f32 to vector<16xf32>
    %select_n3A_498 = arith.select %gt3A_488, %broadcast_in_dim3A_497, %select_n3A_443 : vector<16xi1>, vector<16xf32>
    %neg3A_499 = arith.constant 0.000000e+00 : f32
    %neg3A_500 = vector.broadcast %neg3A_499 : f32 to vector<16xf32>
    %neg3A_501 = arith.subf %neg3A_500, %div3A_376 : vector<16xf32>
    %min3A_502 = arith.constant -2.52793741 : f32
    %min3A_503 = vector.broadcast %min3A_502 : f32 to vector<16xf32>
    %min3A_504 = arith.minimumf %min3A_503, %neg3A_501 : vector<16xf32>
    %max3A_505 = arith.constant 2.52793741 : f32
    %max3A_506 = vector.broadcast %max3A_505 : f32 to vector<16xf32>
    %max3A_507 = arith.maximumf %max3A_506, %div3A_376 : vector<16xf32>
    %neg3A_508 = arith.constant 0.000000e+00 : f32
    %neg3A_509 = vector.broadcast %neg3A_508 : f32 to vector<16xf32>
    %neg3A_510 = arith.subf %neg3A_509, %div3A_379 : vector<16xf32>
    %min3A_511 = arith.constant -4.04945326 : f32
    %min3A_512 = vector.broadcast %min3A_511 : f32 to vector<16xf32>
    %min3A_513 = arith.minimumf %min3A_512, %neg3A_510 : vector<16xf32>
    %max3A_514 = arith.constant 4.04945326 : f32
    %max3A_515 = vector.broadcast %max3A_514 : f32 to vector<16xf32>
    %max3A_516 = arith.maximumf %max3A_515, %div3A_379 : vector<16xf32>
    %sub3A_517 = arith.subf %max3A_507, %min3A_504 : vector<16xf32>
    %sub3A_518 = arith.subf %max3A_516, %min3A_513 : vector<16xf32>
    %add3A_519 = arith.constant 5.05587482 : f32
    %add3A_520 = vector.broadcast %add3A_519 : f32 to vector<16xf32>
    %add3A_521 = arith.addf %add3A_520, %mul3A_370 : vector<16xf32>
    %sub3A_522 = arith.subf %add3A_521, %sub3A_517 : vector<16xf32>
    %add3A_523 = arith.constant 8.09890651 : f32
    %add3A_524 = vector.broadcast %add3A_523 : f32 to vector<16xf32>
    %add3A_525 = arith.addf %add3A_524, %mul3A_373 : vector<16xf32>
    %sub3A_526 = arith.subf %add3A_525, %sub3A_518 : vector<16xf32>
    %le3A_527 = arith.constant 0.000000e+00 : f32
    %le3A_528 = vector.broadcast %le3A_527 : f32 to vector<16xf32>
    %le3A_529 = arith.cmpf ole, %sub3A_522, %le3A_528 : vector<16xf32>
    %le3A_530 = arith.constant 0.000000e+00 : f32
    %le3A_531 = vector.broadcast %le3A_530 : f32 to vector<16xf32>
    %le3A_532 = arith.cmpf ole, %sub3A_526, %le3A_531 : vector<16xf32>
    %or3A_533 = arith.ori %le3A_529, %le3A_532 : vector<16xi1>
    %mul3A_534 = arith.mulf %sub3A_522, %sub3A_526 : vector<16xf32>
    %jit3A_535 = arith.constant 0.000000e+00 : f32
    %broadcast_in_dim3A_536 = vector.broadcast %jit3A_535 : f32 to vector<16xf32>
    %select_n3A_537 = arith.select %or3A_533, %broadcast_in_dim3A_536, %mul3A_534 : vector<16xi1>, vector<16xf32>
    %add3A_538 = arith.constant 40.9470558 : f32
    %add3A_539 = vector.broadcast %add3A_538 : f32 to vector<16xf32>
    %add3A_540 = arith.addf %add3A_539, %mul3A_380 : vector<16xf32>
    %sub3A_541 = arith.subf %add3A_540, %select_n3A_537 : vector<16xf32>
    %div3A_542 = arith.divf %select_n3A_537, %sub3A_541 : vector<16xf32>
    %gt3A_543 = arith.cmpf ogt, %div3A_542, %select_n3A_489 : vector<16xf32>
    %select_n3A_544 = arith.select %gt3A_543, %div3A_542, %select_n3A_489 : vector<16xi1>, vector<16xf32>
    %jit3A_545 = arith.constant 2 : i32
    %broadcast_in_dim3A_546 = vector.broadcast %jit3A_545 : i32 to vector<16xi32>
    %select_n3A_547 = arith.select %gt3A_543, %broadcast_in_dim3A_546, %select_n3A_492 : vector<16xi1>, vector<16xi32>
    %jit3A_548 = arith.constant 5.05587482 : f32
    %broadcast_in_dim3A_549 = vector.broadcast %jit3A_548 : f32 to vector<16xf32>
    %select_n3A_550 = arith.select %gt3A_543, %broadcast_in_dim3A_549, %select_n3A_495 : vector<16xi1>, vector<16xf32>
    %jit3A_551 = arith.constant 8.09890651 : f32
    %broadcast_in_dim3A_552 = vector.broadcast %jit3A_551 : f32 to vector<16xf32>
    %select_n3A_553 = arith.select %gt3A_543, %broadcast_in_dim3A_552, %select_n3A_498 : vector<16xi1>, vector<16xf32>
    %neg3A_554 = arith.constant 0.000000e+00 : f32
    %neg3A_555 = vector.broadcast %neg3A_554 : f32 to vector<16xf32>
    %neg3A_556 = arith.subf %neg3A_555, %div3A_376 : vector<16xf32>
    %min3A_557 = arith.constant -4.73556232 : f32
    %min3A_558 = vector.broadcast %min3A_557 : f32 to vector<16xf32>
    %min3A_559 = arith.minimumf %min3A_558, %neg3A_556 : vector<16xf32>
    %max3A_560 = arith.constant 4.73556232 : f32
    %max3A_561 = vector.broadcast %max3A_560 : f32 to vector<16xf32>
    %max3A_562 = arith.maximumf %max3A_561, %div3A_376 : vector<16xf32>
    %neg3A_563 = arith.constant 0.000000e+00 : f32
    %neg3A_564 = vector.broadcast %neg3A_563 : f32 to vector<16xf32>
    %neg3A_565 = arith.subf %neg3A_564, %div3A_379 : vector<16xf32>
    %min3A_566 = arith.constant -2.42026567 : f32
    %min3A_567 = vector.broadcast %min3A_566 : f32 to vector<16xf32>
    %min3A_568 = arith.minimumf %min3A_567, %neg3A_565 : vector<16xf32>
    %max3A_569 = arith.constant 2.42026567 : f32
    %max3A_570 = vector.broadcast %max3A_569 : f32 to vector<16xf32>
    %max3A_571 = arith.maximumf %max3A_570, %div3A_379 : vector<16xf32>
    %sub3A_572 = arith.subf %max3A_562, %min3A_559 : vector<16xf32>
    %sub3A_573 = arith.subf %max3A_571, %min3A_568 : vector<16xf32>
    %add3A_574 = arith.constant 9.47112464 : f32
    %add3A_575 = vector.broadcast %add3A_574 : f32 to vector<16xf32>
    %add3A_576 = arith.addf %add3A_575, %mul3A_370 : vector<16xf32>
    %sub3A_577 = arith.subf %add3A_576, %sub3A_572 : vector<16xf32>
    %add3A_578 = arith.constant 4.84053135 : f32
    %add3A_579 = vector.broadcast %add3A_578 : f32 to vector<16xf32>
    %add3A_580 = arith.addf %add3A_579, %mul3A_373 : vector<16xf32>
    %sub3A_581 = arith.subf %add3A_580, %sub3A_573 : vector<16xf32>
    %le3A_582 = arith.constant 0.000000e+00 : f32
    %le3A_583 = vector.broadcast %le3A_582 : f32 to vector<16xf32>
    %le3A_584 = arith.cmpf ole, %sub3A_577, %le3A_583 : vector<16xf32>
    %le3A_585 = arith.constant 0.000000e+00 : f32
    %le3A_586 = vector.broadcast %le3A_585 : f32 to vector<16xf32>
    %le3A_587 = arith.cmpf ole, %sub3A_581, %le3A_586 : vector<16xf32>
    %or3A_588 = arith.ori %le3A_584, %le3A_587 : vector<16xi1>
    %mul3A_589 = arith.mulf %sub3A_577, %sub3A_581 : vector<16xf32>
    %jit3A_590 = arith.constant 0.000000e+00 : f32
    %broadcast_in_dim3A_591 = vector.broadcast %jit3A_590 : f32 to vector<16xf32>
    %select_n3A_592 = arith.select %or3A_588, %broadcast_in_dim3A_591, %mul3A_589 : vector<16xi1>, vector<16xf32>
    %add3A_593 = arith.constant 45.8452759 : f32
    %add3A_594 = vector.broadcast %add3A_593 : f32 to vector<16xf32>
    %add3A_595 = arith.addf %add3A_594, %mul3A_380 : vector<16xf32>
    %sub3A_596 = arith.subf %add3A_595, %select_n3A_592 : vector<16xf32>
    %div3A_597 = arith.divf %select_n3A_592, %sub3A_596 : vector<16xf32>
    %gt3A_598 = arith.cmpf ogt, %div3A_597, %select_n3A_544 : vector<16xf32>
    %select_n3A_599 = arith.select %gt3A_598, %div3A_597, %select_n3A_544 : vector<16xi1>, vector<16xf32>
    %jit3A_600 = arith.constant 3 : i32
    %broadcast_in_dim3A_601 = vector.broadcast %jit3A_600 : i32 to vector<16xi32>
    %select_n3A_602 = arith.select %gt3A_598, %broadcast_in_dim3A_601, %select_n3A_547 : vector<16xi1>, vector<16xi32>
    %jit3A_603 = arith.constant 9.47112464 : f32
    %broadcast_in_dim3A_604 = vector.broadcast %jit3A_603 : f32 to vector<16xf32>
    %select_n3A_605 = arith.select %gt3A_598, %broadcast_in_dim3A_604, %select_n3A_550 : vector<16xi1>, vector<16xf32>
    %jit3A_606 = arith.constant 4.84053135 : f32
    %broadcast_in_dim3A_607 = vector.broadcast %jit3A_606 : f32 to vector<16xf32>
    %select_n3A_608 = arith.select %gt3A_598, %broadcast_in_dim3A_607, %select_n3A_553 : vector<16xi1>, vector<16xf32>
    %neg3A_609 = arith.constant 0.000000e+00 : f32
    %neg3A_610 = vector.broadcast %neg3A_609 : f32 to vector<16xf32>
    %neg3A_611 = arith.subf %neg3A_610, %div3A_376 : vector<16xf32>
    %min3A_612 = arith.constant -5.61820316 : f32
    %min3A_613 = vector.broadcast %min3A_612 : f32 to vector<16xf32>
    %min3A_614 = arith.minimumf %min3A_613, %neg3A_611 : vector<16xf32>
    %max3A_615 = arith.constant 5.61820316 : f32
    %max3A_616 = vector.broadcast %max3A_615 : f32 to vector<16xf32>
    %max3A_617 = arith.maximumf %max3A_616, %div3A_376 : vector<16xf32>
    %neg3A_618 = arith.constant 0.000000e+00 : f32
    %neg3A_619 = vector.broadcast %neg3A_618 : f32 to vector<16xf32>
    %neg3A_620 = arith.subf %neg3A_619, %div3A_379 : vector<16xf32>
    %min3A_621 = arith.constant -5.00354671 : f32
    %min3A_622 = vector.broadcast %min3A_621 : f32 to vector<16xf32>
    %min3A_623 = arith.minimumf %min3A_622, %neg3A_620 : vector<16xf32>
    %max3A_624 = arith.constant 5.00354671 : f32
    %max3A_625 = vector.broadcast %max3A_624 : f32 to vector<16xf32>
    %max3A_626 = arith.maximumf %max3A_625, %div3A_379 : vector<16xf32>
    %sub3A_627 = arith.subf %max3A_617, %min3A_614 : vector<16xf32>
    %sub3A_628 = arith.subf %max3A_626, %min3A_623 : vector<16xf32>
    %add3A_629 = arith.constant 11.2364063 : f32
    %add3A_630 = vector.broadcast %add3A_629 : f32 to vector<16xf32>
    %add3A_631 = arith.addf %add3A_630, %mul3A_370 : vector<16xf32>
    %sub3A_632 = arith.subf %add3A_631, %sub3A_627 : vector<16xf32>
    %add3A_633 = arith.constant 10.0070934 : f32
    %add3A_634 = vector.broadcast %add3A_633 : f32 to vector<16xf32>
    %add3A_635 = arith.addf %add3A_634, %mul3A_373 : vector<16xf32>
    %sub3A_636 = arith.subf %add3A_635, %sub3A_628 : vector<16xf32>
    %le3A_637 = arith.constant 0.000000e+00 : f32
    %le3A_638 = vector.broadcast %le3A_637 : f32 to vector<16xf32>
    %le3A_639 = arith.cmpf ole, %sub3A_632, %le3A_638 : vector<16xf32>
    %le3A_640 = arith.constant 0.000000e+00 : f32
    %le3A_641 = vector.broadcast %le3A_640 : f32 to vector<16xf32>
    %le3A_642 = arith.cmpf ole, %sub3A_636, %le3A_641 : vector<16xf32>
    %or3A_643 = arith.ori %le3A_639, %le3A_642 : vector<16xi1>
    %mul3A_644 = arith.mulf %sub3A_632, %sub3A_636 : vector<16xf32>
    %jit3A_645 = arith.constant 0.000000e+00 : f32
    %broadcast_in_dim3A_646 = vector.broadcast %jit3A_645 : f32 to vector<16xf32>
    %select_n3A_647 = arith.select %or3A_643, %broadcast_in_dim3A_646, %mul3A_644 : vector<16xi1>, vector<16xf32>
    %add3A_648 = arith.constant 112.443771 : f32
    %add3A_649 = vector.broadcast %add3A_648 : f32 to vector<16xf32>
    %add3A_650 = arith.addf %add3A_649, %mul3A_380 : vector<16xf32>
    %sub3A_651 = arith.subf %add3A_650, %select_n3A_647 : vector<16xf32>
    %div3A_652 = arith.divf %select_n3A_647, %sub3A_651 : vector<16xf32>
    %gt3A_653 = arith.cmpf ogt, %div3A_652, %select_n3A_599 : vector<16xf32>
    %select_n3A_654 = arith.select %gt3A_653, %div3A_652, %select_n3A_599 : vector<16xi1>, vector<16xf32>
    %jit3A_655 = arith.constant 4 : i32
    %broadcast_in_dim3A_656 = vector.broadcast %jit3A_655 : i32 to vector<16xi32>
    %select_n3A_657 = arith.select %gt3A_653, %broadcast_in_dim3A_656, %select_n3A_602 : vector<16xi1>, vector<16xi32>
    %jit3A_658 = arith.constant 11.2364063 : f32
    %broadcast_in_dim3A_659 = vector.broadcast %jit3A_658 : f32 to vector<16xf32>
    %select_n3A_660 = arith.select %gt3A_653, %broadcast_in_dim3A_659, %select_n3A_605 : vector<16xi1>, vector<16xf32>
    %jit3A_661 = arith.constant 10.0070934 : f32
    %broadcast_in_dim3A_662 = vector.broadcast %jit3A_661 : f32 to vector<16xf32>
    %select_n3A_663 = arith.select %gt3A_653, %broadcast_in_dim3A_662, %select_n3A_608 : vector<16xi1>, vector<16xf32>
    %convert_element_type3A_664 = arith.fptosi %mul3A_364 : vector<16xf32> to vector<16xi32>
    %convert_element_type3A_665 = arith.fptosi %mul3A_367 : vector<16xf32> to vector<16xi32>
    %jit3A_666 = arith.constant 0 : i32
    %jit3A_667 = arith.constant 18 : i32
    %max3A_668 = vector.broadcast %jit3A_666 : i32 to vector<16xi32>
    %max3A_669 = arith.maxsi %max3A_668, %convert_element_type3A_664 : vector<16xi32>
    %min3A_670 = vector.broadcast %jit3A_667 : i32 to vector<16xi32>
    %min3A_671 = arith.minsi %min3A_670, %max3A_669 : vector<16xi32>
    %jit3A_672 = arith.constant 0 : i32
    %jit3A_673 = arith.constant 18 : i32
    %max3A_674 = vector.broadcast %jit3A_672 : i32 to vector<16xi32>
    %max3A_675 = arith.maxsi %max3A_674, %convert_element_type3A_665 : vector<16xi32>
    %min3A_676 = vector.broadcast %jit3A_673 : i32 to vector<16xi32>
    %min3A_677 = arith.minsi %min3A_676, %max3A_675 : vector<16xi32>
    %mul3A_678 = arith.constant 19 : i32
    %mul3A_679 = vector.broadcast %mul3A_678 : i32 to vector<16xi32>
    %mul3A_680 = arith.muli %min3A_677, %mul3A_679 : vector<16xi32>
    %add3A_681 = arith.addi %mul3A_680, %min3A_671 : vector<16xi32>
    %mul3A_682 = arith.constant 361 : i32
    %mul3A_683 = vector.broadcast %mul3A_682 : i32 to vector<16xi32>
    %mul3A_684 = arith.muli %select_n3A_657, %mul3A_683 : vector<16xi32>
    %add3A_685 = arith.addi %mul3A_684, %add3A_681 : vector<16xi32>
    %swap3A_686 = arith.constant 16 : index
    %swap3A_687 = tpu.vector_load %arg7[%swap3A_686] {strides = array<i32>} : memref<48xi32, #tpu.memory_space<vmem>>, vector<16xi32>,
    tpu.vector_store %arg7[%swap3A_686], %add3A_685 {strides = array<i32>} : memref<48xi32, #tpu.memory_space<vmem>>, vector<16xi32>,
    %mul3A_688 = arith.constant 9025 : i32
    %mul3A_689 = vector.broadcast %mul3A_688 : i32 to vector<16xi32>
    %mul3A_690 = arith.muli %select_n3A_309, %mul3A_689 : vector<16xi32>
    %add3A_691 = arith.addi %mul3A_690, %add3A_332 : vector<16xi32>
    %gather3A = tpu.vector_load_idx %arg5[%add3A_691] : memref<45125xf32, #tpu.memory_space<vmem>>[vector<16xi32>], vector<16xf32>,
    %add3A_692 = arith.constant 361 : i32
    %add3A_693 = vector.broadcast %add3A_692 : i32 to vector<16xi32>
    %add3A_694 = arith.addi %add3A_691, %add3A_693 : vector<16xi32>
    %gather3A_695 = tpu.vector_load_idx %arg5[%add3A_694] : memref<45125xf32, #tpu.memory_space<vmem>>[vector<16xi32>], vector<16xf32>,
    %add3A_696 = arith.constant 722 : i32
    %add3A_697 = vector.broadcast %add3A_696 : i32 to vector<16xi32>
    %add3A_698 = arith.addi %add3A_691, %add3A_697 : vector<16xi32>
    %gather3A_699 = tpu.vector_load_idx %arg5[%add3A_698] : memref<45125xf32, #tpu.memory_space<vmem>>[vector<16xi32>], vector<16xf32>,
    %add3A_700 = arith.constant 1083 : i32
    %add3A_701 = vector.broadcast %add3A_700 : i32 to vector<16xi32>
    %add3A_702 = arith.addi %add3A_691, %add3A_701 : vector<16xi32>
    %gather3A_703 = tpu.vector_load_idx %arg5[%add3A_702] : memref<45125xf32, #tpu.memory_space<vmem>>[vector<16xi32>], vector<16xf32>,
    %add3A_704 = arith.constant 1444 : i32
    %add3A_705 = vector.broadcast %add3A_704 : i32 to vector<16xi32>
    %add3A_706 = arith.addi %add3A_691, %add3A_705 : vector<16xi32>
    %gather3A_707 = tpu.vector_load_idx %arg5[%add3A_706] : memref<45125xf32, #tpu.memory_space<vmem>>[vector<16xi32>], vector<16xf32>,
    %add3A_708 = arith.constant 1805 : i32
    %add3A_709 = vector.broadcast %add3A_708 : i32 to vector<16xi32>
    %add3A_710 = arith.addi %add3A_691, %add3A_709 : vector<16xi32>
    %gather3A_711 = tpu.vector_load_idx %arg5[%add3A_710] : memref<45125xf32, #tpu.memory_space<vmem>>[vector<16xi32>], vector<16xf32>,
    %add3A_712 = arith.constant 2166 : i32
    %add3A_713 = vector.broadcast %add3A_712 : i32 to vector<16xi32>
    %add3A_714 = arith.addi %add3A_691, %add3A_713 : vector<16xi32>
    %gather3A_715 = tpu.vector_load_idx %arg5[%add3A_714] : memref<45125xf32, #tpu.memory_space<vmem>>[vector<16xi32>], vector<16xf32>,
    %add3A_716 = arith.constant 2527 : i32
    %add3A_717 = vector.broadcast %add3A_716 : i32 to vector<16xi32>
    %add3A_718 = arith.addi %add3A_691, %add3A_717 : vector<16xi32>
    %gather3A_719 = tpu.vector_load_idx %arg5[%add3A_718] : memref<45125xf32, #tpu.memory_space<vmem>>[vector<16xi32>], vector<16xf32>,
    %add3A_720 = arith.constant 2888 : i32
    %add3A_721 = vector.broadcast %add3A_720 : i32 to vector<16xi32>
    %add3A_722 = arith.addi %add3A_691, %add3A_721 : vector<16xi32>
    %gather3A_723 = tpu.vector_load_idx %arg5[%add3A_722] : memref<45125xf32, #tpu.memory_space<vmem>>[vector<16xi32>], vector<16xf32>,
    %add3A_724 = arith.constant 3249 : i32
    %add3A_725 = vector.broadcast %add3A_724 : i32 to vector<16xi32>
    %add3A_726 = arith.addi %add3A_691, %add3A_725 : vector<16xi32>
    %gather3A_727 = tpu.vector_load_idx %arg5[%add3A_726] : memref<45125xf32, #tpu.memory_space<vmem>>[vector<16xi32>], vector<16xf32>,
    %add3A_728 = arith.constant 3610 : i32
    %add3A_729 = vector.broadcast %add3A_728 : i32 to vector<16xi32>
    %add3A_730 = arith.addi %add3A_691, %add3A_729 : vector<16xi32>
    %gather3A_731 = tpu.vector_load_idx %arg5[%add3A_730] : memref<45125xf32, #tpu.memory_space<vmem>>[vector<16xi32>], vector<16xf32>,
    %add3A_732 = arith.constant 3971 : i32
    %add3A_733 = vector.broadcast %add3A_732 : i32 to vector<16xi32>
    %add3A_734 = arith.addi %add3A_691, %add3A_733 : vector<16xi32>
    %gather3A_735 = tpu.vector_load_idx %arg5[%add3A_734] : memref<45125xf32, #tpu.memory_space<vmem>>[vector<16xi32>], vector<16xf32>,
    %add3A_736 = arith.constant 4332 : i32
    %add3A_737 = vector.broadcast %add3A_736 : i32 to vector<16xi32>
    %add3A_738 = arith.addi %add3A_691, %add3A_737 : vector<16xi32>
    %gather3A_739 = tpu.vector_load_idx %arg5[%add3A_738] : memref<45125xf32, #tpu.memory_space<vmem>>[vector<16xi32>], vector<16xf32>,
    %add3A_740 = arith.constant 4693 : i32
    %add3A_741 = vector.broadcast %add3A_740 : i32 to vector<16xi32>
    %add3A_742 = arith.addi %add3A_691, %add3A_741 : vector<16xi32>
    %gather3A_743 = tpu.vector_load_idx %arg5[%add3A_742] : memref<45125xf32, #tpu.memory_space<vmem>>[vector<16xi32>], vector<16xf32>,
    %add3A_744 = arith.constant 5054 : i32
    %add3A_745 = vector.broadcast %add3A_744 : i32 to vector<16xi32>
    %add3A_746 = arith.addi %add3A_691, %add3A_745 : vector<16xi32>
    %gather3A_747 = tpu.vector_load_idx %arg5[%add3A_746] : memref<45125xf32, #tpu.memory_space<vmem>>[vector<16xi32>], vector<16xf32>,
    %add3A_748 = arith.constant 5415 : i32
    %add3A_749 = vector.broadcast %add3A_748 : i32 to vector<16xi32>
    %add3A_750 = arith.addi %add3A_691, %add3A_749 : vector<16xi32>
    %gather3A_751 = tpu.vector_load_idx %arg5[%add3A_750] : memref<45125xf32, #tpu.memory_space<vmem>>[vector<16xi32>], vector<16xf32>,
    %add3A_752 = arith.constant 5776 : i32
    %add3A_753 = vector.broadcast %add3A_752 : i32 to vector<16xi32>
    %add3A_754 = arith.addi %add3A_691, %add3A_753 : vector<16xi32>
    %gather3A_755 = tpu.vector_load_idx %arg5[%add3A_754] : memref<45125xf32, #tpu.memory_space<vmem>>[vector<16xi32>], vector<16xf32>,
    %add3A_756 = arith.constant 6137 : i32
    %add3A_757 = vector.broadcast %add3A_756 : i32 to vector<16xi32>
    %add3A_758 = arith.addi %add3A_691, %add3A_757 : vector<16xi32>
    %gather3A_759 = tpu.vector_load_idx %arg5[%add3A_758] : memref<45125xf32, #tpu.memory_space<vmem>>[vector<16xi32>], vector<16xf32>,
    %add3A_760 = arith.constant 6498 : i32
    %add3A_761 = vector.broadcast %add3A_760 : i32 to vector<16xi32>
    %add3A_762 = arith.addi %add3A_691, %add3A_761 : vector<16xi32>
    %gather3A_763 = tpu.vector_load_idx %arg5[%add3A_762] : memref<45125xf32, #tpu.memory_space<vmem>>[vector<16xi32>], vector<16xf32>,
    %add3A_764 = arith.constant 6859 : i32
    %add3A_765 = vector.broadcast %add3A_764 : i32 to vector<16xi32>
    %add3A_766 = arith.addi %add3A_691, %add3A_765 : vector<16xi32>
    %gather3A_767 = tpu.vector_load_idx %arg5[%add3A_766] : memref<45125xf32, #tpu.memory_space<vmem>>[vector<16xi32>], vector<16xf32>,
    %add3A_768 = arith.constant 7220 : i32
    %add3A_769 = vector.broadcast %add3A_768 : i32 to vector<16xi32>
    %add3A_770 = arith.addi %add3A_691, %add3A_769 : vector<16xi32>
    %gather3A_771 = tpu.vector_load_idx %arg5[%add3A_770] : memref<45125xf32, #tpu.memory_space<vmem>>[vector<16xi32>], vector<16xf32>,
    %add3A_772 = arith.constant 7581 : i32
    %add3A_773 = vector.broadcast %add3A_772 : i32 to vector<16xi32>
    %add3A_774 = arith.addi %add3A_691, %add3A_773 : vector<16xi32>
    %gather3A_775 = tpu.vector_load_idx %arg5[%add3A_774] : memref<45125xf32, #tpu.memory_space<vmem>>[vector<16xi32>], vector<16xf32>,
    %add3A_776 = arith.constant 7942 : i32
    %add3A_777 = vector.broadcast %add3A_776 : i32 to vector<16xi32>
    %add3A_778 = arith.addi %add3A_691, %add3A_777 : vector<16xi32>
    %gather3A_779 = tpu.vector_load_idx %arg5[%add3A_778] : memref<45125xf32, #tpu.memory_space<vmem>>[vector<16xi32>], vector<16xf32>,
    %add3A_780 = arith.constant 8303 : i32
    %add3A_781 = vector.broadcast %add3A_780 : i32 to vector<16xi32>
    %add3A_782 = arith.addi %add3A_691, %add3A_781 : vector<16xi32>
    %gather3A_783 = tpu.vector_load_idx %arg5[%add3A_782] : memref<45125xf32, #tpu.memory_space<vmem>>[vector<16xi32>], vector<16xf32>,
    %add3A_784 = arith.constant 8664 : i32
    %add3A_785 = vector.broadcast %add3A_784 : i32 to vector<16xi32>
    %add3A_786 = arith.addi %add3A_691, %add3A_785 : vector<16xi32>
    %gather3A_787 = tpu.vector_load_idx %arg5[%add3A_786] : memref<45125xf32, #tpu.memory_space<vmem>>[vector<16xi32>], vector<16xf32>,
    %neg3A_788 = arith.constant 0.000000e+00 : f32
    %neg3A_789 = vector.broadcast %neg3A_788 : f32 to vector<16xf32>
    %neg3A_790 = arith.subf %neg3A_789, %gather3A : vector<16xf32>
    %exp3A = math.exp %neg3A_790 : vector<16xf32>
    %add3A_791 = arith.constant 1.000000e+00 : f32
    %add3A_792 = vector.broadcast %add3A_791 : f32 to vector<16xf32>
    %add3A_793 = arith.addf %add3A_792, %exp3A : vector<16xf32>
    %div3A_794 = arith.constant 1.000000e+00 : f32
    %div3A_795 = vector.broadcast %div3A_794 : f32 to vector<16xf32>
    %div3A_796 = arith.divf %div3A_795, %add3A_793 : vector<16xf32>
    %neg3A_797 = arith.constant 0.000000e+00 : f32
    %neg3A_798 = vector.broadcast %neg3A_797 : f32 to vector<16xf32>
    %neg3A_799 = arith.subf %neg3A_798, %gather3A_695 : vector<16xf32>
    %exp3A_800 = math.exp %neg3A_799 : vector<16xf32>
    %add3A_801 = arith.constant 1.000000e+00 : f32
    %add3A_802 = vector.broadcast %add3A_801 : f32 to vector<16xf32>
    %add3A_803 = arith.addf %add3A_802, %exp3A_800 : vector<16xf32>
    %div3A_804 = arith.constant 1.000000e+00 : f32
    %div3A_805 = vector.broadcast %div3A_804 : f32 to vector<16xf32>
    %div3A_806 = arith.divf %div3A_805, %add3A_803 : vector<16xf32>
    %neg3A_807 = arith.constant 0.000000e+00 : f32
    %neg3A_808 = vector.broadcast %neg3A_807 : f32 to vector<16xf32>
    %neg3A_809 = arith.subf %neg3A_808, %gather3A_707 : vector<16xf32>
    %exp3A_810 = math.exp %neg3A_809 : vector<16xf32>
    %add3A_811 = arith.constant 1.000000e+00 : f32
    %add3A_812 = vector.broadcast %add3A_811 : f32 to vector<16xf32>
    %add3A_813 = arith.addf %add3A_812, %exp3A_810 : vector<16xf32>
    %div3A_814 = arith.constant 1.000000e+00 : f32
    %div3A_815 = vector.broadcast %div3A_814 : f32 to vector<16xf32>
    %div3A_816 = arith.divf %div3A_815, %add3A_813 : vector<16xf32>
    %convert_element_type3A_817 = arith.sitofp %min3A_322 : vector<16xi32> to vector<16xf32>
    %add3A_818 = arith.addf %div3A_796, %convert_element_type3A_817 : vector<16xf32>
    %convert_element_type3A_819 = arith.sitofp %min3A_328 : vector<16xi32> to vector<16xf32>
    %add3A_820 = arith.addf %div3A_806, %convert_element_type3A_819 : vector<16xf32>
    %exp3A_821 = math.exp %gather3A_699 : vector<16xf32>
    %mul3A_822 = arith.mulf %exp3A_821, %select_n3A_312 : vector<16xf32>
    %exp3A_823 = math.exp %gather3A_703 : vector<16xf32>
    %mul3A_824 = arith.mulf %exp3A_823, %select_n3A_315 : vector<16xf32>
    %mul3A_825 = arith.mulf %mul3A_822, %mul3A_824 : vector<16xf32>
    %div3A_826 = arith.constant 2.000000e+00 : f32
    %div3A_827 = vector.broadcast %div3A_826 : f32 to vector<16xf32>
    %div3A_828 = arith.divf %mul3A_822, %div3A_827 : vector<16xf32>
    %div3A_829 = arith.constant 2.000000e+00 : f32
    %div3A_830 = vector.broadcast %div3A_829 : f32 to vector<16xf32>
    %div3A_831 = arith.divf %mul3A_824, %div3A_830 : vector<16xf32>
    %sub3A_832 = arith.subf %add3A_818, %div3A_828 : vector<16xf32>
    %add3A_833 = arith.addf %add3A_818, %div3A_828 : vector<16xf32>
    %sub3A_834 = arith.subf %add3A_820, %div3A_831 : vector<16xf32>
    %add3A_835 = arith.addf %add3A_820, %div3A_831 : vector<16xf32>
    %sub3A_836 = arith.subf %mul3A_26, %div3A_37 : vector<16xf32>
    %min3A_837 = arith.minimumf %sub3A_836, %sub3A_832 : vector<16xf32>
    %add3A_838 = arith.addf %mul3A_26, %div3A_37 : vector<16xf32>
    %max3A_839 = arith.maximumf %add3A_838, %add3A_833 : vector<16xf32>
    %sub3A_840 = arith.subf %mul3A_29, %div3A_40 : vector<16xf32>
    %min3A_841 = arith.minimumf %sub3A_840, %sub3A_834 : vector<16xf32>
    %add3A_842 = arith.addf %mul3A_29, %div3A_40 : vector<16xf32>
    %max3A_843 = arith.maximumf %add3A_842, %add3A_835 : vector<16xf32>
    %sub3A_844 = arith.subf %max3A_839, %min3A_837 : vector<16xf32>
    %sub3A_845 = arith.subf %max3A_843, %min3A_841 : vector<16xf32>
    %add3A_846 = arith.addf %mul3A_32, %mul3A_822 : vector<16xf32>
    %sub3A_847 = arith.subf %add3A_846, %sub3A_844 : vector<16xf32>
    %add3A_848 = arith.addf %mul3A_35, %mul3A_824 : vector<16xf32>
    %sub3A_849 = arith.subf %add3A_848, %sub3A_845 : vector<16xf32>
    %le3A_850 = arith.constant 0.000000e+00 : f32
    %le3A_851 = vector.broadcast %le3A_850 : f32 to vector<16xf32>
    %le3A_852 = arith.cmpf ole, %sub3A_847, %le3A_851 : vector<16xf32>
    %le3A_853 = arith.constant 0.000000e+00 : f32
    %le3A_854 = vector.broadcast %le3A_853 : f32 to vector<16xf32>
    %le3A_855 = arith.cmpf ole, %sub3A_849, %le3A_854 : vector<16xf32>
    %or3A_856 = arith.ori %le3A_852, %le3A_855 : vector<16xi1>
    %mul3A_857 = arith.mulf %sub3A_847, %sub3A_849 : vector<16xf32>
    %jit3A_858 = arith.constant 0.000000e+00 : f32
    %broadcast_in_dim3A_859 = vector.broadcast %jit3A_858 : f32 to vector<16xf32>
    %select_n3A_860 = arith.select %or3A_856, %broadcast_in_dim3A_859, %mul3A_857 : vector<16xi1>, vector<16xf32>
    %add3A_861 = arith.addf %mul3A_41, %mul3A_825 : vector<16xf32>
    %sub3A_862 = arith.subf %add3A_861, %select_n3A_860 : vector<16xf32>
    %div3A_863 = arith.divf %select_n3A_860, %sub3A_862 : vector<16xf32>
    %broadcast_in_dim3A_864 = arith.constant false
    %broadcast_in_dim3A_865 = vector.broadcast %broadcast_in_dim3A_864 : i1 to vector<16xi1>
    %broadcast_in_dim3A_866 = arith.constant true
    %broadcast_in_dim3A_867 = vector.broadcast %broadcast_in_dim3A_866 : i1 to vector<16xi1>
    %broadcast_in_dim3A_868 = arith.constant false
    %broadcast_in_dim3A_869 = vector.broadcast %broadcast_in_dim3A_868 : i1 to vector<16xi1>
    %scan3A = arith.constant true
    %scan3A_870 = arith.constant 0 : i32
    %scan3A_871 = arith.constant 30 : i32
    %scan3A_872 = arith.addi %scan3A_870, %scan3A_871 : i32
    %scan3A_873 = arith.constant 1 : i32
    %scan3A_874:4 = scf.for %scan3A_1843 = %scan3A_870 to %scan3A_872 step %scan3A_873 iter_args(%scan3A_1844 = %broadcast_in_dim3A_865, %scan3A_1845 = %broadcast_in_dim3A_867, %scan3A_1846 = %broadcast_in_dim3A_869, %scan3A_1847 = %scan3A) -> (vector<16xi1>, vector<16xi1>, vector<16xi1>, i1)  : i32 {
      %get3A_1848 = arith.constant 1 : i32
      %get3A_1849 = arith.index_cast %get3A_1848 : i32 to index
      %get3A_1850 = arith.index_cast %scan3A_1843 : i32 to index
      %get3A_1851 = tpu.vector_load %arg6[%get3A_1849, %get3A_1850] {strides = array<i32>} : memref<5x48xf32, #tpu.memory_space<vmem>>, vector<16xf32>,
      %slice3A = vector.extract_strided_slice %get3A_1851 {offsets = [0], sizes = [1], strides = [1]} : vector<16xf32> to vector<1xf32>
      %squeeze3A = vector.extract %slice3A[0] : f32 from vector<1xf32>
      %ne3A = arith.constant 0.000000e+00 : f32
      %ne3A_1852 = arith.cmpf one, %squeeze3A, %ne3A : f32
      %and3A_1853 = arith.andi %scan3A_1847, %ne3A_1852 : i1
      %mul3A_1854 = arith.constant 1.900000e+01 : f32
      %mul3A_1855 = arith.mulf %squeeze3A, %mul3A_1854 : f32
      %get3A_1856 = arith.constant 2 : i32
      %get3A_1857 = arith.index_cast %get3A_1856 : i32 to index
      %get3A_1858 = arith.index_cast %scan3A_1843 : i32 to index
      %get3A_1859 = tpu.vector_load %arg6[%get3A_1857, %get3A_1858] {strides = array<i32>} : memref<5x48xf32, #tpu.memory_space<vmem>>, vector<16xf32>,
      %slice3A_1860 = vector.extract_strided_slice %get3A_1859 {offsets = [0], sizes = [1], strides = [1]} : vector<16xf32> to vector<1xf32>
      %squeeze3A_1861 = vector.extract %slice3A_1860[0] : f32 from vector<1xf32>
      %mul3A_1862 = arith.constant 1.900000e+01 : f32
      %mul3A_1863 = arith.mulf %squeeze3A_1861, %mul3A_1862 : f32
      %get3A_1864 = arith.constant 3 : i32
      %get3A_1865 = arith.index_cast %get3A_1864 : i32 to index
      %get3A_1866 = arith.index_cast %scan3A_1843 : i32 to index
      %get3A_1867 = tpu.vector_load %arg6[%get3A_1865, %get3A_1866] {strides = array<i32>} : memref<5x48xf32, #tpu.memory_space<vmem>>, vector<16xf32>,
      %slice3A_1868 = vector.extract_strided_slice %get3A_1867 {offsets = [0], sizes = [1], strides = [1]} : vector<16xf32> to vector<1xf32>
      %squeeze3A_1869 = vector.extract %slice3A_1868[0] : f32 from vector<1xf32>
      %mul3A_1870 = arith.constant 1.900000e+01 : f32
      %mul3A_1871 = arith.mulf %squeeze3A_1869, %mul3A_1870 : f32
      %get3A_1872 = arith.constant 4 : i32
      %get3A_1873 = arith.index_cast %get3A_1872 : i32 to index
      %get3A_1874 = arith.index_cast %scan3A_1843 : i32 to index
      %get3A_1875 = tpu.vector_load %arg6[%get3A_1873, %get3A_1874] {strides = array<i32>} : memref<5x48xf32, #tpu.memory_space<vmem>>, vector<16xf32>,
      %slice3A_1876 = vector.extract_strided_slice %get3A_1875 {offsets = [0], sizes = [1], strides = [1]} : vector<16xf32> to vector<1xf32>
      %squeeze3A_1877 = vector.extract %slice3A_1876[0] : f32 from vector<1xf32>
      %mul3A_1878 = arith.constant 1.900000e+01 : f32
      %mul3A_1879 = arith.mulf %squeeze3A_1877, %mul3A_1878 : f32
      %mul3A_1880 = arith.constant 5.000000e-01 : f32
      %mul3A_1881 = arith.mulf %mul3A_1871, %mul3A_1880 : f32
      %mul3A_1882 = arith.constant 5.000000e-01 : f32
      %mul3A_1883 = arith.mulf %mul3A_1879, %mul3A_1882 : f32
      %sub3A_1884 = arith.subf %mul3A_1855, %mul3A_1881 : f32
      %min3A_1885 = vector.broadcast %sub3A_1884 : f32 to vector<16xf32>
      %min3A_1886 = arith.minimumf %sub3A_832, %min3A_1885 : vector<16xf32>
      %add3A_1887 = arith.addf %mul3A_1855, %mul3A_1881 : f32
      %max3A_1888 = vector.broadcast %add3A_1887 : f32 to vector<16xf32>
      %max3A_1889 = arith.maximumf %add3A_833, %max3A_1888 : vector<16xf32>
      %sub3A_1890 = arith.subf %mul3A_1863, %mul3A_1883 : f32
      %min3A_1891 = vector.broadcast %sub3A_1890 : f32 to vector<16xf32>
      %min3A_1892 = arith.minimumf %sub3A_834, %min3A_1891 : vector<16xf32>
      %add3A_1893 = arith.addf %mul3A_1863, %mul3A_1883 : f32
      %max3A_1894 = vector.broadcast %add3A_1893 : f32 to vector<16xf32>
      %max3A_1895 = arith.maximumf %add3A_835, %max3A_1894 : vector<16xf32>
      %sub3A_1896 = arith.subf %max3A_1889, %min3A_1886 : vector<16xf32>
      %sub3A_1897 = arith.subf %max3A_1895, %min3A_1892 : vector<16xf32>
      %add3A_1898 = vector.broadcast %mul3A_1871 : f32 to vector<16xf32>
      %add3A_1899 = arith.addf %mul3A_822, %add3A_1898 : vector<16xf32>
      %sub3A_1900 = arith.subf %add3A_1899, %sub3A_1896 : vector<16xf32>
      %add3A_1901 = vector.broadcast %mul3A_1879 : f32 to vector<16xf32>
      %add3A_1902 = arith.addf %mul3A_824, %add3A_1901 : vector<16xf32>
      %sub3A_1903 = arith.subf %add3A_1902, %sub3A_1897 : vector<16xf32>
      %gt3A_1904 = arith.constant 0.000000e+00 : f32
      %gt3A_1905 = vector.broadcast %gt3A_1904 : f32 to vector<16xf32>
      %gt3A_1906 = arith.cmpf ogt, %sub3A_1900, %gt3A_1905 : vector<16xf32>
      %gt3A_1907 = arith.constant 0.000000e+00 : f32
      %gt3A_1908 = vector.broadcast %gt3A_1907 : f32 to vector<16xf32>
      %gt3A_1909 = arith.cmpf ogt, %sub3A_1903, %gt3A_1908 : vector<16xf32>
      %and3A_1910 = arith.andi %gt3A_1906, %gt3A_1909 : vector<16xi1>
      %mul3A_1911 = arith.mulf %sub3A_1900, %sub3A_1903 : vector<16xf32>
      %mul3A_1912 = arith.mulf %mul3A_1871, %mul3A_1879 : f32
      %add3A_1913 = vector.broadcast %mul3A_1912 : f32 to vector<16xf32>
      %add3A_1914 = arith.addf %mul3A_825, %add3A_1913 : vector<16xf32>
      %mul3A_1915 = arith.constant 3.750000e-01 : f32
      %mul3A_1916 = vector.broadcast %mul3A_1915 : f32 to vector<16xf32>
      %mul3A_1917 = arith.mulf %mul3A_1916, %add3A_1914 : vector<16xf32>
      %gt3A_1918 = arith.cmpf ogt, %mul3A_1911, %mul3A_1917 : vector<16xf32>
      %and3A_1919 = arith.andi %and3A_1910, %gt3A_1918 : vector<16xi1>
      %and3A_1920 = vector.broadcast %and3A_1853 : i1 to vector<16xi1>
      %and3A_1921 = arith.andi %and3A_1919, %and3A_1920 : vector<16xi1>
      %or3A_1922 = arith.ori %scan3A_1844, %and3A_1921 : vector<16xi1>
      %get3A_1923 = arith.index_cast %scan3A_1843 : i32 to index
      %get3A_1924 = tpu.vector_load %arg7[%get3A_1923] {strides = array<i32>} : memref<48xi32, #tpu.memory_space<vmem>>, vector<16xi32>,
      %slice3A_1925 = vector.extract_strided_slice %get3A_1924 {offsets = [0], sizes = [1], strides = [1]} : vector<16xi32> to vector<1xi32>
      %squeeze3A_1926 = vector.extract %slice3A_1925[0] : i32 from vector<1xi32>
      %eq3A_1927 = vector.broadcast %squeeze3A_1926 : i32 to vector<16xi32>
      %eq3A_1928 = arith.cmpi eq, %eq3A_1927, %add3A_336 : vector<16xi32>
      %gt3A_1929 = vector.broadcast %scan3A_1843 : i32 to vector<16xi32>
      %gt3A_1930 = arith.cmpi sgt, %gt3A_1929, %add3A_4 : vector<16xi32>
      %and3A_1931 = arith.andi %eq3A_1928, %gt3A_1930 : vector<16xi1>
      %and3A_1932 = vector.broadcast %and3A_1853 : i1 to vector<16xi1>
      %and3A_1933 = arith.andi %and3A_1931, %and3A_1932 : vector<16xi1>
      %not3A = arith.constant dense<true> : vector<16xi1>
      %not3A_1934 = arith.xori %and3A_1933, %not3A : vector<16xi1>
      %and3A_1935 = arith.andi %scan3A_1845, %not3A_1934 : vector<16xi1>
      %eq3A_1936 = vector.broadcast %scan3A_1843 : i32 to vector<16xi32>
      %eq3A_1937 = arith.cmpi eq, %add3A_4, %eq3A_1936 : vector<16xi32>
      %and3A_1938 = vector.broadcast %and3A_1853 : i1 to vector<16xi1>
      %and3A_1939 = arith.andi %eq3A_1937, %and3A_1938 : vector<16xi1>
      %or3A_1940 = arith.ori %scan3A_1846, %and3A_1939 : vector<16xi1>
      scf.yield %or3A_1922, %and3A_1935, %or3A_1940, %and3A_1853 : vector<16xi1>, vector<16xi1>, vector<16xi1>, i1
    }
    %scan3A_875 = arith.constant 30 : i32
    %and3A = arith.andi %scan3A_874#1, %scan3A_874#2 : vector<16xi1>
    %jit3A_876 = arith.constant 0.000000e+00 : f32
    %jit3A_877 = arith.constant 1.000000e+00 : f32
    %broadcast_in_dim3A_878 = vector.broadcast %jit3A_876 : f32 to vector<16xf32>
    %broadcast_in_dim3A_879 = vector.broadcast %jit3A_877 : f32 to vector<16xf32>
    %select_n3A_880 = arith.select %scan3A_874#0, %broadcast_in_dim3A_878, %broadcast_in_dim3A_879 : vector<16xi1>, vector<16xf32>
    %convert_element_type3A_881 = arith.sitofp %convert_element_type3A : vector<16xi32> to vector<16xf32>
    %sub3A_882 = arith.subf %mul3A_26, %convert_element_type3A_881 : vector<16xf32>
    %convert_element_type3A_883 = arith.sitofp %convert_element_type3A_316 : vector<16xi32> to vector<16xf32>
    %sub3A_884 = arith.subf %mul3A_29, %convert_element_type3A_883 : vector<16xf32>
    %div3A_885 = arith.divf %mul3A_32, %select_n3A_312 : vector<16xf32>
    %bitcast3A = vector.bitcast %div3A_885 : vector<16xf32> to vector<16xi32>
    %shift_right_arithmetic3A = arith.constant 23 : i32
    %shift_right_arithmetic3A_886 = vector.broadcast %shift_right_arithmetic3A : i32 to vector<16xi32>
    %shift_right_arithmetic3A_887 = arith.shrsi %bitcast3A, %shift_right_arithmetic3A_886 : vector<16xi32>
    %and3A_888 = arith.constant 255 : i32
    %and3A_889 = vector.broadcast %and3A_888 : i32 to vector<16xi32>
    %and3A_890 = arith.andi %shift_right_arithmetic3A_887, %and3A_889 : vector<16xi32>
    %sub3A_891 = arith.constant 127 : i32
    %sub3A_892 = vector.broadcast %sub3A_891 : i32 to vector<16xi32>
    %sub3A_893 = arith.subi %and3A_890, %sub3A_892 : vector<16xi32>
    %and3A_894 = arith.constant 8388607 : i32
    %and3A_895 = vector.broadcast %and3A_894 : i32 to vector<16xi32>
    %and3A_896 = arith.andi %bitcast3A, %and3A_895 : vector<16xi32>
    %or3A_897 = arith.constant 1065353216 : i32
    %or3A_898 = vector.broadcast %or3A_897 : i32 to vector<16xi32>
    %or3A_899 = arith.ori %and3A_896, %or3A_898 : vector<16xi32>
    %bitcast3A_900 = vector.bitcast %or3A_899 : vector<16xi32> to vector<16xf32>
    %gt3A_901 = arith.constant 1.41421354 : f32
    %gt3A_902 = vector.broadcast %gt3A_901 : f32 to vector<16xf32>
    %gt3A_903 = arith.cmpf ogt, %bitcast3A_900, %gt3A_902 : vector<16xf32>
    %mul3A_904 = arith.constant 5.000000e-01 : f32
    %mul3A_905 = vector.broadcast %mul3A_904 : f32 to vector<16xf32>
    %mul3A_906 = arith.mulf %bitcast3A_900, %mul3A_905 : vector<16xf32>
    %select_n3A_907 = arith.select %gt3A_903, %mul3A_906, %bitcast3A_900 : vector<16xi1>, vector<16xf32>
    %convert_element_type3A_908 = arith.extui %gt3A_903 : vector<16xi1> to vector<16xi32>
    %add3A_909 = arith.addi %sub3A_893, %convert_element_type3A_908 : vector<16xi32>
    %sub3A_910 = arith.constant 1.000000e+00 : f32
    %sub3A_911 = vector.broadcast %sub3A_910 : f32 to vector<16xf32>
    %sub3A_912 = arith.subf %select_n3A_907, %sub3A_911 : vector<16xf32>
    %add3A_913 = arith.constant 1.000000e+00 : f32
    %add3A_914 = vector.broadcast %add3A_913 : f32 to vector<16xf32>
    %add3A_915 = arith.addf %select_n3A_907, %add3A_914 : vector<16xf32>
    %div3A_916 = arith.divf %sub3A_912, %add3A_915 : vector<16xf32>
    %mul3A_917 = arith.mulf %div3A_916, %div3A_916 : vector<16xf32>
    %mul3A_918 = arith.constant 0.111111112 : f32
    %mul3A_919 = vector.broadcast %mul3A_918 : f32 to vector<16xf32>
    %mul3A_920 = arith.mulf %mul3A_917, %mul3A_919 : vector<16xf32>
    %add3A_921 = arith.constant 0.142857149 : f32
    %add3A_922 = vector.broadcast %add3A_921 : f32 to vector<16xf32>
    %add3A_923 = arith.addf %add3A_922, %mul3A_920 : vector<16xf32>
    %mul3A_924 = arith.mulf %mul3A_917, %add3A_923 : vector<16xf32>
    %add3A_925 = arith.constant 2.000000e-01 : f32
    %add3A_926 = vector.broadcast %add3A_925 : f32 to vector<16xf32>
    %add3A_927 = arith.addf %add3A_926, %mul3A_924 : vector<16xf32>
    %mul3A_928 = arith.mulf %mul3A_917, %add3A_927 : vector<16xf32>
    %add3A_929 = arith.constant 0.333333343 : f32
    %add3A_930 = vector.broadcast %add3A_929 : f32 to vector<16xf32>
    %add3A_931 = arith.addf %add3A_930, %mul3A_928 : vector<16xf32>
    %mul3A_932 = arith.mulf %mul3A_917, %add3A_931 : vector<16xf32>
    %add3A_933 = arith.constant 1.000000e+00 : f32
    %add3A_934 = vector.broadcast %add3A_933 : f32 to vector<16xf32>
    %add3A_935 = arith.addf %add3A_934, %mul3A_932 : vector<16xf32>
    %convert_element_type3A_936 = arith.sitofp %add3A_909 : vector<16xi32> to vector<16xf32>
    %mul3A_937 = arith.constant 0.693147182 : f32
    %mul3A_938 = vector.broadcast %mul3A_937 : f32 to vector<16xf32>
    %mul3A_939 = arith.mulf %convert_element_type3A_936, %mul3A_938 : vector<16xf32>
    %mul3A_940 = arith.constant 2.000000e+00 : f32
    %mul3A_941 = vector.broadcast %mul3A_940 : f32 to vector<16xf32>
    %mul3A_942 = arith.mulf %mul3A_941, %div3A_916 : vector<16xf32>
    %mul3A_943 = arith.mulf %mul3A_942, %add3A_935 : vector<16xf32>
    %add3A_944 = arith.addf %mul3A_939, %mul3A_943 : vector<16xf32>
    %div3A_945 = arith.divf %mul3A_35, %select_n3A_315 : vector<16xf32>
    %bitcast3A_946 = vector.bitcast %div3A_945 : vector<16xf32> to vector<16xi32>
    %shift_right_arithmetic3A_947 = arith.constant 23 : i32
    %shift_right_arithmetic3A_948 = vector.broadcast %shift_right_arithmetic3A_947 : i32 to vector<16xi32>
    %shift_right_arithmetic3A_949 = arith.shrsi %bitcast3A_946, %shift_right_arithmetic3A_948 : vector<16xi32>
    %and3A_950 = arith.constant 255 : i32
    %and3A_951 = vector.broadcast %and3A_950 : i32 to vector<16xi32>
    %and3A_952 = arith.andi %shift_right_arithmetic3A_949, %and3A_951 : vector<16xi32>
    %sub3A_953 = arith.constant 127 : i32
    %sub3A_954 = vector.broadcast %sub3A_953 : i32 to vector<16xi32>
    %sub3A_955 = arith.subi %and3A_952, %sub3A_954 : vector<16xi32>
    %and3A_956 = arith.constant 8388607 : i32
    %and3A_957 = vector.broadcast %and3A_956 : i32 to vector<16xi32>
    %and3A_958 = arith.andi %bitcast3A_946, %and3A_957 : vector<16xi32>
    %or3A_959 = arith.constant 1065353216 : i32
    %or3A_960 = vector.broadcast %or3A_959 : i32 to vector<16xi32>
    %or3A_961 = arith.ori %and3A_958, %or3A_960 : vector<16xi32>
    %bitcast3A_962 = vector.bitcast %or3A_961 : vector<16xi32> to vector<16xf32>
    %gt3A_963 = arith.constant 1.41421354 : f32
    %gt3A_964 = vector.broadcast %gt3A_963 : f32 to vector<16xf32>
    %gt3A_965 = arith.cmpf ogt, %bitcast3A_962, %gt3A_964 : vector<16xf32>
    %mul3A_966 = arith.constant 5.000000e-01 : f32
    %mul3A_967 = vector.broadcast %mul3A_966 : f32 to vector<16xf32>
    %mul3A_968 = arith.mulf %bitcast3A_962, %mul3A_967 : vector<16xf32>
    %select_n3A_969 = arith.select %gt3A_965, %mul3A_968, %bitcast3A_962 : vector<16xi1>, vector<16xf32>
    %convert_element_type3A_970 = arith.extui %gt3A_965 : vector<16xi1> to vector<16xi32>
    %add3A_971 = arith.addi %sub3A_955, %convert_element_type3A_970 : vector<16xi32>
    %sub3A_972 = arith.constant 1.000000e+00 : f32
    %sub3A_973 = vector.broadcast %sub3A_972 : f32 to vector<16xf32>
    %sub3A_974 = arith.subf %select_n3A_969, %sub3A_973 : vector<16xf32>
    %add3A_975 = arith.constant 1.000000e+00 : f32
    %add3A_976 = vector.broadcast %add3A_975 : f32 to vector<16xf32>
    %add3A_977 = arith.addf %select_n3A_969, %add3A_976 : vector<16xf32>
    %div3A_978 = arith.divf %sub3A_974, %add3A_977 : vector<16xf32>
    %mul3A_979 = arith.mulf %div3A_978, %div3A_978 : vector<16xf32>
    %mul3A_980 = arith.constant 0.111111112 : f32
    %mul3A_981 = vector.broadcast %mul3A_980 : f32 to vector<16xf32>
    %mul3A_982 = arith.mulf %mul3A_979, %mul3A_981 : vector<16xf32>
    %add3A_983 = arith.constant 0.142857149 : f32
    %add3A_984 = vector.broadcast %add3A_983 : f32 to vector<16xf32>
    %add3A_985 = arith.addf %add3A_984, %mul3A_982 : vector<16xf32>
    %mul3A_986 = arith.mulf %mul3A_979, %add3A_985 : vector<16xf32>
    %add3A_987 = arith.constant 2.000000e-01 : f32
    %add3A_988 = vector.broadcast %add3A_987 : f32 to vector<16xf32>
    %add3A_989 = arith.addf %add3A_988, %mul3A_986 : vector<16xf32>
    %mul3A_990 = arith.mulf %mul3A_979, %add3A_989 : vector<16xf32>
    %add3A_991 = arith.constant 0.333333343 : f32
    %add3A_992 = vector.broadcast %add3A_991 : f32 to vector<16xf32>
    %add3A_993 = arith.addf %add3A_992, %mul3A_990 : vector<16xf32>
    %mul3A_994 = arith.mulf %mul3A_979, %add3A_993 : vector<16xf32>
    %add3A_995 = arith.constant 1.000000e+00 : f32
    %add3A_996 = vector.broadcast %add3A_995 : f32 to vector<16xf32>
    %add3A_997 = arith.addf %add3A_996, %mul3A_994 : vector<16xf32>
    %convert_element_type3A_998 = arith.sitofp %add3A_971 : vector<16xi32> to vector<16xf32>
    %mul3A_999 = arith.constant 0.693147182 : f32
    %mul3A_1000 = vector.broadcast %mul3A_999 : f32 to vector<16xf32>
    %mul3A_1001 = arith.mulf %convert_element_type3A_998, %mul3A_1000 : vector<16xf32>
    %mul3A_1002 = arith.constant 2.000000e+00 : f32
    %mul3A_1003 = vector.broadcast %mul3A_1002 : f32 to vector<16xf32>
    %mul3A_1004 = arith.mulf %mul3A_1003, %div3A_978 : vector<16xf32>
    %mul3A_1005 = arith.mulf %mul3A_1004, %add3A_997 : vector<16xf32>
    %add3A_1006 = arith.addf %mul3A_1001, %mul3A_1005 : vector<16xf32>
    %sub3A_1007 = arith.subf %div3A_796, %sub3A_882 : vector<16xf32>
    %sub3A_1008 = arith.subf %div3A_806, %sub3A_884 : vector<16xf32>
    %sub3A_1009 = arith.subf %gather3A_699, %add3A_944 : vector<16xf32>
    %sub3A_1010 = arith.subf %gather3A_703, %add3A_1006 : vector<16xf32>
    %mul3A_1011 = arith.mulf %sub3A_1007, %sub3A_1007 : vector<16xf32>
    %mul3A_1012 = arith.mulf %sub3A_1008, %sub3A_1008 : vector<16xf32>
    %add3A_1013 = arith.addf %mul3A_1011, %mul3A_1012 : vector<16xf32>
    %mul3A_1014 = arith.mulf %sub3A_1009, %sub3A_1009 : vector<16xf32>
    %add3A_1015 = arith.addf %add3A_1013, %mul3A_1014 : vector<16xf32>
    %mul3A_1016 = arith.mulf %sub3A_1010, %sub3A_1010 : vector<16xf32>
    %add3A_1017 = arith.addf %add3A_1015, %mul3A_1016 : vector<16xf32>
    %sub3A_1018 = arith.subf %div3A_816, %div3A_863 : vector<16xf32>
    %mul3A_1019 = arith.constant 5.000000e+00 : f32
    %mul3A_1020 = vector.broadcast %mul3A_1019 : f32 to vector<16xf32>
    %mul3A_1021 = arith.mulf %mul3A_1020, %sub3A_1018 : vector<16xf32>
    %mul3A_1022 = arith.mulf %mul3A_1021, %sub3A_1018 : vector<16xf32>
    %mul3A_1023 = arith.mulf %select_n3A_880, %div3A_816 : vector<16xf32>
    %mul3A_1024 = arith.mulf %mul3A_1023, %div3A_816 : vector<16xf32>
    %sub3A_1025 = arith.subf %mul3A_1022, %mul3A_1024 : vector<16xf32>
    %max3A_1026 = arith.maximumf %gather3A_711, %gather3A_715 : vector<16xf32>
    %max3A_1027 = arith.maximumf %max3A_1026, %gather3A_719 : vector<16xf32>
    %max3A_1028 = arith.maximumf %max3A_1027, %gather3A_723 : vector<16xf32>
    %max3A_1029 = arith.maximumf %max3A_1028, %gather3A_727 : vector<16xf32>
    %max3A_1030 = arith.maximumf %max3A_1029, %gather3A_731 : vector<16xf32>
    %max3A_1031 = arith.maximumf %max3A_1030, %gather3A_735 : vector<16xf32>
    %max3A_1032 = arith.maximumf %max3A_1031, %gather3A_739 : vector<16xf32>
    %max3A_1033 = arith.maximumf %max3A_1032, %gather3A_743 : vector<16xf32>
    %max3A_1034 = arith.maximumf %max3A_1033, %gather3A_747 : vector<16xf32>
    %max3A_1035 = arith.maximumf %max3A_1034, %gather3A_751 : vector<16xf32>
    %max3A_1036 = arith.maximumf %max3A_1035, %gather3A_755 : vector<16xf32>
    %max3A_1037 = arith.maximumf %max3A_1036, %gather3A_759 : vector<16xf32>
    %max3A_1038 = arith.maximumf %max3A_1037, %gather3A_763 : vector<16xf32>
    %max3A_1039 = arith.maximumf %max3A_1038, %gather3A_767 : vector<16xf32>
    %max3A_1040 = arith.maximumf %max3A_1039, %gather3A_771 : vector<16xf32>
    %max3A_1041 = arith.maximumf %max3A_1040, %gather3A_775 : vector<16xf32>
    %max3A_1042 = arith.maximumf %max3A_1041, %gather3A_779 : vector<16xf32>
    %max3A_1043 = arith.maximumf %max3A_1042, %gather3A_783 : vector<16xf32>
    %max3A_1044 = arith.maximumf %max3A_1043, %gather3A_787 : vector<16xf32>
    %sub3A_1045 = arith.subf %gather3A_711, %max3A_1044 : vector<16xf32>
    %exp3A_1046 = math.exp %sub3A_1045 : vector<16xf32>
    %sub3A_1047 = arith.subf %gather3A_715, %max3A_1044 : vector<16xf32>
    %exp3A_1048 = math.exp %sub3A_1047 : vector<16xf32>
    %add3A_1049 = arith.addf %exp3A_1046, %exp3A_1048 : vector<16xf32>
    %sub3A_1050 = arith.subf %gather3A_719, %max3A_1044 : vector<16xf32>
    %exp3A_1051 = math.exp %sub3A_1050 : vector<16xf32>
    %add3A_1052 = arith.addf %add3A_1049, %exp3A_1051 : vector<16xf32>
    %sub3A_1053 = arith.subf %gather3A_723, %max3A_1044 : vector<16xf32>
    %exp3A_1054 = math.exp %sub3A_1053 : vector<16xf32>
    %add3A_1055 = arith.addf %add3A_1052, %exp3A_1054 : vector<16xf32>
    %sub3A_1056 = arith.subf %gather3A_727, %max3A_1044 : vector<16xf32>
    %exp3A_1057 = math.exp %sub3A_1056 : vector<16xf32>
    %add3A_1058 = arith.addf %add3A_1055, %exp3A_1057 : vector<16xf32>
    %sub3A_1059 = arith.subf %gather3A_731, %max3A_1044 : vector<16xf32>
    %exp3A_1060 = math.exp %sub3A_1059 : vector<16xf32>
    %add3A_1061 = arith.addf %add3A_1058, %exp3A_1060 : vector<16xf32>
    %sub3A_1062 = arith.subf %gather3A_735, %max3A_1044 : vector<16xf32>
    %exp3A_1063 = math.exp %sub3A_1062 : vector<16xf32>
    %add3A_1064 = arith.addf %add3A_1061, %exp3A_1063 : vector<16xf32>
    %sub3A_1065 = arith.subf %gather3A_739, %max3A_1044 : vector<16xf32>
    %exp3A_1066 = math.exp %sub3A_1065 : vector<16xf32>
    %add3A_1067 = arith.addf %add3A_1064, %exp3A_1066 : vector<16xf32>
    %sub3A_1068 = arith.subf %gather3A_743, %max3A_1044 : vector<16xf32>
    %exp3A_1069 = math.exp %sub3A_1068 : vector<16xf32>
    %add3A_1070 = arith.addf %add3A_1067, %exp3A_1069 : vector<16xf32>
    %sub3A_1071 = arith.subf %gather3A_747, %max3A_1044 : vector<16xf32>
    %exp3A_1072 = math.exp %sub3A_1071 : vector<16xf32>
    %add3A_1073 = arith.addf %add3A_1070, %exp3A_1072 : vector<16xf32>
    %sub3A_1074 = arith.subf %gather3A_751, %max3A_1044 : vector<16xf32>
    %exp3A_1075 = math.exp %sub3A_1074 : vector<16xf32>
    %add3A_1076 = arith.addf %add3A_1073, %exp3A_1075 : vector<16xf32>
    %sub3A_1077 = arith.subf %gather3A_755, %max3A_1044 : vector<16xf32>
    %exp3A_1078 = math.exp %sub3A_1077 : vector<16xf32>
    %add3A_1079 = arith.addf %add3A_1076, %exp3A_1078 : vector<16xf32>
    %sub3A_1080 = arith.subf %gather3A_759, %max3A_1044 : vector<16xf32>
    %exp3A_1081 = math.exp %sub3A_1080 : vector<16xf32>
    %add3A_1082 = arith.addf %add3A_1079, %exp3A_1081 : vector<16xf32>
    %sub3A_1083 = arith.subf %gather3A_763, %max3A_1044 : vector<16xf32>
    %exp3A_1084 = math.exp %sub3A_1083 : vector<16xf32>
    %add3A_1085 = arith.addf %add3A_1082, %exp3A_1084 : vector<16xf32>
    %sub3A_1086 = arith.subf %gather3A_767, %max3A_1044 : vector<16xf32>
    %exp3A_1087 = math.exp %sub3A_1086 : vector<16xf32>
    %add3A_1088 = arith.addf %add3A_1085, %exp3A_1087 : vector<16xf32>
    %sub3A_1089 = arith.subf %gather3A_771, %max3A_1044 : vector<16xf32>
    %exp3A_1090 = math.exp %sub3A_1089 : vector<16xf32>
    %add3A_1091 = arith.addf %add3A_1088, %exp3A_1090 : vector<16xf32>
    %sub3A_1092 = arith.subf %gather3A_775, %max3A_1044 : vector<16xf32>
    %exp3A_1093 = math.exp %sub3A_1092 : vector<16xf32>
    %add3A_1094 = arith.addf %add3A_1091, %exp3A_1093 : vector<16xf32>
    %sub3A_1095 = arith.subf %gather3A_779, %max3A_1044 : vector<16xf32>
    %exp3A_1096 = math.exp %sub3A_1095 : vector<16xf32>
    %add3A_1097 = arith.addf %add3A_1094, %exp3A_1096 : vector<16xf32>
    %sub3A_1098 = arith.subf %gather3A_783, %max3A_1044 : vector<16xf32>
    %exp3A_1099 = math.exp %sub3A_1098 : vector<16xf32>
    %add3A_1100 = arith.addf %add3A_1097, %exp3A_1099 : vector<16xf32>
    %sub3A_1101 = arith.subf %gather3A_787, %max3A_1044 : vector<16xf32>
    %exp3A_1102 = math.exp %sub3A_1101 : vector<16xf32>
    %add3A_1103 = arith.addf %add3A_1100, %exp3A_1102 : vector<16xf32>
    %bitcast3A_1104 = vector.bitcast %add3A_1103 : vector<16xf32> to vector<16xi32>
    %shift_right_arithmetic3A_1105 = arith.constant 23 : i32
    %shift_right_arithmetic3A_1106 = vector.broadcast %shift_right_arithmetic3A_1105 : i32 to vector<16xi32>
    %shift_right_arithmetic3A_1107 = arith.shrsi %bitcast3A_1104, %shift_right_arithmetic3A_1106 : vector<16xi32>
    %and3A_1108 = arith.constant 255 : i32
    %and3A_1109 = vector.broadcast %and3A_1108 : i32 to vector<16xi32>
    %and3A_1110 = arith.andi %shift_right_arithmetic3A_1107, %and3A_1109 : vector<16xi32>
    %sub3A_1111 = arith.constant 127 : i32
    %sub3A_1112 = vector.broadcast %sub3A_1111 : i32 to vector<16xi32>
    %sub3A_1113 = arith.subi %and3A_1110, %sub3A_1112 : vector<16xi32>
    %and3A_1114 = arith.constant 8388607 : i32
    %and3A_1115 = vector.broadcast %and3A_1114 : i32 to vector<16xi32>
    %and3A_1116 = arith.andi %bitcast3A_1104, %and3A_1115 : vector<16xi32>
    %or3A_1117 = arith.constant 1065353216 : i32
    %or3A_1118 = vector.broadcast %or3A_1117 : i32 to vector<16xi32>
    %or3A_1119 = arith.ori %and3A_1116, %or3A_1118 : vector<16xi32>
    %bitcast3A_1120 = vector.bitcast %or3A_1119 : vector<16xi32> to vector<16xf32>
    %gt3A_1121 = arith.constant 1.41421354 : f32
    %gt3A_1122 = vector.broadcast %gt3A_1121 : f32 to vector<16xf32>
    %gt3A_1123 = arith.cmpf ogt, %bitcast3A_1120, %gt3A_1122 : vector<16xf32>
    %mul3A_1124 = arith.constant 5.000000e-01 : f32
    %mul3A_1125 = vector.broadcast %mul3A_1124 : f32 to vector<16xf32>
    %mul3A_1126 = arith.mulf %bitcast3A_1120, %mul3A_1125 : vector<16xf32>
    %select_n3A_1127 = arith.select %gt3A_1123, %mul3A_1126, %bitcast3A_1120 : vector<16xi1>, vector<16xf32>
    %convert_element_type3A_1128 = arith.extui %gt3A_1123 : vector<16xi1> to vector<16xi32>
    %add3A_1129 = arith.addi %sub3A_1113, %convert_element_type3A_1128 : vector<16xi32>
    %sub3A_1130 = arith.constant 1.000000e+00 : f32
    %sub3A_1131 = vector.broadcast %sub3A_1130 : f32 to vector<16xf32>
    %sub3A_1132 = arith.subf %select_n3A_1127, %sub3A_1131 : vector<16xf32>
    %add3A_1133 = arith.constant 1.000000e+00 : f32
    %add3A_1134 = vector.broadcast %add3A_1133 : f32 to vector<16xf32>
    %add3A_1135 = arith.addf %select_n3A_1127, %add3A_1134 : vector<16xf32>
    %div3A_1136 = arith.divf %sub3A_1132, %add3A_1135 : vector<16xf32>
    %mul3A_1137 = arith.mulf %div3A_1136, %div3A_1136 : vector<16xf32>
    %mul3A_1138 = arith.constant 0.111111112 : f32
    %mul3A_1139 = vector.broadcast %mul3A_1138 : f32 to vector<16xf32>
    %mul3A_1140 = arith.mulf %mul3A_1137, %mul3A_1139 : vector<16xf32>
    %add3A_1141 = arith.constant 0.142857149 : f32
    %add3A_1142 = vector.broadcast %add3A_1141 : f32 to vector<16xf32>
    %add3A_1143 = arith.addf %add3A_1142, %mul3A_1140 : vector<16xf32>
    %mul3A_1144 = arith.mulf %mul3A_1137, %add3A_1143 : vector<16xf32>
    %add3A_1145 = arith.constant 2.000000e-01 : f32
    %add3A_1146 = vector.broadcast %add3A_1145 : f32 to vector<16xf32>
    %add3A_1147 = arith.addf %add3A_1146, %mul3A_1144 : vector<16xf32>
    %mul3A_1148 = arith.mulf %mul3A_1137, %add3A_1147 : vector<16xf32>
    %add3A_1149 = arith.constant 0.333333343 : f32
    %add3A_1150 = vector.broadcast %add3A_1149 : f32 to vector<16xf32>
    %add3A_1151 = arith.addf %add3A_1150, %mul3A_1148 : vector<16xf32>
    %mul3A_1152 = arith.mulf %mul3A_1137, %add3A_1151 : vector<16xf32>
    %add3A_1153 = arith.constant 1.000000e+00 : f32
    %add3A_1154 = vector.broadcast %add3A_1153 : f32 to vector<16xf32>
    %add3A_1155 = arith.addf %add3A_1154, %mul3A_1152 : vector<16xf32>
    %convert_element_type3A_1156 = arith.sitofp %add3A_1129 : vector<16xi32> to vector<16xf32>
    %mul3A_1157 = arith.constant 0.693147182 : f32
    %mul3A_1158 = vector.broadcast %mul3A_1157 : f32 to vector<16xf32>
    %mul3A_1159 = arith.mulf %convert_element_type3A_1156, %mul3A_1158 : vector<16xf32>
    %mul3A_1160 = arith.constant 2.000000e+00 : f32
    %mul3A_1161 = vector.broadcast %mul3A_1160 : f32 to vector<16xf32>
    %mul3A_1162 = arith.mulf %mul3A_1161, %div3A_1136 : vector<16xf32>
    %mul3A_1163 = arith.mulf %mul3A_1162, %add3A_1155 : vector<16xf32>
    %add3A_1164 = arith.addf %mul3A_1159, %mul3A_1163 : vector<16xf32>
    %add3A_1165 = arith.addf %max3A_1044, %add3A_1164 : vector<16xf32>
    %convert_element_type3A_1166 = arith.fptosi %get3A_7 : vector<16xf32> to vector<16xi32>
    %broadcast_in_dim3A_1167 = arith.constant 0.000000e+00 : f32
    %broadcast_in_dim3A_1168 = vector.broadcast %broadcast_in_dim3A_1167 : f32 to vector<16xf32>
    %eq3A = arith.constant 0 : i32
    %eq3A_1169 = vector.broadcast %eq3A : i32 to vector<16xi32>
    %eq3A_1170 = arith.cmpi eq, %convert_element_type3A_1166, %eq3A_1169 : vector<16xi32>
    %select_n3A_1171 = arith.select %eq3A_1170, %gather3A_711, %broadcast_in_dim3A_1168 : vector<16xi1>, vector<16xf32>
    %eq3A_1172 = arith.constant 1 : i32
    %eq3A_1173 = vector.broadcast %eq3A_1172 : i32 to vector<16xi32>
    %eq3A_1174 = arith.cmpi eq, %convert_element_type3A_1166, %eq3A_1173 : vector<16xi32>
    %select_n3A_1175 = arith.select %eq3A_1174, %gather3A_715, %select_n3A_1171 : vector<16xi1>, vector<16xf32>
    %eq3A_1176 = arith.constant 2 : i32
    %eq3A_1177 = vector.broadcast %eq3A_1176 : i32 to vector<16xi32>
    %eq3A_1178 = arith.cmpi eq, %convert_element_type3A_1166, %eq3A_1177 : vector<16xi32>
    %select_n3A_1179 = arith.select %eq3A_1178, %gather3A_719, %select_n3A_1175 : vector<16xi1>, vector<16xf32>
    %eq3A_1180 = arith.constant 3 : i32
    %eq3A_1181 = vector.broadcast %eq3A_1180 : i32 to vector<16xi32>
    %eq3A_1182 = arith.cmpi eq, %convert_element_type3A_1166, %eq3A_1181 : vector<16xi32>
    %select_n3A_1183 = arith.select %eq3A_1182, %gather3A_723, %select_n3A_1179 : vector<16xi1>, vector<16xf32>
    %eq3A_1184 = arith.constant 4 : i32
    %eq3A_1185 = vector.broadcast %eq3A_1184 : i32 to vector<16xi32>
    %eq3A_1186 = arith.cmpi eq, %convert_element_type3A_1166, %eq3A_1185 : vector<16xi32>
    %select_n3A_1187 = arith.select %eq3A_1186, %gather3A_727, %select_n3A_1183 : vector<16xi1>, vector<16xf32>
    %eq3A_1188 = arith.constant 5 : i32
    %eq3A_1189 = vector.broadcast %eq3A_1188 : i32 to vector<16xi32>
    %eq3A_1190 = arith.cmpi eq, %convert_element_type3A_1166, %eq3A_1189 : vector<16xi32>
    %select_n3A_1191 = arith.select %eq3A_1190, %gather3A_731, %select_n3A_1187 : vector<16xi1>, vector<16xf32>
    %eq3A_1192 = arith.constant 6 : i32
    %eq3A_1193 = vector.broadcast %eq3A_1192 : i32 to vector<16xi32>
    %eq3A_1194 = arith.cmpi eq, %convert_element_type3A_1166, %eq3A_1193 : vector<16xi32>
    %select_n3A_1195 = arith.select %eq3A_1194, %gather3A_735, %select_n3A_1191 : vector<16xi1>, vector<16xf32>
    %eq3A_1196 = arith.constant 7 : i32
    %eq3A_1197 = vector.broadcast %eq3A_1196 : i32 to vector<16xi32>
    %eq3A_1198 = arith.cmpi eq, %convert_element_type3A_1166, %eq3A_1197 : vector<16xi32>
    %select_n3A_1199 = arith.select %eq3A_1198, %gather3A_739, %select_n3A_1195 : vector<16xi1>, vector<16xf32>
    %eq3A_1200 = arith.constant 8 : i32
    %eq3A_1201 = vector.broadcast %eq3A_1200 : i32 to vector<16xi32>
    %eq3A_1202 = arith.cmpi eq, %convert_element_type3A_1166, %eq3A_1201 : vector<16xi32>
    %select_n3A_1203 = arith.select %eq3A_1202, %gather3A_743, %select_n3A_1199 : vector<16xi1>, vector<16xf32>
    %eq3A_1204 = arith.constant 9 : i32
    %eq3A_1205 = vector.broadcast %eq3A_1204 : i32 to vector<16xi32>
    %eq3A_1206 = arith.cmpi eq, %convert_element_type3A_1166, %eq3A_1205 : vector<16xi32>
    %select_n3A_1207 = arith.select %eq3A_1206, %gather3A_747, %select_n3A_1203 : vector<16xi1>, vector<16xf32>
    %eq3A_1208 = arith.constant 10 : i32
    %eq3A_1209 = vector.broadcast %eq3A_1208 : i32 to vector<16xi32>
    %eq3A_1210 = arith.cmpi eq, %convert_element_type3A_1166, %eq3A_1209 : vector<16xi32>
    %select_n3A_1211 = arith.select %eq3A_1210, %gather3A_751, %select_n3A_1207 : vector<16xi1>, vector<16xf32>
    %eq3A_1212 = arith.constant 11 : i32
    %eq3A_1213 = vector.broadcast %eq3A_1212 : i32 to vector<16xi32>
    %eq3A_1214 = arith.cmpi eq, %convert_element_type3A_1166, %eq3A_1213 : vector<16xi32>
    %select_n3A_1215 = arith.select %eq3A_1214, %gather3A_755, %select_n3A_1211 : vector<16xi1>, vector<16xf32>
    %eq3A_1216 = arith.constant 12 : i32
    %eq3A_1217 = vector.broadcast %eq3A_1216 : i32 to vector<16xi32>
    %eq3A_1218 = arith.cmpi eq, %convert_element_type3A_1166, %eq3A_1217 : vector<16xi32>
    %select_n3A_1219 = arith.select %eq3A_1218, %gather3A_759, %select_n3A_1215 : vector<16xi1>, vector<16xf32>
    %eq3A_1220 = arith.constant 13 : i32
    %eq3A_1221 = vector.broadcast %eq3A_1220 : i32 to vector<16xi32>
    %eq3A_1222 = arith.cmpi eq, %convert_element_type3A_1166, %eq3A_1221 : vector<16xi32>
    %select_n3A_1223 = arith.select %eq3A_1222, %gather3A_763, %select_n3A_1219 : vector<16xi1>, vector<16xf32>
    %eq3A_1224 = arith.constant 14 : i32
    %eq3A_1225 = vector.broadcast %eq3A_1224 : i32 to vector<16xi32>
    %eq3A_1226 = arith.cmpi eq, %convert_element_type3A_1166, %eq3A_1225 : vector<16xi32>
    %select_n3A_1227 = arith.select %eq3A_1226, %gather3A_767, %select_n3A_1223 : vector<16xi1>, vector<16xf32>
    %eq3A_1228 = arith.constant 15 : i32
    %eq3A_1229 = vector.broadcast %eq3A_1228 : i32 to vector<16xi32>
    %eq3A_1230 = arith.cmpi eq, %convert_element_type3A_1166, %eq3A_1229 : vector<16xi32>
    %select_n3A_1231 = arith.select %eq3A_1230, %gather3A_771, %select_n3A_1227 : vector<16xi1>, vector<16xf32>
    %eq3A_1232 = arith.constant 16 : i32
    %eq3A_1233 = vector.broadcast %eq3A_1232 : i32 to vector<16xi32>
    %eq3A_1234 = arith.cmpi eq, %convert_element_type3A_1166, %eq3A_1233 : vector<16xi32>
    %select_n3A_1235 = arith.select %eq3A_1234, %gather3A_775, %select_n3A_1231 : vector<16xi1>, vector<16xf32>
    %eq3A_1236 = arith.constant 17 : i32
    %eq3A_1237 = vector.broadcast %eq3A_1236 : i32 to vector<16xi32>
    %eq3A_1238 = arith.cmpi eq, %convert_element_type3A_1166, %eq3A_1237 : vector<16xi32>
    %select_n3A_1239 = arith.select %eq3A_1238, %gather3A_779, %select_n3A_1235 : vector<16xi1>, vector<16xf32>
    %eq3A_1240 = arith.constant 18 : i32
    %eq3A_1241 = vector.broadcast %eq3A_1240 : i32 to vector<16xi32>
    %eq3A_1242 = arith.cmpi eq, %convert_element_type3A_1166, %eq3A_1241 : vector<16xi32>
    %select_n3A_1243 = arith.select %eq3A_1242, %gather3A_783, %select_n3A_1239 : vector<16xi1>, vector<16xf32>
    %eq3A_1244 = arith.constant 19 : i32
    %eq3A_1245 = vector.broadcast %eq3A_1244 : i32 to vector<16xi32>
    %eq3A_1246 = arith.cmpi eq, %convert_element_type3A_1166, %eq3A_1245 : vector<16xi32>
    %select_n3A_1247 = arith.select %eq3A_1246, %gather3A_787, %select_n3A_1243 : vector<16xi1>, vector<16xf32>
    %mul3A_1248 = arith.constant 5.000000e-01 : f32
    %mul3A_1249 = vector.broadcast %mul3A_1248 : f32 to vector<16xf32>
    %mul3A_1250 = arith.mulf %mul3A_1249, %add3A_1017 : vector<16xf32>
    %mul3A_1251 = arith.constant 5.000000e-01 : f32
    %mul3A_1252 = vector.broadcast %mul3A_1251 : f32 to vector<16xf32>
    %mul3A_1253 = arith.mulf %mul3A_1252, %sub3A_1025 : vector<16xf32>
    %add3A_1254 = arith.addf %mul3A_1250, %mul3A_1253 : vector<16xf32>
    %sub3A_1255 = arith.subf %add3A_1165, %select_n3A_1247 : vector<16xf32>
    %add3A_1256 = arith.addf %add3A_1254, %sub3A_1255 : vector<16xf32>
    %jit3A_1257 = arith.constant 0.000000e+00 : f32
    %broadcast_in_dim3A_1258 = vector.broadcast %jit3A_1257 : f32 to vector<16xf32>
    %select_n3A_1259 = arith.select %and3A, %add3A_1256, %broadcast_in_dim3A_1258 : vector<16xi1>, vector<16xf32>
    %add3A_1260 = arith.addf %broadcast_in_dim3A_1, %select_n3A_1259 : vector<16xf32>
    %mul3A_1261 = arith.constant 9025 : i32
    %mul3A_1262 = vector.broadcast %mul3A_1261 : i32 to vector<16xi32>
    %mul3A_1263 = arith.muli %select_n3A_657, %mul3A_1262 : vector<16xi32>
    %add3A_1264 = arith.addi %mul3A_1263, %add3A_681 : vector<16xi32>
    %gather3A_1265 = tpu.vector_load_idx %arg5[%add3A_1264] : memref<45125xf32, #tpu.memory_space<vmem>>[vector<16xi32>], vector<16xf32>,
    %add3A_1266 = arith.constant 361 : i32
    %add3A_1267 = vector.broadcast %add3A_1266 : i32 to vector<16xi32>
    %add3A_1268 = arith.addi %add3A_1264, %add3A_1267 : vector<16xi32>
    %gather3A_1269 = tpu.vector_load_idx %arg5[%add3A_1268] : memref<45125xf32, #tpu.memory_space<vmem>>[vector<16xi32>], vector<16xf32>,
    %add3A_1270 = arith.constant 722 : i32
    %add3A_1271 = vector.broadcast %add3A_1270 : i32 to vector<16xi32>
    %add3A_1272 = arith.addi %add3A_1264, %add3A_1271 : vector<16xi32>
    %gather3A_1273 = tpu.vector_load_idx %arg5[%add3A_1272] : memref<45125xf32, #tpu.memory_space<vmem>>[vector<16xi32>], vector<16xf32>,
    %add3A_1274 = arith.constant 1083 : i32
    %add3A_1275 = vector.broadcast %add3A_1274 : i32 to vector<16xi32>
    %add3A_1276 = arith.addi %add3A_1264, %add3A_1275 : vector<16xi32>
    %gather3A_1277 = tpu.vector_load_idx %arg5[%add3A_1276] : memref<45125xf32, #tpu.memory_space<vmem>>[vector<16xi32>], vector<16xf32>,
    %add3A_1278 = arith.constant 1444 : i32
    %add3A_1279 = vector.broadcast %add3A_1278 : i32 to vector<16xi32>
    %add3A_1280 = arith.addi %add3A_1264, %add3A_1279 : vector<16xi32>
    %gather3A_1281 = tpu.vector_load_idx %arg5[%add3A_1280] : memref<45125xf32, #tpu.memory_space<vmem>>[vector<16xi32>], vector<16xf32>,
    %add3A_1282 = arith.constant 1805 : i32
    %add3A_1283 = vector.broadcast %add3A_1282 : i32 to vector<16xi32>
    %add3A_1284 = arith.addi %add3A_1264, %add3A_1283 : vector<16xi32>
    %gather3A_1285 = tpu.vector_load_idx %arg5[%add3A_1284] : memref<45125xf32, #tpu.memory_space<vmem>>[vector<16xi32>], vector<16xf32>,
    %add3A_1286 = arith.constant 2166 : i32
    %add3A_1287 = vector.broadcast %add3A_1286 : i32 to vector<16xi32>
    %add3A_1288 = arith.addi %add3A_1264, %add3A_1287 : vector<16xi32>
    %gather3A_1289 = tpu.vector_load_idx %arg5[%add3A_1288] : memref<45125xf32, #tpu.memory_space<vmem>>[vector<16xi32>], vector<16xf32>,
    %add3A_1290 = arith.constant 2527 : i32
    %add3A_1291 = vector.broadcast %add3A_1290 : i32 to vector<16xi32>
    %add3A_1292 = arith.addi %add3A_1264, %add3A_1291 : vector<16xi32>
    %gather3A_1293 = tpu.vector_load_idx %arg5[%add3A_1292] : memref<45125xf32, #tpu.memory_space<vmem>>[vector<16xi32>], vector<16xf32>,
    %add3A_1294 = arith.constant 2888 : i32
    %add3A_1295 = vector.broadcast %add3A_1294 : i32 to vector<16xi32>
    %add3A_1296 = arith.addi %add3A_1264, %add3A_1295 : vector<16xi32>
    %gather3A_1297 = tpu.vector_load_idx %arg5[%add3A_1296] : memref<45125xf32, #tpu.memory_space<vmem>>[vector<16xi32>], vector<16xf32>,
    %add3A_1298 = arith.constant 3249 : i32
    %add3A_1299 = vector.broadcast %add3A_1298 : i32 to vector<16xi32>
    %add3A_1300 = arith.addi %add3A_1264, %add3A_1299 : vector<16xi32>
    %gather3A_1301 = tpu.vector_load_idx %arg5[%add3A_1300] : memref<45125xf32, #tpu.memory_space<vmem>>[vector<16xi32>], vector<16xf32>,
    %add3A_1302 = arith.constant 3610 : i32
    %add3A_1303 = vector.broadcast %add3A_1302 : i32 to vector<16xi32>
    %add3A_1304 = arith.addi %add3A_1264, %add3A_1303 : vector<16xi32>
    %gather3A_1305 = tpu.vector_load_idx %arg5[%add3A_1304] : memref<45125xf32, #tpu.memory_space<vmem>>[vector<16xi32>], vector<16xf32>,
    %add3A_1306 = arith.constant 3971 : i32
    %add3A_1307 = vector.broadcast %add3A_1306 : i32 to vector<16xi32>
    %add3A_1308 = arith.addi %add3A_1264, %add3A_1307 : vector<16xi32>
    %gather3A_1309 = tpu.vector_load_idx %arg5[%add3A_1308] : memref<45125xf32, #tpu.memory_space<vmem>>[vector<16xi32>], vector<16xf32>,
    %add3A_1310 = arith.constant 4332 : i32
    %add3A_1311 = vector.broadcast %add3A_1310 : i32 to vector<16xi32>
    %add3A_1312 = arith.addi %add3A_1264, %add3A_1311 : vector<16xi32>
    %gather3A_1313 = tpu.vector_load_idx %arg5[%add3A_1312] : memref<45125xf32, #tpu.memory_space<vmem>>[vector<16xi32>], vector<16xf32>,
    %add3A_1314 = arith.constant 4693 : i32
    %add3A_1315 = vector.broadcast %add3A_1314 : i32 to vector<16xi32>
    %add3A_1316 = arith.addi %add3A_1264, %add3A_1315 : vector<16xi32>
    %gather3A_1317 = tpu.vector_load_idx %arg5[%add3A_1316] : memref<45125xf32, #tpu.memory_space<vmem>>[vector<16xi32>], vector<16xf32>,
    %add3A_1318 = arith.constant 5054 : i32
    %add3A_1319 = vector.broadcast %add3A_1318 : i32 to vector<16xi32>
    %add3A_1320 = arith.addi %add3A_1264, %add3A_1319 : vector<16xi32>
    %gather3A_1321 = tpu.vector_load_idx %arg5[%add3A_1320] : memref<45125xf32, #tpu.memory_space<vmem>>[vector<16xi32>], vector<16xf32>,
    %add3A_1322 = arith.constant 5415 : i32
    %add3A_1323 = vector.broadcast %add3A_1322 : i32 to vector<16xi32>
    %add3A_1324 = arith.addi %add3A_1264, %add3A_1323 : vector<16xi32>
    %gather3A_1325 = tpu.vector_load_idx %arg5[%add3A_1324] : memref<45125xf32, #tpu.memory_space<vmem>>[vector<16xi32>], vector<16xf32>,
    %add3A_1326 = arith.constant 5776 : i32
    %add3A_1327 = vector.broadcast %add3A_1326 : i32 to vector<16xi32>
    %add3A_1328 = arith.addi %add3A_1264, %add3A_1327 : vector<16xi32>
    %gather3A_1329 = tpu.vector_load_idx %arg5[%add3A_1328] : memref<45125xf32, #tpu.memory_space<vmem>>[vector<16xi32>], vector<16xf32>,
    %add3A_1330 = arith.constant 6137 : i32
    %add3A_1331 = vector.broadcast %add3A_1330 : i32 to vector<16xi32>
    %add3A_1332 = arith.addi %add3A_1264, %add3A_1331 : vector<16xi32>
    %gather3A_1333 = tpu.vector_load_idx %arg5[%add3A_1332] : memref<45125xf32, #tpu.memory_space<vmem>>[vector<16xi32>], vector<16xf32>,
    %add3A_1334 = arith.constant 6498 : i32
    %add3A_1335 = vector.broadcast %add3A_1334 : i32 to vector<16xi32>
    %add3A_1336 = arith.addi %add3A_1264, %add3A_1335 : vector<16xi32>
    %gather3A_1337 = tpu.vector_load_idx %arg5[%add3A_1336] : memref<45125xf32, #tpu.memory_space<vmem>>[vector<16xi32>], vector<16xf32>,
    %add3A_1338 = arith.constant 6859 : i32
    %add3A_1339 = vector.broadcast %add3A_1338 : i32 to vector<16xi32>
    %add3A_1340 = arith.addi %add3A_1264, %add3A_1339 : vector<16xi32>
    %gather3A_1341 = tpu.vector_load_idx %arg5[%add3A_1340] : memref<45125xf32, #tpu.memory_space<vmem>>[vector<16xi32>], vector<16xf32>,
    %add3A_1342 = arith.constant 7220 : i32
    %add3A_1343 = vector.broadcast %add3A_1342 : i32 to vector<16xi32>
    %add3A_1344 = arith.addi %add3A_1264, %add3A_1343 : vector<16xi32>
    %gather3A_1345 = tpu.vector_load_idx %arg5[%add3A_1344] : memref<45125xf32, #tpu.memory_space<vmem>>[vector<16xi32>], vector<16xf32>,
    %add3A_1346 = arith.constant 7581 : i32
    %add3A_1347 = vector.broadcast %add3A_1346 : i32 to vector<16xi32>
    %add3A_1348 = arith.addi %add3A_1264, %add3A_1347 : vector<16xi32>
    %gather3A_1349 = tpu.vector_load_idx %arg5[%add3A_1348] : memref<45125xf32, #tpu.memory_space<vmem>>[vector<16xi32>], vector<16xf32>,
    %add3A_1350 = arith.constant 7942 : i32
    %add3A_1351 = vector.broadcast %add3A_1350 : i32 to vector<16xi32>
    %add3A_1352 = arith.addi %add3A_1264, %add3A_1351 : vector<16xi32>
    %gather3A_1353 = tpu.vector_load_idx %arg5[%add3A_1352] : memref<45125xf32, #tpu.memory_space<vmem>>[vector<16xi32>], vector<16xf32>,
    %add3A_1354 = arith.constant 8303 : i32
    %add3A_1355 = vector.broadcast %add3A_1354 : i32 to vector<16xi32>
    %add3A_1356 = arith.addi %add3A_1264, %add3A_1355 : vector<16xi32>
    %gather3A_1357 = tpu.vector_load_idx %arg5[%add3A_1356] : memref<45125xf32, #tpu.memory_space<vmem>>[vector<16xi32>], vector<16xf32>,
    %add3A_1358 = arith.constant 8664 : i32
    %add3A_1359 = vector.broadcast %add3A_1358 : i32 to vector<16xi32>
    %add3A_1360 = arith.addi %add3A_1264, %add3A_1359 : vector<16xi32>
    %gather3A_1361 = tpu.vector_load_idx %arg5[%add3A_1360] : memref<45125xf32, #tpu.memory_space<vmem>>[vector<16xi32>], vector<16xf32>,
    %neg3A_1362 = arith.constant 0.000000e+00 : f32
    %neg3A_1363 = vector.broadcast %neg3A_1362 : f32 to vector<16xf32>
    %neg3A_1364 = arith.subf %neg3A_1363, %gather3A_1265 : vector<16xf32>
    %exp3A_1365 = math.exp %neg3A_1364 : vector<16xf32>
    %add3A_1366 = arith.constant 1.000000e+00 : f32
    %add3A_1367 = vector.broadcast %add3A_1366 : f32 to vector<16xf32>
    %add3A_1368 = arith.addf %add3A_1367, %exp3A_1365 : vector<16xf32>
    %div3A_1369 = arith.constant 1.000000e+00 : f32
    %div3A_1370 = vector.broadcast %div3A_1369 : f32 to vector<16xf32>
    %div3A_1371 = arith.divf %div3A_1370, %add3A_1368 : vector<16xf32>
    %neg3A_1372 = arith.constant 0.000000e+00 : f32
    %neg3A_1373 = vector.broadcast %neg3A_1372 : f32 to vector<16xf32>
    %neg3A_1374 = arith.subf %neg3A_1373, %gather3A_1269 : vector<16xf32>
    %exp3A_1375 = math.exp %neg3A_1374 : vector<16xf32>
    %add3A_1376 = arith.constant 1.000000e+00 : f32
    %add3A_1377 = vector.broadcast %add3A_1376 : f32 to vector<16xf32>
    %add3A_1378 = arith.addf %add3A_1377, %exp3A_1375 : vector<16xf32>
    %div3A_1379 = arith.constant 1.000000e+00 : f32
    %div3A_1380 = vector.broadcast %div3A_1379 : f32 to vector<16xf32>
    %div3A_1381 = arith.divf %div3A_1380, %add3A_1378 : vector<16xf32>
    %neg3A_1382 = arith.constant 0.000000e+00 : f32
    %neg3A_1383 = vector.broadcast %neg3A_1382 : f32 to vector<16xf32>
    %neg3A_1384 = arith.subf %neg3A_1383, %gather3A_1281 : vector<16xf32>
    %exp3A_1385 = math.exp %neg3A_1384 : vector<16xf32>
    %add3A_1386 = arith.constant 1.000000e+00 : f32
    %add3A_1387 = vector.broadcast %add3A_1386 : f32 to vector<16xf32>
    %add3A_1388 = arith.addf %add3A_1387, %exp3A_1385 : vector<16xf32>
    %div3A_1389 = arith.constant 1.000000e+00 : f32
    %div3A_1390 = vector.broadcast %div3A_1389 : f32 to vector<16xf32>
    %div3A_1391 = arith.divf %div3A_1390, %add3A_1388 : vector<16xf32>
    %convert_element_type3A_1392 = arith.sitofp %min3A_671 : vector<16xi32> to vector<16xf32>
    %add3A_1393 = arith.addf %div3A_1371, %convert_element_type3A_1392 : vector<16xf32>
    %convert_element_type3A_1394 = arith.sitofp %min3A_677 : vector<16xi32> to vector<16xf32>
    %add3A_1395 = arith.addf %div3A_1381, %convert_element_type3A_1394 : vector<16xf32>
    %exp3A_1396 = math.exp %gather3A_1273 : vector<16xf32>
    %mul3A_1397 = arith.mulf %exp3A_1396, %select_n3A_660 : vector<16xf32>
    %exp3A_1398 = math.exp %gather3A_1277 : vector<16xf32>
    %mul3A_1399 = arith.mulf %exp3A_1398, %select_n3A_663 : vector<16xf32>
    %mul3A_1400 = arith.mulf %mul3A_1397, %mul3A_1399 : vector<16xf32>
    %div3A_1401 = arith.constant 2.000000e+00 : f32
    %div3A_1402 = vector.broadcast %div3A_1401 : f32 to vector<16xf32>
    %div3A_1403 = arith.divf %mul3A_1397, %div3A_1402 : vector<16xf32>
    %div3A_1404 = arith.constant 2.000000e+00 : f32
    %div3A_1405 = vector.broadcast %div3A_1404 : f32 to vector<16xf32>
    %div3A_1406 = arith.divf %mul3A_1399, %div3A_1405 : vector<16xf32>
    %sub3A_1407 = arith.subf %add3A_1393, %div3A_1403 : vector<16xf32>
    %add3A_1408 = arith.addf %add3A_1393, %div3A_1403 : vector<16xf32>
    %sub3A_1409 = arith.subf %add3A_1395, %div3A_1406 : vector<16xf32>
    %add3A_1410 = arith.addf %add3A_1395, %div3A_1406 : vector<16xf32>
    %sub3A_1411 = arith.subf %mul3A_364, %div3A_376 : vector<16xf32>
    %min3A_1412 = arith.minimumf %sub3A_1411, %sub3A_1407 : vector<16xf32>
    %add3A_1413 = arith.addf %mul3A_364, %div3A_376 : vector<16xf32>
    %max3A_1414 = arith.maximumf %add3A_1413, %add3A_1408 : vector<16xf32>
    %sub3A_1415 = arith.subf %mul3A_367, %div3A_379 : vector<16xf32>
    %min3A_1416 = arith.minimumf %sub3A_1415, %sub3A_1409 : vector<16xf32>
    %add3A_1417 = arith.addf %mul3A_367, %div3A_379 : vector<16xf32>
    %max3A_1418 = arith.maximumf %add3A_1417, %add3A_1410 : vector<16xf32>
    %sub3A_1419 = arith.subf %max3A_1414, %min3A_1412 : vector<16xf32>
    %sub3A_1420 = arith.subf %max3A_1418, %min3A_1416 : vector<16xf32>
    %add3A_1421 = arith.addf %mul3A_370, %mul3A_1397 : vector<16xf32>
    %sub3A_1422 = arith.subf %add3A_1421, %sub3A_1419 : vector<16xf32>
    %add3A_1423 = arith.addf %mul3A_373, %mul3A_1399 : vector<16xf32>
    %sub3A_1424 = arith.subf %add3A_1423, %sub3A_1420 : vector<16xf32>
    %le3A_1425 = arith.constant 0.000000e+00 : f32
    %le3A_1426 = vector.broadcast %le3A_1425 : f32 to vector<16xf32>
    %le3A_1427 = arith.cmpf ole, %sub3A_1422, %le3A_1426 : vector<16xf32>
    %le3A_1428 = arith.constant 0.000000e+00 : f32
    %le3A_1429 = vector.broadcast %le3A_1428 : f32 to vector<16xf32>
    %le3A_1430 = arith.cmpf ole, %sub3A_1424, %le3A_1429 : vector<16xf32>
    %or3A_1431 = arith.ori %le3A_1427, %le3A_1430 : vector<16xi1>
    %mul3A_1432 = arith.mulf %sub3A_1422, %sub3A_1424 : vector<16xf32>
    %jit3A_1433 = arith.constant 0.000000e+00 : f32
    %broadcast_in_dim3A_1434 = vector.broadcast %jit3A_1433 : f32 to vector<16xf32>
    %select_n3A_1435 = arith.select %or3A_1431, %broadcast_in_dim3A_1434, %mul3A_1432 : vector<16xi1>, vector<16xf32>
    %add3A_1436 = arith.addf %mul3A_380, %mul3A_1400 : vector<16xf32>
    %sub3A_1437 = arith.subf %add3A_1436, %select_n3A_1435 : vector<16xf32>
    %div3A_1438 = arith.divf %select_n3A_1435, %sub3A_1437 : vector<16xf32>
    %broadcast_in_dim3A_1439 = arith.constant false
    %broadcast_in_dim3A_1440 = vector.broadcast %broadcast_in_dim3A_1439 : i1 to vector<16xi1>
    %broadcast_in_dim3A_1441 = arith.constant true
    %broadcast_in_dim3A_1442 = vector.broadcast %broadcast_in_dim3A_1441 : i1 to vector<16xi1>
    %broadcast_in_dim3A_1443 = arith.constant false
    %broadcast_in_dim3A_1444 = vector.broadcast %broadcast_in_dim3A_1443 : i1 to vector<16xi1>
    %scan3A_1445 = arith.constant true
    %scan3A_1446 = arith.constant 0 : i32
    %scan3A_1447 = arith.constant 30 : i32
    %scan3A_1448 = arith.addi %scan3A_1446, %scan3A_1447 : i32
    %scan3A_1449 = arith.constant 1 : i32
    %scan3A_1450:4 = scf.for %scan3A_1843 = %scan3A_1446 to %scan3A_1448 step %scan3A_1449 iter_args(%scan3A_1844 = %broadcast_in_dim3A_1440, %scan3A_1845 = %broadcast_in_dim3A_1442, %scan3A_1846 = %broadcast_in_dim3A_1444, %scan3A_1847 = %scan3A_1445) -> (vector<16xi1>, vector<16xi1>, vector<16xi1>, i1)  : i32 {
      %get3A_1848 = arith.constant 1 : i32
      %get3A_1849 = arith.index_cast %get3A_1848 : i32 to index
      %get3A_1850 = arith.index_cast %scan3A_1843 : i32 to index
      %get3A_1851 = tpu.vector_load %arg6[%get3A_1849, %get3A_1850] {strides = array<i32>} : memref<5x48xf32, #tpu.memory_space<vmem>>, vector<16xf32>,
      %slice3A = vector.extract_strided_slice %get3A_1851 {offsets = [0], sizes = [1], strides = [1]} : vector<16xf32> to vector<1xf32>
      %squeeze3A = vector.extract %slice3A[0] : f32 from vector<1xf32>
      %ne3A = arith.constant 0.000000e+00 : f32
      %ne3A_1852 = arith.cmpf one, %squeeze3A, %ne3A : f32
      %and3A_1853 = arith.andi %scan3A_1847, %ne3A_1852 : i1
      %mul3A_1854 = arith.constant 1.900000e+01 : f32
      %mul3A_1855 = arith.mulf %squeeze3A, %mul3A_1854 : f32
      %get3A_1856 = arith.constant 2 : i32
      %get3A_1857 = arith.index_cast %get3A_1856 : i32 to index
      %get3A_1858 = arith.index_cast %scan3A_1843 : i32 to index
      %get3A_1859 = tpu.vector_load %arg6[%get3A_1857, %get3A_1858] {strides = array<i32>} : memref<5x48xf32, #tpu.memory_space<vmem>>, vector<16xf32>,
      %slice3A_1860 = vector.extract_strided_slice %get3A_1859 {offsets = [0], sizes = [1], strides = [1]} : vector<16xf32> to vector<1xf32>
      %squeeze3A_1861 = vector.extract %slice3A_1860[0] : f32 from vector<1xf32>
      %mul3A_1862 = arith.constant 1.900000e+01 : f32
      %mul3A_1863 = arith.mulf %squeeze3A_1861, %mul3A_1862 : f32
      %get3A_1864 = arith.constant 3 : i32
      %get3A_1865 = arith.index_cast %get3A_1864 : i32 to index
      %get3A_1866 = arith.index_cast %scan3A_1843 : i32 to index
      %get3A_1867 = tpu.vector_load %arg6[%get3A_1865, %get3A_1866] {strides = array<i32>} : memref<5x48xf32, #tpu.memory_space<vmem>>, vector<16xf32>,
      %slice3A_1868 = vector.extract_strided_slice %get3A_1867 {offsets = [0], sizes = [1], strides = [1]} : vector<16xf32> to vector<1xf32>
      %squeeze3A_1869 = vector.extract %slice3A_1868[0] : f32 from vector<1xf32>
      %mul3A_1870 = arith.constant 1.900000e+01 : f32
      %mul3A_1871 = arith.mulf %squeeze3A_1869, %mul3A_1870 : f32
      %get3A_1872 = arith.constant 4 : i32
      %get3A_1873 = arith.index_cast %get3A_1872 : i32 to index
      %get3A_1874 = arith.index_cast %scan3A_1843 : i32 to index
      %get3A_1875 = tpu.vector_load %arg6[%get3A_1873, %get3A_1874] {strides = array<i32>} : memref<5x48xf32, #tpu.memory_space<vmem>>, vector<16xf32>,
      %slice3A_1876 = vector.extract_strided_slice %get3A_1875 {offsets = [0], sizes = [1], strides = [1]} : vector<16xf32> to vector<1xf32>
      %squeeze3A_1877 = vector.extract %slice3A_1876[0] : f32 from vector<1xf32>
      %mul3A_1878 = arith.constant 1.900000e+01 : f32
      %mul3A_1879 = arith.mulf %squeeze3A_1877, %mul3A_1878 : f32
      %mul3A_1880 = arith.constant 5.000000e-01 : f32
      %mul3A_1881 = arith.mulf %mul3A_1871, %mul3A_1880 : f32
      %mul3A_1882 = arith.constant 5.000000e-01 : f32
      %mul3A_1883 = arith.mulf %mul3A_1879, %mul3A_1882 : f32
      %sub3A_1884 = arith.subf %mul3A_1855, %mul3A_1881 : f32
      %min3A_1885 = vector.broadcast %sub3A_1884 : f32 to vector<16xf32>
      %min3A_1886 = arith.minimumf %sub3A_1407, %min3A_1885 : vector<16xf32>
      %add3A_1887 = arith.addf %mul3A_1855, %mul3A_1881 : f32
      %max3A_1888 = vector.broadcast %add3A_1887 : f32 to vector<16xf32>
      %max3A_1889 = arith.maximumf %add3A_1408, %max3A_1888 : vector<16xf32>
      %sub3A_1890 = arith.subf %mul3A_1863, %mul3A_1883 : f32
      %min3A_1891 = vector.broadcast %sub3A_1890 : f32 to vector<16xf32>
      %min3A_1892 = arith.minimumf %sub3A_1409, %min3A_1891 : vector<16xf32>
      %add3A_1893 = arith.addf %mul3A_1863, %mul3A_1883 : f32
      %max3A_1894 = vector.broadcast %add3A_1893 : f32 to vector<16xf32>
      %max3A_1895 = arith.maximumf %add3A_1410, %max3A_1894 : vector<16xf32>
      %sub3A_1896 = arith.subf %max3A_1889, %min3A_1886 : vector<16xf32>
      %sub3A_1897 = arith.subf %max3A_1895, %min3A_1892 : vector<16xf32>
      %add3A_1898 = vector.broadcast %mul3A_1871 : f32 to vector<16xf32>
      %add3A_1899 = arith.addf %mul3A_1397, %add3A_1898 : vector<16xf32>
      %sub3A_1900 = arith.subf %add3A_1899, %sub3A_1896 : vector<16xf32>
      %add3A_1901 = vector.broadcast %mul3A_1879 : f32 to vector<16xf32>
      %add3A_1902 = arith.addf %mul3A_1399, %add3A_1901 : vector<16xf32>
      %sub3A_1903 = arith.subf %add3A_1902, %sub3A_1897 : vector<16xf32>
      %gt3A_1904 = arith.constant 0.000000e+00 : f32
      %gt3A_1905 = vector.broadcast %gt3A_1904 : f32 to vector<16xf32>
      %gt3A_1906 = arith.cmpf ogt, %sub3A_1900, %gt3A_1905 : vector<16xf32>
      %gt3A_1907 = arith.constant 0.000000e+00 : f32
      %gt3A_1908 = vector.broadcast %gt3A_1907 : f32 to vector<16xf32>
      %gt3A_1909 = arith.cmpf ogt, %sub3A_1903, %gt3A_1908 : vector<16xf32>
      %and3A_1910 = arith.andi %gt3A_1906, %gt3A_1909 : vector<16xi1>
      %mul3A_1911 = arith.mulf %sub3A_1900, %sub3A_1903 : vector<16xf32>
      %mul3A_1912 = arith.mulf %mul3A_1871, %mul3A_1879 : f32
      %add3A_1913 = vector.broadcast %mul3A_1912 : f32 to vector<16xf32>
      %add3A_1914 = arith.addf %mul3A_1400, %add3A_1913 : vector<16xf32>
      %mul3A_1915 = arith.constant 3.750000e-01 : f32
      %mul3A_1916 = vector.broadcast %mul3A_1915 : f32 to vector<16xf32>
      %mul3A_1917 = arith.mulf %mul3A_1916, %add3A_1914 : vector<16xf32>
      %gt3A_1918 = arith.cmpf ogt, %mul3A_1911, %mul3A_1917 : vector<16xf32>
      %and3A_1919 = arith.andi %and3A_1910, %gt3A_1918 : vector<16xi1>
      %and3A_1920 = vector.broadcast %and3A_1853 : i1 to vector<16xi1>
      %and3A_1921 = arith.andi %and3A_1919, %and3A_1920 : vector<16xi1>
      %or3A_1922 = arith.ori %scan3A_1844, %and3A_1921 : vector<16xi1>
      %get3A_1923 = arith.index_cast %scan3A_1843 : i32 to index
      %get3A_1924 = tpu.vector_load %arg7[%get3A_1923] {strides = array<i32>} : memref<48xi32, #tpu.memory_space<vmem>>, vector<16xi32>,
      %slice3A_1925 = vector.extract_strided_slice %get3A_1924 {offsets = [0], sizes = [1], strides = [1]} : vector<16xi32> to vector<1xi32>
      %squeeze3A_1926 = vector.extract %slice3A_1925[0] : i32 from vector<1xi32>
      %eq3A_1927 = vector.broadcast %squeeze3A_1926 : i32 to vector<16xi32>
      %eq3A_1928 = arith.cmpi eq, %eq3A_1927, %add3A_685 : vector<16xi32>
      %gt3A_1929 = vector.broadcast %scan3A_1843 : i32 to vector<16xi32>
      %gt3A_1930 = arith.cmpi sgt, %gt3A_1929, %add3A_341 : vector<16xi32>
      %and3A_1931 = arith.andi %eq3A_1928, %gt3A_1930 : vector<16xi1>
      %and3A_1932 = vector.broadcast %and3A_1853 : i1 to vector<16xi1>
      %and3A_1933 = arith.andi %and3A_1931, %and3A_1932 : vector<16xi1>
      %not3A = arith.constant dense<true> : vector<16xi1>
      %not3A_1934 = arith.xori %and3A_1933, %not3A : vector<16xi1>
      %and3A_1935 = arith.andi %scan3A_1845, %not3A_1934 : vector<16xi1>
      %eq3A_1936 = vector.broadcast %scan3A_1843 : i32 to vector<16xi32>
      %eq3A_1937 = arith.cmpi eq, %add3A_341, %eq3A_1936 : vector<16xi32>
      %and3A_1938 = vector.broadcast %and3A_1853 : i1 to vector<16xi1>
      %and3A_1939 = arith.andi %eq3A_1937, %and3A_1938 : vector<16xi1>
      %or3A_1940 = arith.ori %scan3A_1846, %and3A_1939 : vector<16xi1>
      scf.yield %or3A_1922, %and3A_1935, %or3A_1940, %and3A_1853 : vector<16xi1>, vector<16xi1>, vector<16xi1>, i1
    }
    %scan3A_1451 = arith.constant 30 : i32
    %and3A_1452 = arith.andi %scan3A_1450#1, %scan3A_1450#2 : vector<16xi1>
    %jit3A_1453 = arith.constant 0.000000e+00 : f32
    %jit3A_1454 = arith.constant 1.000000e+00 : f32
    %broadcast_in_dim3A_1455 = vector.broadcast %jit3A_1453 : f32 to vector<16xf32>
    %broadcast_in_dim3A_1456 = vector.broadcast %jit3A_1454 : f32 to vector<16xf32>
    %select_n3A_1457 = arith.select %scan3A_1450#0, %broadcast_in_dim3A_1455, %broadcast_in_dim3A_1456 : vector<16xi1>, vector<16xf32>
    %convert_element_type3A_1458 = arith.sitofp %convert_element_type3A_664 : vector<16xi32> to vector<16xf32>
    %sub3A_1459 = arith.subf %mul3A_364, %convert_element_type3A_1458 : vector<16xf32>
    %convert_element_type3A_1460 = arith.sitofp %convert_element_type3A_665 : vector<16xi32> to vector<16xf32>
    %sub3A_1461 = arith.subf %mul3A_367, %convert_element_type3A_1460 : vector<16xf32>
    %div3A_1462 = arith.divf %mul3A_370, %select_n3A_660 : vector<16xf32>
    %bitcast3A_1463 = vector.bitcast %div3A_1462 : vector<16xf32> to vector<16xi32>
    %shift_right_arithmetic3A_1464 = arith.constant 23 : i32
    %shift_right_arithmetic3A_1465 = vector.broadcast %shift_right_arithmetic3A_1464 : i32 to vector<16xi32>
    %shift_right_arithmetic3A_1466 = arith.shrsi %bitcast3A_1463, %shift_right_arithmetic3A_1465 : vector<16xi32>
    %and3A_1467 = arith.constant 255 : i32
    %and3A_1468 = vector.broadcast %and3A_1467 : i32 to vector<16xi32>
    %and3A_1469 = arith.andi %shift_right_arithmetic3A_1466, %and3A_1468 : vector<16xi32>
    %sub3A_1470 = arith.constant 127 : i32
    %sub3A_1471 = vector.broadcast %sub3A_1470 : i32 to vector<16xi32>
    %sub3A_1472 = arith.subi %and3A_1469, %sub3A_1471 : vector<16xi32>
    %and3A_1473 = arith.constant 8388607 : i32
    %and3A_1474 = vector.broadcast %and3A_1473 : i32 to vector<16xi32>
    %and3A_1475 = arith.andi %bitcast3A_1463, %and3A_1474 : vector<16xi32>
    %or3A_1476 = arith.constant 1065353216 : i32
    %or3A_1477 = vector.broadcast %or3A_1476 : i32 to vector<16xi32>
    %or3A_1478 = arith.ori %and3A_1475, %or3A_1477 : vector<16xi32>
    %bitcast3A_1479 = vector.bitcast %or3A_1478 : vector<16xi32> to vector<16xf32>
    %gt3A_1480 = arith.constant 1.41421354 : f32
    %gt3A_1481 = vector.broadcast %gt3A_1480 : f32 to vector<16xf32>
    %gt3A_1482 = arith.cmpf ogt, %bitcast3A_1479, %gt3A_1481 : vector<16xf32>
    %mul3A_1483 = arith.constant 5.000000e-01 : f32
    %mul3A_1484 = vector.broadcast %mul3A_1483 : f32 to vector<16xf32>
    %mul3A_1485 = arith.mulf %bitcast3A_1479, %mul3A_1484 : vector<16xf32>
    %select_n3A_1486 = arith.select %gt3A_1482, %mul3A_1485, %bitcast3A_1479 : vector<16xi1>, vector<16xf32>
    %convert_element_type3A_1487 = arith.extui %gt3A_1482 : vector<16xi1> to vector<16xi32>
    %add3A_1488 = arith.addi %sub3A_1472, %convert_element_type3A_1487 : vector<16xi32>
    %sub3A_1489 = arith.constant 1.000000e+00 : f32
    %sub3A_1490 = vector.broadcast %sub3A_1489 : f32 to vector<16xf32>
    %sub3A_1491 = arith.subf %select_n3A_1486, %sub3A_1490 : vector<16xf32>
    %add3A_1492 = arith.constant 1.000000e+00 : f32
    %add3A_1493 = vector.broadcast %add3A_1492 : f32 to vector<16xf32>
    %add3A_1494 = arith.addf %select_n3A_1486, %add3A_1493 : vector<16xf32>
    %div3A_1495 = arith.divf %sub3A_1491, %add3A_1494 : vector<16xf32>
    %mul3A_1496 = arith.mulf %div3A_1495, %div3A_1495 : vector<16xf32>
    %mul3A_1497 = arith.constant 0.111111112 : f32
    %mul3A_1498 = vector.broadcast %mul3A_1497 : f32 to vector<16xf32>
    %mul3A_1499 = arith.mulf %mul3A_1496, %mul3A_1498 : vector<16xf32>
    %add3A_1500 = arith.constant 0.142857149 : f32
    %add3A_1501 = vector.broadcast %add3A_1500 : f32 to vector<16xf32>
    %add3A_1502 = arith.addf %add3A_1501, %mul3A_1499 : vector<16xf32>
    %mul3A_1503 = arith.mulf %mul3A_1496, %add3A_1502 : vector<16xf32>
    %add3A_1504 = arith.constant 2.000000e-01 : f32
    %add3A_1505 = vector.broadcast %add3A_1504 : f32 to vector<16xf32>
    %add3A_1506 = arith.addf %add3A_1505, %mul3A_1503 : vector<16xf32>
    %mul3A_1507 = arith.mulf %mul3A_1496, %add3A_1506 : vector<16xf32>
    %add3A_1508 = arith.constant 0.333333343 : f32
    %add3A_1509 = vector.broadcast %add3A_1508 : f32 to vector<16xf32>
    %add3A_1510 = arith.addf %add3A_1509, %mul3A_1507 : vector<16xf32>
    %mul3A_1511 = arith.mulf %mul3A_1496, %add3A_1510 : vector<16xf32>
    %add3A_1512 = arith.constant 1.000000e+00 : f32
    %add3A_1513 = vector.broadcast %add3A_1512 : f32 to vector<16xf32>
    %add3A_1514 = arith.addf %add3A_1513, %mul3A_1511 : vector<16xf32>
    %convert_element_type3A_1515 = arith.sitofp %add3A_1488 : vector<16xi32> to vector<16xf32>
    %mul3A_1516 = arith.constant 0.693147182 : f32
    %mul3A_1517 = vector.broadcast %mul3A_1516 : f32 to vector<16xf32>
    %mul3A_1518 = arith.mulf %convert_element_type3A_1515, %mul3A_1517 : vector<16xf32>
    %mul3A_1519 = arith.constant 2.000000e+00 : f32
    %mul3A_1520 = vector.broadcast %mul3A_1519 : f32 to vector<16xf32>
    %mul3A_1521 = arith.mulf %mul3A_1520, %div3A_1495 : vector<16xf32>
    %mul3A_1522 = arith.mulf %mul3A_1521, %add3A_1514 : vector<16xf32>
    %add3A_1523 = arith.addf %mul3A_1518, %mul3A_1522 : vector<16xf32>
    %div3A_1524 = arith.divf %mul3A_373, %select_n3A_663 : vector<16xf32>
    %bitcast3A_1525 = vector.bitcast %div3A_1524 : vector<16xf32> to vector<16xi32>
    %shift_right_arithmetic3A_1526 = arith.constant 23 : i32
    %shift_right_arithmetic3A_1527 = vector.broadcast %shift_right_arithmetic3A_1526 : i32 to vector<16xi32>
    %shift_right_arithmetic3A_1528 = arith.shrsi %bitcast3A_1525, %shift_right_arithmetic3A_1527 : vector<16xi32>
    %and3A_1529 = arith.constant 255 : i32
    %and3A_1530 = vector.broadcast %and3A_1529 : i32 to vector<16xi32>
    %and3A_1531 = arith.andi %shift_right_arithmetic3A_1528, %and3A_1530 : vector<16xi32>
    %sub3A_1532 = arith.constant 127 : i32
    %sub3A_1533 = vector.broadcast %sub3A_1532 : i32 to vector<16xi32>
    %sub3A_1534 = arith.subi %and3A_1531, %sub3A_1533 : vector<16xi32>
    %and3A_1535 = arith.constant 8388607 : i32
    %and3A_1536 = vector.broadcast %and3A_1535 : i32 to vector<16xi32>
    %and3A_1537 = arith.andi %bitcast3A_1525, %and3A_1536 : vector<16xi32>
    %or3A_1538 = arith.constant 1065353216 : i32
    %or3A_1539 = vector.broadcast %or3A_1538 : i32 to vector<16xi32>
    %or3A_1540 = arith.ori %and3A_1537, %or3A_1539 : vector<16xi32>
    %bitcast3A_1541 = vector.bitcast %or3A_1540 : vector<16xi32> to vector<16xf32>
    %gt3A_1542 = arith.constant 1.41421354 : f32
    %gt3A_1543 = vector.broadcast %gt3A_1542 : f32 to vector<16xf32>
    %gt3A_1544 = arith.cmpf ogt, %bitcast3A_1541, %gt3A_1543 : vector<16xf32>
    %mul3A_1545 = arith.constant 5.000000e-01 : f32
    %mul3A_1546 = vector.broadcast %mul3A_1545 : f32 to vector<16xf32>
    %mul3A_1547 = arith.mulf %bitcast3A_1541, %mul3A_1546 : vector<16xf32>
    %select_n3A_1548 = arith.select %gt3A_1544, %mul3A_1547, %bitcast3A_1541 : vector<16xi1>, vector<16xf32>
    %convert_element_type3A_1549 = arith.extui %gt3A_1544 : vector<16xi1> to vector<16xi32>
    %add3A_1550 = arith.addi %sub3A_1534, %convert_element_type3A_1549 : vector<16xi32>
    %sub3A_1551 = arith.constant 1.000000e+00 : f32
    %sub3A_1552 = vector.broadcast %sub3A_1551 : f32 to vector<16xf32>
    %sub3A_1553 = arith.subf %select_n3A_1548, %sub3A_1552 : vector<16xf32>
    %add3A_1554 = arith.constant 1.000000e+00 : f32
    %add3A_1555 = vector.broadcast %add3A_1554 : f32 to vector<16xf32>
    %add3A_1556 = arith.addf %select_n3A_1548, %add3A_1555 : vector<16xf32>
    %div3A_1557 = arith.divf %sub3A_1553, %add3A_1556 : vector<16xf32>
    %mul3A_1558 = arith.mulf %div3A_1557, %div3A_1557 : vector<16xf32>
    %mul3A_1559 = arith.constant 0.111111112 : f32
    %mul3A_1560 = vector.broadcast %mul3A_1559 : f32 to vector<16xf32>
    %mul3A_1561 = arith.mulf %mul3A_1558, %mul3A_1560 : vector<16xf32>
    %add3A_1562 = arith.constant 0.142857149 : f32
    %add3A_1563 = vector.broadcast %add3A_1562 : f32 to vector<16xf32>
    %add3A_1564 = arith.addf %add3A_1563, %mul3A_1561 : vector<16xf32>
    %mul3A_1565 = arith.mulf %mul3A_1558, %add3A_1564 : vector<16xf32>
    %add3A_1566 = arith.constant 2.000000e-01 : f32
    %add3A_1567 = vector.broadcast %add3A_1566 : f32 to vector<16xf32>
    %add3A_1568 = arith.addf %add3A_1567, %mul3A_1565 : vector<16xf32>
    %mul3A_1569 = arith.mulf %mul3A_1558, %add3A_1568 : vector<16xf32>
    %add3A_1570 = arith.constant 0.333333343 : f32
    %add3A_1571 = vector.broadcast %add3A_1570 : f32 to vector<16xf32>
    %add3A_1572 = arith.addf %add3A_1571, %mul3A_1569 : vector<16xf32>
    %mul3A_1573 = arith.mulf %mul3A_1558, %add3A_1572 : vector<16xf32>
    %add3A_1574 = arith.constant 1.000000e+00 : f32
    %add3A_1575 = vector.broadcast %add3A_1574 : f32 to vector<16xf32>
    %add3A_1576 = arith.addf %add3A_1575, %mul3A_1573 : vector<16xf32>
    %convert_element_type3A_1577 = arith.sitofp %add3A_1550 : vector<16xi32> to vector<16xf32>
    %mul3A_1578 = arith.constant 0.693147182 : f32
    %mul3A_1579 = vector.broadcast %mul3A_1578 : f32 to vector<16xf32>
    %mul3A_1580 = arith.mulf %convert_element_type3A_1577, %mul3A_1579 : vector<16xf32>
    %mul3A_1581 = arith.constant 2.000000e+00 : f32
    %mul3A_1582 = vector.broadcast %mul3A_1581 : f32 to vector<16xf32>
    %mul3A_1583 = arith.mulf %mul3A_1582, %div3A_1557 : vector<16xf32>
    %mul3A_1584 = arith.mulf %mul3A_1583, %add3A_1576 : vector<16xf32>
    %add3A_1585 = arith.addf %mul3A_1580, %mul3A_1584 : vector<16xf32>
    %sub3A_1586 = arith.subf %div3A_1371, %sub3A_1459 : vector<16xf32>
    %sub3A_1587 = arith.subf %div3A_1381, %sub3A_1461 : vector<16xf32>
    %sub3A_1588 = arith.subf %gather3A_1273, %add3A_1523 : vector<16xf32>
    %sub3A_1589 = arith.subf %gather3A_1277, %add3A_1585 : vector<16xf32>
    %mul3A_1590 = arith.mulf %sub3A_1586, %sub3A_1586 : vector<16xf32>
    %mul3A_1591 = arith.mulf %sub3A_1587, %sub3A_1587 : vector<16xf32>
    %add3A_1592 = arith.addf %mul3A_1590, %mul3A_1591 : vector<16xf32>
    %mul3A_1593 = arith.mulf %sub3A_1588, %sub3A_1588 : vector<16xf32>
    %add3A_1594 = arith.addf %add3A_1592, %mul3A_1593 : vector<16xf32>
    %mul3A_1595 = arith.mulf %sub3A_1589, %sub3A_1589 : vector<16xf32>
    %add3A_1596 = arith.addf %add3A_1594, %mul3A_1595 : vector<16xf32>
    %sub3A_1597 = arith.subf %div3A_1391, %div3A_1438 : vector<16xf32>
    %mul3A_1598 = arith.constant 5.000000e+00 : f32
    %mul3A_1599 = vector.broadcast %mul3A_1598 : f32 to vector<16xf32>
    %mul3A_1600 = arith.mulf %mul3A_1599, %sub3A_1597 : vector<16xf32>
    %mul3A_1601 = arith.mulf %mul3A_1600, %sub3A_1597 : vector<16xf32>
    %mul3A_1602 = arith.mulf %select_n3A_1457, %div3A_1391 : vector<16xf32>
    %mul3A_1603 = arith.mulf %mul3A_1602, %div3A_1391 : vector<16xf32>
    %sub3A_1604 = arith.subf %mul3A_1601, %mul3A_1603 : vector<16xf32>
    %max3A_1605 = arith.maximumf %gather3A_1285, %gather3A_1289 : vector<16xf32>
    %max3A_1606 = arith.maximumf %max3A_1605, %gather3A_1293 : vector<16xf32>
    %max3A_1607 = arith.maximumf %max3A_1606, %gather3A_1297 : vector<16xf32>
    %max3A_1608 = arith.maximumf %max3A_1607, %gather3A_1301 : vector<16xf32>
    %max3A_1609 = arith.maximumf %max3A_1608, %gather3A_1305 : vector<16xf32>
    %max3A_1610 = arith.maximumf %max3A_1609, %gather3A_1309 : vector<16xf32>
    %max3A_1611 = arith.maximumf %max3A_1610, %gather3A_1313 : vector<16xf32>
    %max3A_1612 = arith.maximumf %max3A_1611, %gather3A_1317 : vector<16xf32>
    %max3A_1613 = arith.maximumf %max3A_1612, %gather3A_1321 : vector<16xf32>
    %max3A_1614 = arith.maximumf %max3A_1613, %gather3A_1325 : vector<16xf32>
    %max3A_1615 = arith.maximumf %max3A_1614, %gather3A_1329 : vector<16xf32>
    %max3A_1616 = arith.maximumf %max3A_1615, %gather3A_1333 : vector<16xf32>
    %max3A_1617 = arith.maximumf %max3A_1616, %gather3A_1337 : vector<16xf32>
    %max3A_1618 = arith.maximumf %max3A_1617, %gather3A_1341 : vector<16xf32>
    %max3A_1619 = arith.maximumf %max3A_1618, %gather3A_1345 : vector<16xf32>
    %max3A_1620 = arith.maximumf %max3A_1619, %gather3A_1349 : vector<16xf32>
    %max3A_1621 = arith.maximumf %max3A_1620, %gather3A_1353 : vector<16xf32>
    %max3A_1622 = arith.maximumf %max3A_1621, %gather3A_1357 : vector<16xf32>
    %max3A_1623 = arith.maximumf %max3A_1622, %gather3A_1361 : vector<16xf32>
    %sub3A_1624 = arith.subf %gather3A_1285, %max3A_1623 : vector<16xf32>
    %exp3A_1625 = math.exp %sub3A_1624 : vector<16xf32>
    %sub3A_1626 = arith.subf %gather3A_1289, %max3A_1623 : vector<16xf32>
    %exp3A_1627 = math.exp %sub3A_1626 : vector<16xf32>
    %add3A_1628 = arith.addf %exp3A_1625, %exp3A_1627 : vector<16xf32>
    %sub3A_1629 = arith.subf %gather3A_1293, %max3A_1623 : vector<16xf32>
    %exp3A_1630 = math.exp %sub3A_1629 : vector<16xf32>
    %add3A_1631 = arith.addf %add3A_1628, %exp3A_1630 : vector<16xf32>
    %sub3A_1632 = arith.subf %gather3A_1297, %max3A_1623 : vector<16xf32>
    %exp3A_1633 = math.exp %sub3A_1632 : vector<16xf32>
    %add3A_1634 = arith.addf %add3A_1631, %exp3A_1633 : vector<16xf32>
    %sub3A_1635 = arith.subf %gather3A_1301, %max3A_1623 : vector<16xf32>
    %exp3A_1636 = math.exp %sub3A_1635 : vector<16xf32>
    %add3A_1637 = arith.addf %add3A_1634, %exp3A_1636 : vector<16xf32>
    %sub3A_1638 = arith.subf %gather3A_1305, %max3A_1623 : vector<16xf32>
    %exp3A_1639 = math.exp %sub3A_1638 : vector<16xf32>
    %add3A_1640 = arith.addf %add3A_1637, %exp3A_1639 : vector<16xf32>
    %sub3A_1641 = arith.subf %gather3A_1309, %max3A_1623 : vector<16xf32>
    %exp3A_1642 = math.exp %sub3A_1641 : vector<16xf32>
    %add3A_1643 = arith.addf %add3A_1640, %exp3A_1642 : vector<16xf32>
    %sub3A_1644 = arith.subf %gather3A_1313, %max3A_1623 : vector<16xf32>
    %exp3A_1645 = math.exp %sub3A_1644 : vector<16xf32>
    %add3A_1646 = arith.addf %add3A_1643, %exp3A_1645 : vector<16xf32>
    %sub3A_1647 = arith.subf %gather3A_1317, %max3A_1623 : vector<16xf32>
    %exp3A_1648 = math.exp %sub3A_1647 : vector<16xf32>
    %add3A_1649 = arith.addf %add3A_1646, %exp3A_1648 : vector<16xf32>
    %sub3A_1650 = arith.subf %gather3A_1321, %max3A_1623 : vector<16xf32>
    %exp3A_1651 = math.exp %sub3A_1650 : vector<16xf32>
    %add3A_1652 = arith.addf %add3A_1649, %exp3A_1651 : vector<16xf32>
    %sub3A_1653 = arith.subf %gather3A_1325, %max3A_1623 : vector<16xf32>
    %exp3A_1654 = math.exp %sub3A_1653 : vector<16xf32>
    %add3A_1655 = arith.addf %add3A_1652, %exp3A_1654 : vector<16xf32>
    %sub3A_1656 = arith.subf %gather3A_1329, %max3A_1623 : vector<16xf32>
    %exp3A_1657 = math.exp %sub3A_1656 : vector<16xf32>
    %add3A_1658 = arith.addf %add3A_1655, %exp3A_1657 : vector<16xf32>
    %sub3A_1659 = arith.subf %gather3A_1333, %max3A_1623 : vector<16xf32>
    %exp3A_1660 = math.exp %sub3A_1659 : vector<16xf32>
    %add3A_1661 = arith.addf %add3A_1658, %exp3A_1660 : vector<16xf32>
    %sub3A_1662 = arith.subf %gather3A_1337, %max3A_1623 : vector<16xf32>
    %exp3A_1663 = math.exp %sub3A_1662 : vector<16xf32>
    %add3A_1664 = arith.addf %add3A_1661, %exp3A_1663 : vector<16xf32>
    %sub3A_1665 = arith.subf %gather3A_1341, %max3A_1623 : vector<16xf32>
    %exp3A_1666 = math.exp %sub3A_1665 : vector<16xf32>
    %add3A_1667 = arith.addf %add3A_1664, %exp3A_1666 : vector<16xf32>
    %sub3A_1668 = arith.subf %gather3A_1345, %max3A_1623 : vector<16xf32>
    %exp3A_1669 = math.exp %sub3A_1668 : vector<16xf32>
    %add3A_1670 = arith.addf %add3A_1667, %exp3A_1669 : vector<16xf32>
    %sub3A_1671 = arith.subf %gather3A_1349, %max3A_1623 : vector<16xf32>
    %exp3A_1672 = math.exp %sub3A_1671 : vector<16xf32>
    %add3A_1673 = arith.addf %add3A_1670, %exp3A_1672 : vector<16xf32>
    %sub3A_1674 = arith.subf %gather3A_1353, %max3A_1623 : vector<16xf32>
    %exp3A_1675 = math.exp %sub3A_1674 : vector<16xf32>
    %add3A_1676 = arith.addf %add3A_1673, %exp3A_1675 : vector<16xf32>
    %sub3A_1677 = arith.subf %gather3A_1357, %max3A_1623 : vector<16xf32>
    %exp3A_1678 = math.exp %sub3A_1677 : vector<16xf32>
    %add3A_1679 = arith.addf %add3A_1676, %exp3A_1678 : vector<16xf32>
    %sub3A_1680 = arith.subf %gather3A_1361, %max3A_1623 : vector<16xf32>
    %exp3A_1681 = math.exp %sub3A_1680 : vector<16xf32>
    %add3A_1682 = arith.addf %add3A_1679, %exp3A_1681 : vector<16xf32>
    %bitcast3A_1683 = vector.bitcast %add3A_1682 : vector<16xf32> to vector<16xi32>
    %shift_right_arithmetic3A_1684 = arith.constant 23 : i32
    %shift_right_arithmetic3A_1685 = vector.broadcast %shift_right_arithmetic3A_1684 : i32 to vector<16xi32>
    %shift_right_arithmetic3A_1686 = arith.shrsi %bitcast3A_1683, %shift_right_arithmetic3A_1685 : vector<16xi32>
    %and3A_1687 = arith.constant 255 : i32
    %and3A_1688 = vector.broadcast %and3A_1687 : i32 to vector<16xi32>
    %and3A_1689 = arith.andi %shift_right_arithmetic3A_1686, %and3A_1688 : vector<16xi32>
    %sub3A_1690 = arith.constant 127 : i32
    %sub3A_1691 = vector.broadcast %sub3A_1690 : i32 to vector<16xi32>
    %sub3A_1692 = arith.subi %and3A_1689, %sub3A_1691 : vector<16xi32>
    %and3A_1693 = arith.constant 8388607 : i32
    %and3A_1694 = vector.broadcast %and3A_1693 : i32 to vector<16xi32>
    %and3A_1695 = arith.andi %bitcast3A_1683, %and3A_1694 : vector<16xi32>
    %or3A_1696 = arith.constant 1065353216 : i32
    %or3A_1697 = vector.broadcast %or3A_1696 : i32 to vector<16xi32>
    %or3A_1698 = arith.ori %and3A_1695, %or3A_1697 : vector<16xi32>
    %bitcast3A_1699 = vector.bitcast %or3A_1698 : vector<16xi32> to vector<16xf32>
    %gt3A_1700 = arith.constant 1.41421354 : f32
    %gt3A_1701 = vector.broadcast %gt3A_1700 : f32 to vector<16xf32>
    %gt3A_1702 = arith.cmpf ogt, %bitcast3A_1699, %gt3A_1701 : vector<16xf32>
    %mul3A_1703 = arith.constant 5.000000e-01 : f32
    %mul3A_1704 = vector.broadcast %mul3A_1703 : f32 to vector<16xf32>
    %mul3A_1705 = arith.mulf %bitcast3A_1699, %mul3A_1704 : vector<16xf32>
    %select_n3A_1706 = arith.select %gt3A_1702, %mul3A_1705, %bitcast3A_1699 : vector<16xi1>, vector<16xf32>
    %convert_element_type3A_1707 = arith.extui %gt3A_1702 : vector<16xi1> to vector<16xi32>
    %add3A_1708 = arith.addi %sub3A_1692, %convert_element_type3A_1707 : vector<16xi32>
    %sub3A_1709 = arith.constant 1.000000e+00 : f32
    %sub3A_1710 = vector.broadcast %sub3A_1709 : f32 to vector<16xf32>
    %sub3A_1711 = arith.subf %select_n3A_1706, %sub3A_1710 : vector<16xf32>
    %add3A_1712 = arith.constant 1.000000e+00 : f32
    %add3A_1713 = vector.broadcast %add3A_1712 : f32 to vector<16xf32>
    %add3A_1714 = arith.addf %select_n3A_1706, %add3A_1713 : vector<16xf32>
    %div3A_1715 = arith.divf %sub3A_1711, %add3A_1714 : vector<16xf32>
    %mul3A_1716 = arith.mulf %div3A_1715, %div3A_1715 : vector<16xf32>
    %mul3A_1717 = arith.constant 0.111111112 : f32
    %mul3A_1718 = vector.broadcast %mul3A_1717 : f32 to vector<16xf32>
    %mul3A_1719 = arith.mulf %mul3A_1716, %mul3A_1718 : vector<16xf32>
    %add3A_1720 = arith.constant 0.142857149 : f32
    %add3A_1721 = vector.broadcast %add3A_1720 : f32 to vector<16xf32>
    %add3A_1722 = arith.addf %add3A_1721, %mul3A_1719 : vector<16xf32>
    %mul3A_1723 = arith.mulf %mul3A_1716, %add3A_1722 : vector<16xf32>
    %add3A_1724 = arith.constant 2.000000e-01 : f32
    %add3A_1725 = vector.broadcast %add3A_1724 : f32 to vector<16xf32>
    %add3A_1726 = arith.addf %add3A_1725, %mul3A_1723 : vector<16xf32>
    %mul3A_1727 = arith.mulf %mul3A_1716, %add3A_1726 : vector<16xf32>
    %add3A_1728 = arith.constant 0.333333343 : f32
    %add3A_1729 = vector.broadcast %add3A_1728 : f32 to vector<16xf32>
    %add3A_1730 = arith.addf %add3A_1729, %mul3A_1727 : vector<16xf32>
    %mul3A_1731 = arith.mulf %mul3A_1716, %add3A_1730 : vector<16xf32>
    %add3A_1732 = arith.constant 1.000000e+00 : f32
    %add3A_1733 = vector.broadcast %add3A_1732 : f32 to vector<16xf32>
    %add3A_1734 = arith.addf %add3A_1733, %mul3A_1731 : vector<16xf32>
    %convert_element_type3A_1735 = arith.sitofp %add3A_1708 : vector<16xi32> to vector<16xf32>
    %mul3A_1736 = arith.constant 0.693147182 : f32
    %mul3A_1737 = vector.broadcast %mul3A_1736 : f32 to vector<16xf32>
    %mul3A_1738 = arith.mulf %convert_element_type3A_1735, %mul3A_1737 : vector<16xf32>
    %mul3A_1739 = arith.constant 2.000000e+00 : f32
    %mul3A_1740 = vector.broadcast %mul3A_1739 : f32 to vector<16xf32>
    %mul3A_1741 = arith.mulf %mul3A_1740, %div3A_1715 : vector<16xf32>
    %mul3A_1742 = arith.mulf %mul3A_1741, %add3A_1734 : vector<16xf32>
    %add3A_1743 = arith.addf %mul3A_1738, %mul3A_1742 : vector<16xf32>
    %add3A_1744 = arith.addf %max3A_1623, %add3A_1743 : vector<16xf32>
    %convert_element_type3A_1745 = arith.fptosi %get3A_345 : vector<16xf32> to vector<16xi32>
    %broadcast_in_dim3A_1746 = arith.constant 0.000000e+00 : f32
    %broadcast_in_dim3A_1747 = vector.broadcast %broadcast_in_dim3A_1746 : f32 to vector<16xf32>
    %eq3A_1748 = arith.constant 0 : i32
    %eq3A_1749 = vector.broadcast %eq3A_1748 : i32 to vector<16xi32>
    %eq3A_1750 = arith.cmpi eq, %convert_element_type3A_1745, %eq3A_1749 : vector<16xi32>
    %select_n3A_1751 = arith.select %eq3A_1750, %gather3A_1285, %broadcast_in_dim3A_1747 : vector<16xi1>, vector<16xf32>
    %eq3A_1752 = arith.constant 1 : i32
    %eq3A_1753 = vector.broadcast %eq3A_1752 : i32 to vector<16xi32>
    %eq3A_1754 = arith.cmpi eq, %convert_element_type3A_1745, %eq3A_1753 : vector<16xi32>
    %select_n3A_1755 = arith.select %eq3A_1754, %gather3A_1289, %select_n3A_1751 : vector<16xi1>, vector<16xf32>
    %eq3A_1756 = arith.constant 2 : i32
    %eq3A_1757 = vector.broadcast %eq3A_1756 : i32 to vector<16xi32>
    %eq3A_1758 = arith.cmpi eq, %convert_element_type3A_1745, %eq3A_1757 : vector<16xi32>
    %select_n3A_1759 = arith.select %eq3A_1758, %gather3A_1293, %select_n3A_1755 : vector<16xi1>, vector<16xf32>
    %eq3A_1760 = arith.constant 3 : i32
    %eq3A_1761 = vector.broadcast %eq3A_1760 : i32 to vector<16xi32>
    %eq3A_1762 = arith.cmpi eq, %convert_element_type3A_1745, %eq3A_1761 : vector<16xi32>
    %select_n3A_1763 = arith.select %eq3A_1762, %gather3A_1297, %select_n3A_1759 : vector<16xi1>, vector<16xf32>
    %eq3A_1764 = arith.constant 4 : i32
    %eq3A_1765 = vector.broadcast %eq3A_1764 : i32 to vector<16xi32>
    %eq3A_1766 = arith.cmpi eq, %convert_element_type3A_1745, %eq3A_1765 : vector<16xi32>
    %select_n3A_1767 = arith.select %eq3A_1766, %gather3A_1301, %select_n3A_1763 : vector<16xi1>, vector<16xf32>
    %eq3A_1768 = arith.constant 5 : i32
    %eq3A_1769 = vector.broadcast %eq3A_1768 : i32 to vector<16xi32>
    %eq3A_1770 = arith.cmpi eq, %convert_element_type3A_1745, %eq3A_1769 : vector<16xi32>
    %select_n3A_1771 = arith.select %eq3A_1770, %gather3A_1305, %select_n3A_1767 : vector<16xi1>, vector<16xf32>
    %eq3A_1772 = arith.constant 6 : i32
    %eq3A_1773 = vector.broadcast %eq3A_1772 : i32 to vector<16xi32>
    %eq3A_1774 = arith.cmpi eq, %convert_element_type3A_1745, %eq3A_1773 : vector<16xi32>
    %select_n3A_1775 = arith.select %eq3A_1774, %gather3A_1309, %select_n3A_1771 : vector<16xi1>, vector<16xf32>
    %eq3A_1776 = arith.constant 7 : i32
    %eq3A_1777 = vector.broadcast %eq3A_1776 : i32 to vector<16xi32>
    %eq3A_1778 = arith.cmpi eq, %convert_element_type3A_1745, %eq3A_1777 : vector<16xi32>
    %select_n3A_1779 = arith.select %eq3A_1778, %gather3A_1313, %select_n3A_1775 : vector<16xi1>, vector<16xf32>
    %eq3A_1780 = arith.constant 8 : i32
    %eq3A_1781 = vector.broadcast %eq3A_1780 : i32 to vector<16xi32>
    %eq3A_1782 = arith.cmpi eq, %convert_element_type3A_1745, %eq3A_1781 : vector<16xi32>
    %select_n3A_1783 = arith.select %eq3A_1782, %gather3A_1317, %select_n3A_1779 : vector<16xi1>, vector<16xf32>
    %eq3A_1784 = arith.constant 9 : i32
    %eq3A_1785 = vector.broadcast %eq3A_1784 : i32 to vector<16xi32>
    %eq3A_1786 = arith.cmpi eq, %convert_element_type3A_1745, %eq3A_1785 : vector<16xi32>
    %select_n3A_1787 = arith.select %eq3A_1786, %gather3A_1321, %select_n3A_1783 : vector<16xi1>, vector<16xf32>
    %eq3A_1788 = arith.constant 10 : i32
    %eq3A_1789 = vector.broadcast %eq3A_1788 : i32 to vector<16xi32>
    %eq3A_1790 = arith.cmpi eq, %convert_element_type3A_1745, %eq3A_1789 : vector<16xi32>
    %select_n3A_1791 = arith.select %eq3A_1790, %gather3A_1325, %select_n3A_1787 : vector<16xi1>, vector<16xf32>
    %eq3A_1792 = arith.constant 11 : i32
    %eq3A_1793 = vector.broadcast %eq3A_1792 : i32 to vector<16xi32>
    %eq3A_1794 = arith.cmpi eq, %convert_element_type3A_1745, %eq3A_1793 : vector<16xi32>
    %select_n3A_1795 = arith.select %eq3A_1794, %gather3A_1329, %select_n3A_1791 : vector<16xi1>, vector<16xf32>
    %eq3A_1796 = arith.constant 12 : i32
    %eq3A_1797 = vector.broadcast %eq3A_1796 : i32 to vector<16xi32>
    %eq3A_1798 = arith.cmpi eq, %convert_element_type3A_1745, %eq3A_1797 : vector<16xi32>
    %select_n3A_1799 = arith.select %eq3A_1798, %gather3A_1333, %select_n3A_1795 : vector<16xi1>, vector<16xf32>
    %eq3A_1800 = arith.constant 13 : i32
    %eq3A_1801 = vector.broadcast %eq3A_1800 : i32 to vector<16xi32>
    %eq3A_1802 = arith.cmpi eq, %convert_element_type3A_1745, %eq3A_1801 : vector<16xi32>
    %select_n3A_1803 = arith.select %eq3A_1802, %gather3A_1337, %select_n3A_1799 : vector<16xi1>, vector<16xf32>
    %eq3A_1804 = arith.constant 14 : i32
    %eq3A_1805 = vector.broadcast %eq3A_1804 : i32 to vector<16xi32>
    %eq3A_1806 = arith.cmpi eq, %convert_element_type3A_1745, %eq3A_1805 : vector<16xi32>
    %select_n3A_1807 = arith.select %eq3A_1806, %gather3A_1341, %select_n3A_1803 : vector<16xi1>, vector<16xf32>
    %eq3A_1808 = arith.constant 15 : i32
    %eq3A_1809 = vector.broadcast %eq3A_1808 : i32 to vector<16xi32>
    %eq3A_1810 = arith.cmpi eq, %convert_element_type3A_1745, %eq3A_1809 : vector<16xi32>
    %select_n3A_1811 = arith.select %eq3A_1810, %gather3A_1345, %select_n3A_1807 : vector<16xi1>, vector<16xf32>
    %eq3A_1812 = arith.constant 16 : i32
    %eq3A_1813 = vector.broadcast %eq3A_1812 : i32 to vector<16xi32>
    %eq3A_1814 = arith.cmpi eq, %convert_element_type3A_1745, %eq3A_1813 : vector<16xi32>
    %select_n3A_1815 = arith.select %eq3A_1814, %gather3A_1349, %select_n3A_1811 : vector<16xi1>, vector<16xf32>
    %eq3A_1816 = arith.constant 17 : i32
    %eq3A_1817 = vector.broadcast %eq3A_1816 : i32 to vector<16xi32>
    %eq3A_1818 = arith.cmpi eq, %convert_element_type3A_1745, %eq3A_1817 : vector<16xi32>
    %select_n3A_1819 = arith.select %eq3A_1818, %gather3A_1353, %select_n3A_1815 : vector<16xi1>, vector<16xf32>
    %eq3A_1820 = arith.constant 18 : i32
    %eq3A_1821 = vector.broadcast %eq3A_1820 : i32 to vector<16xi32>
    %eq3A_1822 = arith.cmpi eq, %convert_element_type3A_1745, %eq3A_1821 : vector<16xi32>
    %select_n3A_1823 = arith.select %eq3A_1822, %gather3A_1357, %select_n3A_1819 : vector<16xi1>, vector<16xf32>
    %eq3A_1824 = arith.constant 19 : i32
    %eq3A_1825 = vector.broadcast %eq3A_1824 : i32 to vector<16xi32>
    %eq3A_1826 = arith.cmpi eq, %convert_element_type3A_1745, %eq3A_1825 : vector<16xi32>
    %select_n3A_1827 = arith.select %eq3A_1826, %gather3A_1361, %select_n3A_1823 : vector<16xi1>, vector<16xf32>
    %mul3A_1828 = arith.constant 5.000000e-01 : f32
    %mul3A_1829 = vector.broadcast %mul3A_1828 : f32 to vector<16xf32>
    %mul3A_1830 = arith.mulf %mul3A_1829, %add3A_1596 : vector<16xf32>
    %mul3A_1831 = arith.constant 5.000000e-01 : f32
    %mul3A_1832 = vector.broadcast %mul3A_1831 : f32 to vector<16xf32>
    %mul3A_1833 = arith.mulf %mul3A_1832, %sub3A_1604 : vector<16xf32>
    %add3A_1834 = arith.addf %mul3A_1830, %mul3A_1833 : vector<16xf32>
    %sub3A_1835 = arith.subf %add3A_1744, %select_n3A_1827 : vector<16xf32>
    %add3A_1836 = arith.addf %add3A_1834, %sub3A_1835 : vector<16xf32>
    %jit3A_1837 = arith.constant 0.000000e+00 : f32
    %broadcast_in_dim3A_1838 = vector.broadcast %jit3A_1837 : f32 to vector<16xf32>
    %select_n3A_1839 = arith.select %and3A_1452, %add3A_1836, %broadcast_in_dim3A_1838 : vector<16xi1>, vector<16xf32>
    %add3A_1840 = arith.addf %add3A_1260, %select_n3A_1839 : vector<16xf32>
    %swap3A_1841 = arith.constant 0 : index
    %swap3A_1842 = tpu.vector_load %arg8[%swap3A_1841] {strides = array<i32>} : memref<16xf32, #tpu.memory_space<vmem>>, vector<16xf32>,
    tpu.vector_store %arg8[%swap3A_1841], %add3A_1840 {strides = array<i32>} : memref<16xf32, #tpu.memory_space<vmem>>, vector<16xf32>,
    "tpu.region"() ({
      %run_scoped3A = tpu.sem_alloc : memref<!tpu.dma_semaphore, #tpu.memory_space<semaphore_mem>>
      %dma_start3A = arith.constant 0 : i32
      %dma_start3A_1843 = tpu.memref_slice %arg4[%add3A, %dma_start3A] : memref<32x16xf32, #tpu.memory_space<hbm>> -> memref<1x16xf32, #tpu.memory_space<hbm>>
      %dma_start3A_1844 = tpu.memref_squeeze %dma_start3A_1843 : memref<1x16xf32, #tpu.memory_space<hbm>> -> memref<16xf32, #tpu.memory_space<hbm>>
      %dma_start3A_1845 = arith.constant 0 : i32
      %dma_start3A_1846 = tpu.memref_slice %arg4[%add3A, %dma_start3A_1845] : memref<32x16xf32, #tpu.memory_space<hbm>> -> memref<1x16xf32, #tpu.memory_space<hbm>>
      %dma_start3A_1847 = tpu.memref_squeeze %dma_start3A_1846 : memref<1x16xf32, #tpu.memory_space<hbm>> -> memref<16xf32, #tpu.memory_space<hbm>>
      tpu.enqueue_dma source(%arg8 : memref<16xf32, #tpu.memory_space<vmem>>) target(%dma_start3A_1847 : memref<16xf32, #tpu.memory_space<hbm>>) target_semaphore(%run_scoped3A : memref<!tpu.dma_semaphore, #tpu.memory_space<semaphore_mem>>)
      %dma_wait3A = arith.constant 0 : i32
      %dma_wait3A_1848 = tpu.memref_slice %arg4[%add3A, %dma_wait3A] : memref<32x16xf32, #tpu.memory_space<hbm>> -> memref<1x16xf32, #tpu.memory_space<hbm>>
      %dma_wait3A_1849 = tpu.memref_squeeze %dma_wait3A_1848 : memref<1x16xf32, #tpu.memory_space<hbm>> -> memref<16xf32, #tpu.memory_space<hbm>>
      %dma_wait3A_1850 = arith.constant 0 : i32
      %dma_wait3A_1851 = tpu.memref_slice %arg4[%add3A, %dma_wait3A_1850] : memref<32x16xf32, #tpu.memory_space<hbm>> -> memref<1x16xf32, #tpu.memory_space<hbm>>
      %dma_wait3A_1852 = tpu.memref_squeeze %dma_wait3A_1851 : memref<1x16xf32, #tpu.memory_space<hbm>> -> memref<16xf32, #tpu.memory_space<hbm>>
      tpu.wait_dma2 semaphore(%run_scoped3A : memref<!tpu.dma_semaphore, #tpu.memory_space<semaphore_mem>>) src(%arg8 : memref<16xf32, #tpu.memory_space<vmem>>) dst(%dma_wait3A_1852 : memref<16xf32, #tpu.memory_space<hbm>>)
      tpu.yield
    }) : () -> ()
    return
  }
}

module attributes {stable_mosaic.version = 14 : i64} {
  func.func @_tc_dense_body(%arg0: i32, %arg1: memref<1x1x240xf32, #tpu.memory_space<smem>>, %arg2: memref<1x5x5x361xf32, #tpu.memory_space<vmem>>, %arg3: memref<1x1x1xf32, #tpu.memory_space<smem>>) attributes {dimension_semantics = [#tpu.dimension_semantics<arbitrary>], iteration_bounds = array<i64: 32>, scalar_prefetch = 0 : i64, scratch_operands = 0 : i64, tpu.core_type = #tpu.core_type<tc>, window_params = [{transform_indices = @transform_0, window_bounds = array<i64: 1, 1, 240>}, {transform_indices = @transform_1, window_bounds = array<i64: 1, 5, 5, 361>}, {transform_indices = @transform_2, window_bounds = array<i64: 1, 1, 1>}]} {
    %get3A = arith.constant 0 : index
    %get3A_0 = arith.constant 0 : index
    %get3A_1 = arith.constant 0 : index
    %get3A_2 = arith.constant 0 : index
    %get3A_3 = vector.load %arg2[%get3A, %get3A_0, %get3A_1, %get3A_2] : memref<1x5x5x361xf32, #tpu.memory_space<vmem>>, vector<1x5x1x361xf32>
    %get3A_4 = vector.shape_cast %get3A_3 : vector<1x5x1x361xf32> to vector<5x361xf32>
    %get3A_5 = arith.constant 0 : index
    %get3A_6 = arith.constant 0 : index
    %get3A_7 = arith.constant 1 : index
    %get3A_8 = arith.constant 0 : index
    %get3A_9 = vector.load %arg2[%get3A_5, %get3A_6, %get3A_7, %get3A_8] : memref<1x5x5x361xf32, #tpu.memory_space<vmem>>, vector<1x5x1x361xf32>
    %get3A_10 = vector.shape_cast %get3A_9 : vector<1x5x1x361xf32> to vector<5x361xf32>
    %get3A_11 = arith.constant 0 : index
    %get3A_12 = arith.constant 0 : index
    %get3A_13 = arith.constant 2 : index
    %get3A_14 = arith.constant 0 : index
    %get3A_15 = vector.load %arg2[%get3A_11, %get3A_12, %get3A_13, %get3A_14] : memref<1x5x5x361xf32, #tpu.memory_space<vmem>>, vector<1x5x1x361xf32>
    %get3A_16 = vector.shape_cast %get3A_15 : vector<1x5x1x361xf32> to vector<5x361xf32>
    %get3A_17 = arith.constant 0 : index
    %get3A_18 = arith.constant 0 : index
    %get3A_19 = arith.constant 3 : index
    %get3A_20 = arith.constant 0 : index
    %get3A_21 = vector.load %arg2[%get3A_17, %get3A_18, %get3A_19, %get3A_20] : memref<1x5x5x361xf32, #tpu.memory_space<vmem>>, vector<1x5x1x361xf32>
    %get3A_22 = vector.shape_cast %get3A_21 : vector<1x5x1x361xf32> to vector<5x361xf32>
    %get3A_23 = arith.constant 0 : index
    %get3A_24 = arith.constant 0 : index
    %get3A_25 = arith.constant 4 : index
    %get3A_26 = arith.constant 0 : index
    %get3A_27 = vector.load %arg2[%get3A_23, %get3A_24, %get3A_25, %get3A_26] : memref<1x5x5x361xf32, #tpu.memory_space<vmem>>, vector<1x5x1x361xf32>
    %get3A_28 = vector.shape_cast %get3A_27 : vector<1x5x1x361xf32> to vector<5x361xf32>
    %iota3A = tpu.iota {dimensions = array<i32: 1>} : vector<5x361xi32>
    %jit3A = arith.constant 19 : i32
    %eq3A = arith.constant 0 : i32
    %eq3A_29 = arith.cmpi eq, %jit3A, %eq3A : i32
    %jit3A_30 = arith.constant 1 : i32
    %select_n3A = arith.select %eq3A_29, %jit3A_30, %jit3A : i32
    %rem3A = vector.broadcast %select_n3A : i32 to vector<5x361xi32>
    %rem3A_31 = arith.remsi %iota3A, %rem3A : vector<5x361xi32>
    %ne3A = arith.constant 0 : i32
    %ne3A_32 = vector.broadcast %ne3A : i32 to vector<5x361xi32>
    %ne3A_33 = arith.cmpi ne, %rem3A_31, %ne3A_32 : vector<5x361xi32>
    %lt3A = arith.constant 0 : i32
    %lt3A_34 = vector.broadcast %lt3A : i32 to vector<5x361xi32>
    %lt3A_35 = arith.cmpi slt, %rem3A_31, %lt3A_34 : vector<5x361xi32>
    %lt3A_36 = arith.constant 0 : i32
    %lt3A_37 = arith.cmpi slt, %select_n3A, %lt3A_36 : i32
    %ne3A_38 = vector.broadcast %lt3A_37 : i1 to vector<5x361xi1>
    %ne3A_39 = vector.broadcast %ne3A_38 : vector<5x361xi1> to vector<5x361xi1>
    %ne3A_40 = arith.xori %lt3A_35, %ne3A_39 : vector<5x361xi1>
    %and3A = arith.andi %ne3A_40, %ne3A_33 : vector<5x361xi1>
    %add3A = vector.broadcast %select_n3A : i32 to vector<5x361xi32>
    %add3A_41 = arith.addi %rem3A_31, %add3A : vector<5x361xi32>
    %select_n3A_42 = arith.select %and3A, %add3A_41, %rem3A_31 : vector<5x361xi1>, vector<5x361xi32>
    %convert_element_type3A = arith.sitofp %select_n3A_42 : vector<5x361xi32> to vector<5x361xf32>
    %jit3A_43 = arith.constant 19 : i32
    %div3A = vector.broadcast %jit3A_43 : i32 to vector<5x361xi32>
    %div3A_44 = arith.divsi %iota3A, %div3A : vector<5x361xi32>
    %sign3A = arith.constant 0 : i32
    %sign3A_45 = vector.broadcast %sign3A : i32 to vector<5x361xi32>
    %sign3A_46 = arith.cmpi sgt, %iota3A, %sign3A_45 : vector<5x361xi32>
    %sign3A_47 = arith.extui %sign3A_46 : vector<5x361xi1> to vector<5x361xi32>
    %sign3A_48 = arith.constant 0 : i32
    %sign3A_49 = vector.broadcast %sign3A_48 : i32 to vector<5x361xi32>
    %sign3A_50 = arith.cmpi slt, %iota3A, %sign3A_49 : vector<5x361xi32>
    %sign3A_51 = arith.extui %sign3A_50 : vector<5x361xi1> to vector<5x361xi32>
    %sign3A_52 = arith.subi %sign3A_47, %sign3A_51 : vector<5x361xi32>
    %sign3A_53 = arith.constant 0 : i32
    %sign3A_54 = arith.cmpi sgt, %jit3A_43, %sign3A_53 : i32
    %sign3A_55 = arith.extui %sign3A_54 : i1 to i32
    %sign3A_56 = arith.constant 0 : i32
    %sign3A_57 = arith.cmpi slt, %jit3A_43, %sign3A_56 : i32
    %sign3A_58 = arith.extui %sign3A_57 : i1 to i32
    %sign3A_59 = arith.subi %sign3A_55, %sign3A_58 : i32
    %ne3A_60 = vector.broadcast %sign3A_59 : i32 to vector<5x361xi32>
    %ne3A_61 = arith.cmpi ne, %sign3A_52, %ne3A_60 : vector<5x361xi32>
    %rem3A_62 = vector.broadcast %jit3A_43 : i32 to vector<5x361xi32>
    %rem3A_63 = arith.remsi %iota3A, %rem3A_62 : vector<5x361xi32>
    %ne3A_64 = arith.constant 0 : i32
    %ne3A_65 = vector.broadcast %ne3A_64 : i32 to vector<5x361xi32>
    %ne3A_66 = arith.cmpi ne, %rem3A_63, %ne3A_65 : vector<5x361xi32>
    %and3A_67 = arith.andi %ne3A_61, %ne3A_66 : vector<5x361xi1>
    %sub3A = arith.constant 1 : i32
    %sub3A_68 = vector.broadcast %sub3A : i32 to vector<5x361xi32>
    %sub3A_69 = arith.subi %div3A_44, %sub3A_68 : vector<5x361xi32>
    %select_n3A_70 = arith.select %and3A_67, %sub3A_69, %div3A_44 : vector<5x361xi1>, vector<5x361xi32>
    %convert_element_type3A_71 = arith.sitofp %select_n3A_70 : vector<5x361xi32> to vector<5x361xf32>
    %iota3A_72 = tpu.iota {dimensions = array<i32: 0>} : vector<5x1xi32>
    %broadcast_in_dim3A = arith.constant 1.322100e+00 : f32
    %broadcast_in_dim3A_73 = vector.broadcast %broadcast_in_dim3A : f32 to vector<5x1xf32>
    %broadcast_in_dim3A_74 = arith.constant 1.731450e+00 : f32
    %broadcast_in_dim3A_75 = vector.broadcast %broadcast_in_dim3A_74 : f32 to vector<5x1xf32>
    %eq3A_76 = arith.constant 1 : i32
    %eq3A_77 = vector.broadcast %eq3A_76 : i32 to vector<5x1xi32>
    %eq3A_78 = arith.cmpi eq, %iota3A_72, %eq3A_77 : vector<5x1xi32>
    %jit3A_79 = arith.constant 3.192750e+00 : f32
    %broadcast_in_dim3A_80 = vector.broadcast %jit3A_79 : f32 to vector<5x1xf32>
    %select_n3A_81 = arith.select %eq3A_78, %broadcast_in_dim3A_80, %broadcast_in_dim3A_73 : vector<5x1xi1>, vector<5x1xf32>
    %eq3A_82 = arith.constant 1 : i32
    %eq3A_83 = vector.broadcast %eq3A_82 : i32 to vector<5x1xi32>
    %eq3A_84 = arith.cmpi eq, %iota3A_72, %eq3A_83 : vector<5x1xi32>
    %jit3A_85 = arith.constant 4.00943756 : f32
    %broadcast_in_dim3A_86 = vector.broadcast %jit3A_85 : f32 to vector<5x1xf32>
    %select_n3A_87 = arith.select %eq3A_84, %broadcast_in_dim3A_86, %broadcast_in_dim3A_75 : vector<5x1xi1>, vector<5x1xf32>
    %eq3A_88 = arith.constant 2 : i32
    %eq3A_89 = vector.broadcast %eq3A_88 : i32 to vector<5x1xi32>
    %eq3A_90 = arith.cmpi eq, %iota3A_72, %eq3A_89 : vector<5x1xi32>
    %jit3A_91 = arith.constant 5.05587482 : f32
    %broadcast_in_dim3A_92 = vector.broadcast %jit3A_91 : f32 to vector<5x1xf32>
    %select_n3A_93 = arith.select %eq3A_90, %broadcast_in_dim3A_92, %select_n3A_81 : vector<5x1xi1>, vector<5x1xf32>
    %eq3A_94 = arith.constant 2 : i32
    %eq3A_95 = vector.broadcast %eq3A_94 : i32 to vector<5x1xi32>
    %eq3A_96 = arith.cmpi eq, %iota3A_72, %eq3A_95 : vector<5x1xi32>
    %jit3A_97 = arith.constant 8.09890651 : f32
    %broadcast_in_dim3A_98 = vector.broadcast %jit3A_97 : f32 to vector<5x1xf32>
    %select_n3A_99 = arith.select %eq3A_96, %broadcast_in_dim3A_98, %select_n3A_87 : vector<5x1xi1>, vector<5x1xf32>
    %eq3A_100 = arith.constant 3 : i32
    %eq3A_101 = vector.broadcast %eq3A_100 : i32 to vector<5x1xi32>
    %eq3A_102 = arith.cmpi eq, %iota3A_72, %eq3A_101 : vector<5x1xi32>
    %jit3A_103 = arith.constant 9.47112464 : f32
    %broadcast_in_dim3A_104 = vector.broadcast %jit3A_103 : f32 to vector<5x1xf32>
    %select_n3A_105 = arith.select %eq3A_102, %broadcast_in_dim3A_104, %select_n3A_93 : vector<5x1xi1>, vector<5x1xf32>
    %eq3A_106 = arith.constant 3 : i32
    %eq3A_107 = vector.broadcast %eq3A_106 : i32 to vector<5x1xi32>
    %eq3A_108 = arith.cmpi eq, %iota3A_72, %eq3A_107 : vector<5x1xi32>
    %jit3A_109 = arith.constant 4.84053135 : f32
    %broadcast_in_dim3A_110 = vector.broadcast %jit3A_109 : f32 to vector<5x1xf32>
    %select_n3A_111 = arith.select %eq3A_108, %broadcast_in_dim3A_110, %select_n3A_99 : vector<5x1xi1>, vector<5x1xf32>
    %eq3A_112 = arith.constant 4 : i32
    %eq3A_113 = vector.broadcast %eq3A_112 : i32 to vector<5x1xi32>
    %eq3A_114 = arith.cmpi eq, %iota3A_72, %eq3A_113 : vector<5x1xi32>
    %jit3A_115 = arith.constant 11.2364063 : f32
    %broadcast_in_dim3A_116 = vector.broadcast %jit3A_115 : f32 to vector<5x1xf32>
    %select_n3A_117 = arith.select %eq3A_114, %broadcast_in_dim3A_116, %select_n3A_105 : vector<5x1xi1>, vector<5x1xf32>
    %eq3A_118 = arith.constant 4 : i32
    %eq3A_119 = vector.broadcast %eq3A_118 : i32 to vector<5x1xi32>
    %eq3A_120 = arith.cmpi eq, %iota3A_72, %eq3A_119 : vector<5x1xi32>
    %jit3A_121 = arith.constant 10.0070934 : f32
    %broadcast_in_dim3A_122 = vector.broadcast %jit3A_121 : f32 to vector<5x1xf32>
    %select_n3A_123 = arith.select %eq3A_120, %broadcast_in_dim3A_122, %select_n3A_111 : vector<5x1xi1>, vector<5x1xf32>
    %neg3A = arith.constant 0.000000e+00 : f32
    %neg3A_124 = vector.broadcast %neg3A : f32 to vector<5x361xf32>
    %neg3A_125 = arith.subf %neg3A_124, %get3A_4 : vector<5x361xf32>
    %exp3A = math.exp %neg3A_125 : vector<5x361xf32>
    %add3A_126 = arith.constant 1.000000e+00 : f32
    %add3A_127 = vector.broadcast %add3A_126 : f32 to vector<5x361xf32>
    %add3A_128 = arith.addf %add3A_127, %exp3A : vector<5x361xf32>
    %div3A_129 = arith.constant 1.000000e+00 : f32
    %div3A_130 = vector.broadcast %div3A_129 : f32 to vector<5x361xf32>
    %div3A_131 = arith.divf %div3A_130, %add3A_128 : vector<5x361xf32>
    %add3A_132 = arith.addf %div3A_131, %convert_element_type3A : vector<5x361xf32>
    %neg3A_133 = arith.constant 0.000000e+00 : f32
    %neg3A_134 = vector.broadcast %neg3A_133 : f32 to vector<5x361xf32>
    %neg3A_135 = arith.subf %neg3A_134, %get3A_10 : vector<5x361xf32>
    %exp3A_136 = math.exp %neg3A_135 : vector<5x361xf32>
    %add3A_137 = arith.constant 1.000000e+00 : f32
    %add3A_138 = vector.broadcast %add3A_137 : f32 to vector<5x361xf32>
    %add3A_139 = arith.addf %add3A_138, %exp3A_136 : vector<5x361xf32>
    %div3A_140 = arith.constant 1.000000e+00 : f32
    %div3A_141 = vector.broadcast %div3A_140 : f32 to vector<5x361xf32>
    %div3A_142 = arith.divf %div3A_141, %add3A_139 : vector<5x361xf32>
    %add3A_143 = arith.addf %div3A_142, %convert_element_type3A_71 : vector<5x361xf32>
    %exp3A_144 = math.exp %get3A_16 : vector<5x361xf32>
    %mul3A = vector.broadcast %select_n3A_117 : vector<5x1xf32> to vector<5x361xf32>
    %mul3A_145 = arith.mulf %exp3A_144, %mul3A : vector<5x361xf32>
    %exp3A_146 = math.exp %get3A_22 : vector<5x361xf32>
    %mul3A_147 = vector.broadcast %select_n3A_123 : vector<5x1xf32> to vector<5x361xf32>
    %mul3A_148 = arith.mulf %exp3A_146, %mul3A_147 : vector<5x361xf32>
    %mul3A_149 = arith.mulf %mul3A_145, %mul3A_148 : vector<5x361xf32>
    %div3A_150 = arith.constant 2.000000e+00 : f32
    %div3A_151 = vector.broadcast %div3A_150 : f32 to vector<5x361xf32>
    %div3A_152 = arith.divf %mul3A_145, %div3A_151 : vector<5x361xf32>
    %sub3A_153 = arith.subf %add3A_132, %div3A_152 : vector<5x361xf32>
    %div3A_154 = arith.constant 2.000000e+00 : f32
    %div3A_155 = vector.broadcast %div3A_154 : f32 to vector<5x361xf32>
    %div3A_156 = arith.divf %mul3A_145, %div3A_155 : vector<5x361xf32>
    %add3A_157 = arith.addf %add3A_132, %div3A_156 : vector<5x361xf32>
    %div3A_158 = arith.constant 2.000000e+00 : f32
    %div3A_159 = vector.broadcast %div3A_158 : f32 to vector<5x361xf32>
    %div3A_160 = arith.divf %mul3A_148, %div3A_159 : vector<5x361xf32>
    %sub3A_161 = arith.subf %add3A_143, %div3A_160 : vector<5x361xf32>
    %div3A_162 = arith.constant 2.000000e+00 : f32
    %div3A_163 = vector.broadcast %div3A_162 : f32 to vector<5x361xf32>
    %div3A_164 = arith.divf %mul3A_148, %div3A_163 : vector<5x361xf32>
    %add3A_165 = arith.addf %add3A_143, %div3A_164 : vector<5x361xf32>
    %neg3A_166 = arith.constant 0.000000e+00 : f32
    %neg3A_167 = vector.broadcast %neg3A_166 : f32 to vector<5x361xf32>
    %neg3A_168 = arith.subf %neg3A_167, %get3A_28 : vector<5x361xf32>
    %exp3A_169 = math.exp %neg3A_168 : vector<5x361xf32>
    %add3A_170 = arith.constant 1.000000e+00 : f32
    %add3A_171 = vector.broadcast %add3A_170 : f32 to vector<5x361xf32>
    %add3A_172 = arith.addf %add3A_171, %exp3A_169 : vector<5x361xf32>
    %div3A_173 = arith.constant 1.000000e+00 : f32
    %div3A_174 = vector.broadcast %div3A_173 : f32 to vector<5x361xf32>
    %div3A_175 = arith.divf %div3A_174, %add3A_172 : vector<5x361xf32>
    %broadcast_in_dim3A_176 = arith.constant 0.000000e+00 : f32
    %broadcast_in_dim3A_177 = vector.broadcast %broadcast_in_dim3A_176 : f32 to vector<5x361xf32>
    %scan3A = arith.constant true
    %scan3A_178 = arith.constant 0 : i32
    %scan3A_179 = arith.constant 30 : i32
    %scan3A_180 = arith.addi %scan3A_178, %scan3A_179 : i32
    %scan3A_181 = arith.constant 6 : i32
    %scan3A_182:2 = scf.for %scan3A_198 = %scan3A_178 to %scan3A_180 step %scan3A_181 iter_args(%scan3A_199 = %broadcast_in_dim3A_177, %scan3A_200 = %scan3A) -> (vector<5x361xf32>, i1)  : i32 {
      %add3A_201 = arith.constant 48 : i32
      %add3A_202 = arith.addi %add3A_201, %scan3A_198 : i32
      %get3A_203 = arith.constant 0 : index
      %get3A_204 = arith.constant 0 : index
      %get3A_205 = arith.index_cast %add3A_202 : i32 to index
      %get3A_206 = memref.load %arg1[%get3A_203, %get3A_204, %get3A_205] : memref<1x1x240xf32, #tpu.memory_space<smem>>
      %ne3A_207 = arith.constant 0.000000e+00 : f32
      %ne3A_208 = arith.cmpf one, %get3A_206, %ne3A_207 : f32
      %and3A_209 = arith.andi %scan3A_200, %ne3A_208 : i1
      %mul3A_210 = arith.constant 1.900000e+01 : f32
      %mul3A_211 = arith.mulf %get3A_206, %mul3A_210 : f32
      %add3A_212 = arith.constant 96 : i32
      %add3A_213 = arith.addi %add3A_212, %scan3A_198 : i32
      %get3A_214 = arith.constant 0 : index
      %get3A_215 = arith.constant 0 : index
      %get3A_216 = arith.index_cast %add3A_213 : i32 to index
      %get3A_217 = memref.load %arg1[%get3A_214, %get3A_215, %get3A_216] : memref<1x1x240xf32, #tpu.memory_space<smem>>
      %mul3A_218 = arith.constant 1.900000e+01 : f32
      %mul3A_219 = arith.mulf %get3A_217, %mul3A_218 : f32
      %add3A_220 = arith.constant 144 : i32
      %add3A_221 = arith.addi %add3A_220, %scan3A_198 : i32
      %get3A_222 = arith.constant 0 : index
      %get3A_223 = arith.constant 0 : index
      %get3A_224 = arith.index_cast %add3A_221 : i32 to index
      %get3A_225 = memref.load %arg1[%get3A_222, %get3A_223, %get3A_224] : memref<1x1x240xf32, #tpu.memory_space<smem>>
      %mul3A_226 = arith.constant 1.900000e+01 : f32
      %mul3A_227 = arith.mulf %get3A_225, %mul3A_226 : f32
      %add3A_228 = arith.constant 192 : i32
      %add3A_229 = arith.addi %add3A_228, %scan3A_198 : i32
      %get3A_230 = arith.constant 0 : index
      %get3A_231 = arith.constant 0 : index
      %get3A_232 = arith.index_cast %add3A_229 : i32 to index
      %get3A_233 = memref.load %arg1[%get3A_230, %get3A_231, %get3A_232] : memref<1x1x240xf32, #tpu.memory_space<smem>>
      %mul3A_234 = arith.constant 1.900000e+01 : f32
      %mul3A_235 = arith.mulf %get3A_233, %mul3A_234 : f32
      %div3A_236 = arith.constant 2.000000e+00 : f32
      %div3A_237 = arith.divf %mul3A_227, %div3A_236 : f32
      %div3A_238 = arith.constant 2.000000e+00 : f32
      %div3A_239 = arith.divf %mul3A_235, %div3A_238 : f32
      %sub3A_240 = arith.subf %mul3A_211, %div3A_237 : f32
      %min3A = vector.broadcast %sub3A_240 : f32 to vector<5x361xf32>
      %min3A_241 = arith.minimumf %sub3A_153, %min3A : vector<5x361xf32>
      %add3A_242 = arith.addf %mul3A_211, %div3A_237 : f32
      %max3A = vector.broadcast %add3A_242 : f32 to vector<5x361xf32>
      %max3A_243 = arith.maximumf %add3A_157, %max3A : vector<5x361xf32>
      %sub3A_244 = arith.subf %mul3A_219, %div3A_239 : f32
      %min3A_245 = vector.broadcast %sub3A_244 : f32 to vector<5x361xf32>
      %min3A_246 = arith.minimumf %sub3A_161, %min3A_245 : vector<5x361xf32>
      %add3A_247 = arith.addf %mul3A_219, %div3A_239 : f32
      %max3A_248 = vector.broadcast %add3A_247 : f32 to vector<5x361xf32>
      %max3A_249 = arith.maximumf %add3A_165, %max3A_248 : vector<5x361xf32>
      %sub3A_250 = arith.subf %max3A_243, %min3A_241 : vector<5x361xf32>
      %sub3A_251 = arith.subf %max3A_249, %min3A_246 : vector<5x361xf32>
      %add3A_252 = vector.broadcast %mul3A_227 : f32 to vector<5x361xf32>
      %add3A_253 = arith.addf %mul3A_145, %add3A_252 : vector<5x361xf32>
      %sub3A_254 = arith.subf %add3A_253, %sub3A_250 : vector<5x361xf32>
      %add3A_255 = vector.broadcast %mul3A_235 : f32 to vector<5x361xf32>
      %add3A_256 = arith.addf %mul3A_148, %add3A_255 : vector<5x361xf32>
      %sub3A_257 = arith.subf %add3A_256, %sub3A_251 : vector<5x361xf32>
      %gt3A = arith.constant 0.000000e+00 : f32
      %gt3A_258 = vector.broadcast %gt3A : f32 to vector<5x361xf32>
      %gt3A_259 = arith.cmpf ogt, %sub3A_254, %gt3A_258 : vector<5x361xf32>
      %gt3A_260 = arith.constant 0.000000e+00 : f32
      %gt3A_261 = vector.broadcast %gt3A_260 : f32 to vector<5x361xf32>
      %gt3A_262 = arith.cmpf ogt, %sub3A_257, %gt3A_261 : vector<5x361xf32>
      %and3A_263 = arith.andi %gt3A_259, %gt3A_262 : vector<5x361xi1>
      %mul3A_264 = arith.mulf %sub3A_254, %sub3A_257 : vector<5x361xf32>
      %mul3A_265 = arith.mulf %mul3A_227, %mul3A_235 : f32
      %add3A_266 = vector.broadcast %mul3A_265 : f32 to vector<5x361xf32>
      %add3A_267 = arith.addf %mul3A_149, %add3A_266 : vector<5x361xf32>
      %mul3A_268 = arith.constant 3.750000e-01 : f32
      %mul3A_269 = vector.broadcast %mul3A_268 : f32 to vector<5x361xf32>
      %mul3A_270 = arith.mulf %mul3A_269, %add3A_267 : vector<5x361xf32>
      %gt3A_271 = arith.cmpf ogt, %mul3A_264, %mul3A_270 : vector<5x361xf32>
      %and3A_272 = arith.andi %and3A_263, %gt3A_271 : vector<5x361xi1>
      %and3A_273 = vector.broadcast %and3A_209 : i1 to vector<5x361xi1>
      %and3A_274 = arith.andi %and3A_272, %and3A_273 : vector<5x361xi1>
      %jit3A_275 = arith.constant 1.000000e+00 : f32
      %jit3A_276 = arith.constant 0.000000e+00 : f32
      %broadcast_in_dim3A_277 = vector.broadcast %jit3A_275 : f32 to vector<5x361xf32>
      %broadcast_in_dim3A_278 = vector.broadcast %jit3A_276 : f32 to vector<5x361xf32>
      %select_n3A_279 = arith.select %and3A_274, %broadcast_in_dim3A_277, %broadcast_in_dim3A_278 : vector<5x361xi1>, vector<5x361xf32>
      %max3A_280 = arith.maximumf %scan3A_199, %select_n3A_279 : vector<5x361xf32>
      %scan3A_281 = arith.constant 1 : i32
      %scan3A_282 = arith.addi %scan3A_198, %scan3A_281 : i32
      %add3A_283 = arith.constant 48 : i32
      %add3A_284 = arith.addi %add3A_283, %scan3A_282 : i32
      %get3A_285 = arith.constant 0 : index
      %get3A_286 = arith.constant 0 : index
      %get3A_287 = arith.index_cast %add3A_284 : i32 to index
      %get3A_288 = memref.load %arg1[%get3A_285, %get3A_286, %get3A_287] : memref<1x1x240xf32, #tpu.memory_space<smem>>
      %ne3A_289 = arith.constant 0.000000e+00 : f32
      %ne3A_290 = arith.cmpf one, %get3A_288, %ne3A_289 : f32
      %and3A_291 = arith.andi %and3A_209, %ne3A_290 : i1
      %mul3A_292 = arith.constant 1.900000e+01 : f32
      %mul3A_293 = arith.mulf %get3A_288, %mul3A_292 : f32
      %add3A_294 = arith.constant 96 : i32
      %add3A_295 = arith.addi %add3A_294, %scan3A_282 : i32
      %get3A_296 = arith.constant 0 : index
      %get3A_297 = arith.constant 0 : index
      %get3A_298 = arith.index_cast %add3A_295 : i32 to index
      %get3A_299 = memref.load %arg1[%get3A_296, %get3A_297, %get3A_298] : memref<1x1x240xf32, #tpu.memory_space<smem>>
      %mul3A_300 = arith.constant 1.900000e+01 : f32
      %mul3A_301 = arith.mulf %get3A_299, %mul3A_300 : f32
      %add3A_302 = arith.constant 144 : i32
      %add3A_303 = arith.addi %add3A_302, %scan3A_282 : i32
      %get3A_304 = arith.constant 0 : index
      %get3A_305 = arith.constant 0 : index
      %get3A_306 = arith.index_cast %add3A_303 : i32 to index
      %get3A_307 = memref.load %arg1[%get3A_304, %get3A_305, %get3A_306] : memref<1x1x240xf32, #tpu.memory_space<smem>>
      %mul3A_308 = arith.constant 1.900000e+01 : f32
      %mul3A_309 = arith.mulf %get3A_307, %mul3A_308 : f32
      %add3A_310 = arith.constant 192 : i32
      %add3A_311 = arith.addi %add3A_310, %scan3A_282 : i32
      %get3A_312 = arith.constant 0 : index
      %get3A_313 = arith.constant 0 : index
      %get3A_314 = arith.index_cast %add3A_311 : i32 to index
      %get3A_315 = memref.load %arg1[%get3A_312, %get3A_313, %get3A_314] : memref<1x1x240xf32, #tpu.memory_space<smem>>
      %mul3A_316 = arith.constant 1.900000e+01 : f32
      %mul3A_317 = arith.mulf %get3A_315, %mul3A_316 : f32
      %div3A_318 = arith.constant 2.000000e+00 : f32
      %div3A_319 = arith.divf %mul3A_309, %div3A_318 : f32
      %div3A_320 = arith.constant 2.000000e+00 : f32
      %div3A_321 = arith.divf %mul3A_317, %div3A_320 : f32
      %sub3A_322 = arith.subf %mul3A_293, %div3A_319 : f32
      %min3A_323 = vector.broadcast %sub3A_322 : f32 to vector<5x361xf32>
      %min3A_324 = arith.minimumf %sub3A_153, %min3A_323 : vector<5x361xf32>
      %add3A_325 = arith.addf %mul3A_293, %div3A_319 : f32
      %max3A_326 = vector.broadcast %add3A_325 : f32 to vector<5x361xf32>
      %max3A_327 = arith.maximumf %add3A_157, %max3A_326 : vector<5x361xf32>
      %sub3A_328 = arith.subf %mul3A_301, %div3A_321 : f32
      %min3A_329 = vector.broadcast %sub3A_328 : f32 to vector<5x361xf32>
      %min3A_330 = arith.minimumf %sub3A_161, %min3A_329 : vector<5x361xf32>
      %add3A_331 = arith.addf %mul3A_301, %div3A_321 : f32
      %max3A_332 = vector.broadcast %add3A_331 : f32 to vector<5x361xf32>
      %max3A_333 = arith.maximumf %add3A_165, %max3A_332 : vector<5x361xf32>
      %sub3A_334 = arith.subf %max3A_327, %min3A_324 : vector<5x361xf32>
      %sub3A_335 = arith.subf %max3A_333, %min3A_330 : vector<5x361xf32>
      %add3A_336 = vector.broadcast %mul3A_309 : f32 to vector<5x361xf32>
      %add3A_337 = arith.addf %mul3A_145, %add3A_336 : vector<5x361xf32>
      %sub3A_338 = arith.subf %add3A_337, %sub3A_334 : vector<5x361xf32>
      %add3A_339 = vector.broadcast %mul3A_317 : f32 to vector<5x361xf32>
      %add3A_340 = arith.addf %mul3A_148, %add3A_339 : vector<5x361xf32>
      %sub3A_341 = arith.subf %add3A_340, %sub3A_335 : vector<5x361xf32>
      %gt3A_342 = arith.constant 0.000000e+00 : f32
      %gt3A_343 = vector.broadcast %gt3A_342 : f32 to vector<5x361xf32>
      %gt3A_344 = arith.cmpf ogt, %sub3A_338, %gt3A_343 : vector<5x361xf32>
      %gt3A_345 = arith.constant 0.000000e+00 : f32
      %gt3A_346 = vector.broadcast %gt3A_345 : f32 to vector<5x361xf32>
      %gt3A_347 = arith.cmpf ogt, %sub3A_341, %gt3A_346 : vector<5x361xf32>
      %and3A_348 = arith.andi %gt3A_344, %gt3A_347 : vector<5x361xi1>
      %mul3A_349 = arith.mulf %sub3A_338, %sub3A_341 : vector<5x361xf32>
      %mul3A_350 = arith.mulf %mul3A_309, %mul3A_317 : f32
      %add3A_351 = vector.broadcast %mul3A_350 : f32 to vector<5x361xf32>
      %add3A_352 = arith.addf %mul3A_149, %add3A_351 : vector<5x361xf32>
      %mul3A_353 = arith.constant 3.750000e-01 : f32
      %mul3A_354 = vector.broadcast %mul3A_353 : f32 to vector<5x361xf32>
      %mul3A_355 = arith.mulf %mul3A_354, %add3A_352 : vector<5x361xf32>
      %gt3A_356 = arith.cmpf ogt, %mul3A_349, %mul3A_355 : vector<5x361xf32>
      %and3A_357 = arith.andi %and3A_348, %gt3A_356 : vector<5x361xi1>
      %and3A_358 = vector.broadcast %and3A_291 : i1 to vector<5x361xi1>
      %and3A_359 = arith.andi %and3A_357, %and3A_358 : vector<5x361xi1>
      %jit3A_360 = arith.constant 1.000000e+00 : f32
      %jit3A_361 = arith.constant 0.000000e+00 : f32
      %broadcast_in_dim3A_362 = vector.broadcast %jit3A_360 : f32 to vector<5x361xf32>
      %broadcast_in_dim3A_363 = vector.broadcast %jit3A_361 : f32 to vector<5x361xf32>
      %select_n3A_364 = arith.select %and3A_359, %broadcast_in_dim3A_362, %broadcast_in_dim3A_363 : vector<5x361xi1>, vector<5x361xf32>
      %max3A_365 = arith.maximumf %max3A_280, %select_n3A_364 : vector<5x361xf32>
      %scan3A_366 = arith.constant 2 : i32
      %scan3A_367 = arith.addi %scan3A_198, %scan3A_366 : i32
      %add3A_368 = arith.constant 48 : i32
      %add3A_369 = arith.addi %add3A_368, %scan3A_367 : i32
      %get3A_370 = arith.constant 0 : index
      %get3A_371 = arith.constant 0 : index
      %get3A_372 = arith.index_cast %add3A_369 : i32 to index
      %get3A_373 = memref.load %arg1[%get3A_370, %get3A_371, %get3A_372] : memref<1x1x240xf32, #tpu.memory_space<smem>>
      %ne3A_374 = arith.constant 0.000000e+00 : f32
      %ne3A_375 = arith.cmpf one, %get3A_373, %ne3A_374 : f32
      %and3A_376 = arith.andi %and3A_291, %ne3A_375 : i1
      %mul3A_377 = arith.constant 1.900000e+01 : f32
      %mul3A_378 = arith.mulf %get3A_373, %mul3A_377 : f32
      %add3A_379 = arith.constant 96 : i32
      %add3A_380 = arith.addi %add3A_379, %scan3A_367 : i32
      %get3A_381 = arith.constant 0 : index
      %get3A_382 = arith.constant 0 : index
      %get3A_383 = arith.index_cast %add3A_380 : i32 to index
      %get3A_384 = memref.load %arg1[%get3A_381, %get3A_382, %get3A_383] : memref<1x1x240xf32, #tpu.memory_space<smem>>
      %mul3A_385 = arith.constant 1.900000e+01 : f32
      %mul3A_386 = arith.mulf %get3A_384, %mul3A_385 : f32
      %add3A_387 = arith.constant 144 : i32
      %add3A_388 = arith.addi %add3A_387, %scan3A_367 : i32
      %get3A_389 = arith.constant 0 : index
      %get3A_390 = arith.constant 0 : index
      %get3A_391 = arith.index_cast %add3A_388 : i32 to index
      %get3A_392 = memref.load %arg1[%get3A_389, %get3A_390, %get3A_391] : memref<1x1x240xf32, #tpu.memory_space<smem>>
      %mul3A_393 = arith.constant 1.900000e+01 : f32
      %mul3A_394 = arith.mulf %get3A_392, %mul3A_393 : f32
      %add3A_395 = arith.constant 192 : i32
      %add3A_396 = arith.addi %add3A_395, %scan3A_367 : i32
      %get3A_397 = arith.constant 0 : index
      %get3A_398 = arith.constant 0 : index
      %get3A_399 = arith.index_cast %add3A_396 : i32 to index
      %get3A_400 = memref.load %arg1[%get3A_397, %get3A_398, %get3A_399] : memref<1x1x240xf32, #tpu.memory_space<smem>>
      %mul3A_401 = arith.constant 1.900000e+01 : f32
      %mul3A_402 = arith.mulf %get3A_400, %mul3A_401 : f32
      %div3A_403 = arith.constant 2.000000e+00 : f32
      %div3A_404 = arith.divf %mul3A_394, %div3A_403 : f32
      %div3A_405 = arith.constant 2.000000e+00 : f32
      %div3A_406 = arith.divf %mul3A_402, %div3A_405 : f32
      %sub3A_407 = arith.subf %mul3A_378, %div3A_404 : f32
      %min3A_408 = vector.broadcast %sub3A_407 : f32 to vector<5x361xf32>
      %min3A_409 = arith.minimumf %sub3A_153, %min3A_408 : vector<5x361xf32>
      %add3A_410 = arith.addf %mul3A_378, %div3A_404 : f32
      %max3A_411 = vector.broadcast %add3A_410 : f32 to vector<5x361xf32>
      %max3A_412 = arith.maximumf %add3A_157, %max3A_411 : vector<5x361xf32>
      %sub3A_413 = arith.subf %mul3A_386, %div3A_406 : f32
      %min3A_414 = vector.broadcast %sub3A_413 : f32 to vector<5x361xf32>
      %min3A_415 = arith.minimumf %sub3A_161, %min3A_414 : vector<5x361xf32>
      %add3A_416 = arith.addf %mul3A_386, %div3A_406 : f32
      %max3A_417 = vector.broadcast %add3A_416 : f32 to vector<5x361xf32>
      %max3A_418 = arith.maximumf %add3A_165, %max3A_417 : vector<5x361xf32>
      %sub3A_419 = arith.subf %max3A_412, %min3A_409 : vector<5x361xf32>
      %sub3A_420 = arith.subf %max3A_418, %min3A_415 : vector<5x361xf32>
      %add3A_421 = vector.broadcast %mul3A_394 : f32 to vector<5x361xf32>
      %add3A_422 = arith.addf %mul3A_145, %add3A_421 : vector<5x361xf32>
      %sub3A_423 = arith.subf %add3A_422, %sub3A_419 : vector<5x361xf32>
      %add3A_424 = vector.broadcast %mul3A_402 : f32 to vector<5x361xf32>
      %add3A_425 = arith.addf %mul3A_148, %add3A_424 : vector<5x361xf32>
      %sub3A_426 = arith.subf %add3A_425, %sub3A_420 : vector<5x361xf32>
      %gt3A_427 = arith.constant 0.000000e+00 : f32
      %gt3A_428 = vector.broadcast %gt3A_427 : f32 to vector<5x361xf32>
      %gt3A_429 = arith.cmpf ogt, %sub3A_423, %gt3A_428 : vector<5x361xf32>
      %gt3A_430 = arith.constant 0.000000e+00 : f32
      %gt3A_431 = vector.broadcast %gt3A_430 : f32 to vector<5x361xf32>
      %gt3A_432 = arith.cmpf ogt, %sub3A_426, %gt3A_431 : vector<5x361xf32>
      %and3A_433 = arith.andi %gt3A_429, %gt3A_432 : vector<5x361xi1>
      %mul3A_434 = arith.mulf %sub3A_423, %sub3A_426 : vector<5x361xf32>
      %mul3A_435 = arith.mulf %mul3A_394, %mul3A_402 : f32
      %add3A_436 = vector.broadcast %mul3A_435 : f32 to vector<5x361xf32>
      %add3A_437 = arith.addf %mul3A_149, %add3A_436 : vector<5x361xf32>
      %mul3A_438 = arith.constant 3.750000e-01 : f32
      %mul3A_439 = vector.broadcast %mul3A_438 : f32 to vector<5x361xf32>
      %mul3A_440 = arith.mulf %mul3A_439, %add3A_437 : vector<5x361xf32>
      %gt3A_441 = arith.cmpf ogt, %mul3A_434, %mul3A_440 : vector<5x361xf32>
      %and3A_442 = arith.andi %and3A_433, %gt3A_441 : vector<5x361xi1>
      %and3A_443 = vector.broadcast %and3A_376 : i1 to vector<5x361xi1>
      %and3A_444 = arith.andi %and3A_442, %and3A_443 : vector<5x361xi1>
      %jit3A_445 = arith.constant 1.000000e+00 : f32
      %jit3A_446 = arith.constant 0.000000e+00 : f32
      %broadcast_in_dim3A_447 = vector.broadcast %jit3A_445 : f32 to vector<5x361xf32>
      %broadcast_in_dim3A_448 = vector.broadcast %jit3A_446 : f32 to vector<5x361xf32>
      %select_n3A_449 = arith.select %and3A_444, %broadcast_in_dim3A_447, %broadcast_in_dim3A_448 : vector<5x361xi1>, vector<5x361xf32>
      %max3A_450 = arith.maximumf %max3A_365, %select_n3A_449 : vector<5x361xf32>
      %scan3A_451 = arith.constant 3 : i32
      %scan3A_452 = arith.addi %scan3A_198, %scan3A_451 : i32
      %add3A_453 = arith.constant 48 : i32
      %add3A_454 = arith.addi %add3A_453, %scan3A_452 : i32
      %get3A_455 = arith.constant 0 : index
      %get3A_456 = arith.constant 0 : index
      %get3A_457 = arith.index_cast %add3A_454 : i32 to index
      %get3A_458 = memref.load %arg1[%get3A_455, %get3A_456, %get3A_457] : memref<1x1x240xf32, #tpu.memory_space<smem>>
      %ne3A_459 = arith.constant 0.000000e+00 : f32
      %ne3A_460 = arith.cmpf one, %get3A_458, %ne3A_459 : f32
      %and3A_461 = arith.andi %and3A_376, %ne3A_460 : i1
      %mul3A_462 = arith.constant 1.900000e+01 : f32
      %mul3A_463 = arith.mulf %get3A_458, %mul3A_462 : f32
      %add3A_464 = arith.constant 96 : i32
      %add3A_465 = arith.addi %add3A_464, %scan3A_452 : i32
      %get3A_466 = arith.constant 0 : index
      %get3A_467 = arith.constant 0 : index
      %get3A_468 = arith.index_cast %add3A_465 : i32 to index
      %get3A_469 = memref.load %arg1[%get3A_466, %get3A_467, %get3A_468] : memref<1x1x240xf32, #tpu.memory_space<smem>>
      %mul3A_470 = arith.constant 1.900000e+01 : f32
      %mul3A_471 = arith.mulf %get3A_469, %mul3A_470 : f32
      %add3A_472 = arith.constant 144 : i32
      %add3A_473 = arith.addi %add3A_472, %scan3A_452 : i32
      %get3A_474 = arith.constant 0 : index
      %get3A_475 = arith.constant 0 : index
      %get3A_476 = arith.index_cast %add3A_473 : i32 to index
      %get3A_477 = memref.load %arg1[%get3A_474, %get3A_475, %get3A_476] : memref<1x1x240xf32, #tpu.memory_space<smem>>
      %mul3A_478 = arith.constant 1.900000e+01 : f32
      %mul3A_479 = arith.mulf %get3A_477, %mul3A_478 : f32
      %add3A_480 = arith.constant 192 : i32
      %add3A_481 = arith.addi %add3A_480, %scan3A_452 : i32
      %get3A_482 = arith.constant 0 : index
      %get3A_483 = arith.constant 0 : index
      %get3A_484 = arith.index_cast %add3A_481 : i32 to index
      %get3A_485 = memref.load %arg1[%get3A_482, %get3A_483, %get3A_484] : memref<1x1x240xf32, #tpu.memory_space<smem>>
      %mul3A_486 = arith.constant 1.900000e+01 : f32
      %mul3A_487 = arith.mulf %get3A_485, %mul3A_486 : f32
      %div3A_488 = arith.constant 2.000000e+00 : f32
      %div3A_489 = arith.divf %mul3A_479, %div3A_488 : f32
      %div3A_490 = arith.constant 2.000000e+00 : f32
      %div3A_491 = arith.divf %mul3A_487, %div3A_490 : f32
      %sub3A_492 = arith.subf %mul3A_463, %div3A_489 : f32
      %min3A_493 = vector.broadcast %sub3A_492 : f32 to vector<5x361xf32>
      %min3A_494 = arith.minimumf %sub3A_153, %min3A_493 : vector<5x361xf32>
      %add3A_495 = arith.addf %mul3A_463, %div3A_489 : f32
      %max3A_496 = vector.broadcast %add3A_495 : f32 to vector<5x361xf32>
      %max3A_497 = arith.maximumf %add3A_157, %max3A_496 : vector<5x361xf32>
      %sub3A_498 = arith.subf %mul3A_471, %div3A_491 : f32
      %min3A_499 = vector.broadcast %sub3A_498 : f32 to vector<5x361xf32>
      %min3A_500 = arith.minimumf %sub3A_161, %min3A_499 : vector<5x361xf32>
      %add3A_501 = arith.addf %mul3A_471, %div3A_491 : f32
      %max3A_502 = vector.broadcast %add3A_501 : f32 to vector<5x361xf32>
      %max3A_503 = arith.maximumf %add3A_165, %max3A_502 : vector<5x361xf32>
      %sub3A_504 = arith.subf %max3A_497, %min3A_494 : vector<5x361xf32>
      %sub3A_505 = arith.subf %max3A_503, %min3A_500 : vector<5x361xf32>
      %add3A_506 = vector.broadcast %mul3A_479 : f32 to vector<5x361xf32>
      %add3A_507 = arith.addf %mul3A_145, %add3A_506 : vector<5x361xf32>
      %sub3A_508 = arith.subf %add3A_507, %sub3A_504 : vector<5x361xf32>
      %add3A_509 = vector.broadcast %mul3A_487 : f32 to vector<5x361xf32>
      %add3A_510 = arith.addf %mul3A_148, %add3A_509 : vector<5x361xf32>
      %sub3A_511 = arith.subf %add3A_510, %sub3A_505 : vector<5x361xf32>
      %gt3A_512 = arith.constant 0.000000e+00 : f32
      %gt3A_513 = vector.broadcast %gt3A_512 : f32 to vector<5x361xf32>
      %gt3A_514 = arith.cmpf ogt, %sub3A_508, %gt3A_513 : vector<5x361xf32>
      %gt3A_515 = arith.constant 0.000000e+00 : f32
      %gt3A_516 = vector.broadcast %gt3A_515 : f32 to vector<5x361xf32>
      %gt3A_517 = arith.cmpf ogt, %sub3A_511, %gt3A_516 : vector<5x361xf32>
      %and3A_518 = arith.andi %gt3A_514, %gt3A_517 : vector<5x361xi1>
      %mul3A_519 = arith.mulf %sub3A_508, %sub3A_511 : vector<5x361xf32>
      %mul3A_520 = arith.mulf %mul3A_479, %mul3A_487 : f32
      %add3A_521 = vector.broadcast %mul3A_520 : f32 to vector<5x361xf32>
      %add3A_522 = arith.addf %mul3A_149, %add3A_521 : vector<5x361xf32>
      %mul3A_523 = arith.constant 3.750000e-01 : f32
      %mul3A_524 = vector.broadcast %mul3A_523 : f32 to vector<5x361xf32>
      %mul3A_525 = arith.mulf %mul3A_524, %add3A_522 : vector<5x361xf32>
      %gt3A_526 = arith.cmpf ogt, %mul3A_519, %mul3A_525 : vector<5x361xf32>
      %and3A_527 = arith.andi %and3A_518, %gt3A_526 : vector<5x361xi1>
      %and3A_528 = vector.broadcast %and3A_461 : i1 to vector<5x361xi1>
      %and3A_529 = arith.andi %and3A_527, %and3A_528 : vector<5x361xi1>
      %jit3A_530 = arith.constant 1.000000e+00 : f32
      %jit3A_531 = arith.constant 0.000000e+00 : f32
      %broadcast_in_dim3A_532 = vector.broadcast %jit3A_530 : f32 to vector<5x361xf32>
      %broadcast_in_dim3A_533 = vector.broadcast %jit3A_531 : f32 to vector<5x361xf32>
      %select_n3A_534 = arith.select %and3A_529, %broadcast_in_dim3A_532, %broadcast_in_dim3A_533 : vector<5x361xi1>, vector<5x361xf32>
      %max3A_535 = arith.maximumf %max3A_450, %select_n3A_534 : vector<5x361xf32>
      %scan3A_536 = arith.constant 4 : i32
      %scan3A_537 = arith.addi %scan3A_198, %scan3A_536 : i32
      %add3A_538 = arith.constant 48 : i32
      %add3A_539 = arith.addi %add3A_538, %scan3A_537 : i32
      %get3A_540 = arith.constant 0 : index
      %get3A_541 = arith.constant 0 : index
      %get3A_542 = arith.index_cast %add3A_539 : i32 to index
      %get3A_543 = memref.load %arg1[%get3A_540, %get3A_541, %get3A_542] : memref<1x1x240xf32, #tpu.memory_space<smem>>
      %ne3A_544 = arith.constant 0.000000e+00 : f32
      %ne3A_545 = arith.cmpf one, %get3A_543, %ne3A_544 : f32
      %and3A_546 = arith.andi %and3A_461, %ne3A_545 : i1
      %mul3A_547 = arith.constant 1.900000e+01 : f32
      %mul3A_548 = arith.mulf %get3A_543, %mul3A_547 : f32
      %add3A_549 = arith.constant 96 : i32
      %add3A_550 = arith.addi %add3A_549, %scan3A_537 : i32
      %get3A_551 = arith.constant 0 : index
      %get3A_552 = arith.constant 0 : index
      %get3A_553 = arith.index_cast %add3A_550 : i32 to index
      %get3A_554 = memref.load %arg1[%get3A_551, %get3A_552, %get3A_553] : memref<1x1x240xf32, #tpu.memory_space<smem>>
      %mul3A_555 = arith.constant 1.900000e+01 : f32
      %mul3A_556 = arith.mulf %get3A_554, %mul3A_555 : f32
      %add3A_557 = arith.constant 144 : i32
      %add3A_558 = arith.addi %add3A_557, %scan3A_537 : i32
      %get3A_559 = arith.constant 0 : index
      %get3A_560 = arith.constant 0 : index
      %get3A_561 = arith.index_cast %add3A_558 : i32 to index
      %get3A_562 = memref.load %arg1[%get3A_559, %get3A_560, %get3A_561] : memref<1x1x240xf32, #tpu.memory_space<smem>>
      %mul3A_563 = arith.constant 1.900000e+01 : f32
      %mul3A_564 = arith.mulf %get3A_562, %mul3A_563 : f32
      %add3A_565 = arith.constant 192 : i32
      %add3A_566 = arith.addi %add3A_565, %scan3A_537 : i32
      %get3A_567 = arith.constant 0 : index
      %get3A_568 = arith.constant 0 : index
      %get3A_569 = arith.index_cast %add3A_566 : i32 to index
      %get3A_570 = memref.load %arg1[%get3A_567, %get3A_568, %get3A_569] : memref<1x1x240xf32, #tpu.memory_space<smem>>
      %mul3A_571 = arith.constant 1.900000e+01 : f32
      %mul3A_572 = arith.mulf %get3A_570, %mul3A_571 : f32
      %div3A_573 = arith.constant 2.000000e+00 : f32
      %div3A_574 = arith.divf %mul3A_564, %div3A_573 : f32
      %div3A_575 = arith.constant 2.000000e+00 : f32
      %div3A_576 = arith.divf %mul3A_572, %div3A_575 : f32
      %sub3A_577 = arith.subf %mul3A_548, %div3A_574 : f32
      %min3A_578 = vector.broadcast %sub3A_577 : f32 to vector<5x361xf32>
      %min3A_579 = arith.minimumf %sub3A_153, %min3A_578 : vector<5x361xf32>
      %add3A_580 = arith.addf %mul3A_548, %div3A_574 : f32
      %max3A_581 = vector.broadcast %add3A_580 : f32 to vector<5x361xf32>
      %max3A_582 = arith.maximumf %add3A_157, %max3A_581 : vector<5x361xf32>
      %sub3A_583 = arith.subf %mul3A_556, %div3A_576 : f32
      %min3A_584 = vector.broadcast %sub3A_583 : f32 to vector<5x361xf32>
      %min3A_585 = arith.minimumf %sub3A_161, %min3A_584 : vector<5x361xf32>
      %add3A_586 = arith.addf %mul3A_556, %div3A_576 : f32
      %max3A_587 = vector.broadcast %add3A_586 : f32 to vector<5x361xf32>
      %max3A_588 = arith.maximumf %add3A_165, %max3A_587 : vector<5x361xf32>
      %sub3A_589 = arith.subf %max3A_582, %min3A_579 : vector<5x361xf32>
      %sub3A_590 = arith.subf %max3A_588, %min3A_585 : vector<5x361xf32>
      %add3A_591 = vector.broadcast %mul3A_564 : f32 to vector<5x361xf32>
      %add3A_592 = arith.addf %mul3A_145, %add3A_591 : vector<5x361xf32>
      %sub3A_593 = arith.subf %add3A_592, %sub3A_589 : vector<5x361xf32>
      %add3A_594 = vector.broadcast %mul3A_572 : f32 to vector<5x361xf32>
      %add3A_595 = arith.addf %mul3A_148, %add3A_594 : vector<5x361xf32>
      %sub3A_596 = arith.subf %add3A_595, %sub3A_590 : vector<5x361xf32>
      %gt3A_597 = arith.constant 0.000000e+00 : f32
      %gt3A_598 = vector.broadcast %gt3A_597 : f32 to vector<5x361xf32>
      %gt3A_599 = arith.cmpf ogt, %sub3A_593, %gt3A_598 : vector<5x361xf32>
      %gt3A_600 = arith.constant 0.000000e+00 : f32
      %gt3A_601 = vector.broadcast %gt3A_600 : f32 to vector<5x361xf32>
      %gt3A_602 = arith.cmpf ogt, %sub3A_596, %gt3A_601 : vector<5x361xf32>
      %and3A_603 = arith.andi %gt3A_599, %gt3A_602 : vector<5x361xi1>
      %mul3A_604 = arith.mulf %sub3A_593, %sub3A_596 : vector<5x361xf32>
      %mul3A_605 = arith.mulf %mul3A_564, %mul3A_572 : f32
      %add3A_606 = vector.broadcast %mul3A_605 : f32 to vector<5x361xf32>
      %add3A_607 = arith.addf %mul3A_149, %add3A_606 : vector<5x361xf32>
      %mul3A_608 = arith.constant 3.750000e-01 : f32
      %mul3A_609 = vector.broadcast %mul3A_608 : f32 to vector<5x361xf32>
      %mul3A_610 = arith.mulf %mul3A_609, %add3A_607 : vector<5x361xf32>
      %gt3A_611 = arith.cmpf ogt, %mul3A_604, %mul3A_610 : vector<5x361xf32>
      %and3A_612 = arith.andi %and3A_603, %gt3A_611 : vector<5x361xi1>
      %and3A_613 = vector.broadcast %and3A_546 : i1 to vector<5x361xi1>
      %and3A_614 = arith.andi %and3A_612, %and3A_613 : vector<5x361xi1>
      %jit3A_615 = arith.constant 1.000000e+00 : f32
      %jit3A_616 = arith.constant 0.000000e+00 : f32
      %broadcast_in_dim3A_617 = vector.broadcast %jit3A_615 : f32 to vector<5x361xf32>
      %broadcast_in_dim3A_618 = vector.broadcast %jit3A_616 : f32 to vector<5x361xf32>
      %select_n3A_619 = arith.select %and3A_614, %broadcast_in_dim3A_617, %broadcast_in_dim3A_618 : vector<5x361xi1>, vector<5x361xf32>
      %max3A_620 = arith.maximumf %max3A_535, %select_n3A_619 : vector<5x361xf32>
      %scan3A_621 = arith.constant 5 : i32
      %scan3A_622 = arith.addi %scan3A_198, %scan3A_621 : i32
      %add3A_623 = arith.constant 48 : i32
      %add3A_624 = arith.addi %add3A_623, %scan3A_622 : i32
      %get3A_625 = arith.constant 0 : index
      %get3A_626 = arith.constant 0 : index
      %get3A_627 = arith.index_cast %add3A_624 : i32 to index
      %get3A_628 = memref.load %arg1[%get3A_625, %get3A_626, %get3A_627] : memref<1x1x240xf32, #tpu.memory_space<smem>>
      %ne3A_629 = arith.constant 0.000000e+00 : f32
      %ne3A_630 = arith.cmpf one, %get3A_628, %ne3A_629 : f32
      %and3A_631 = arith.andi %and3A_546, %ne3A_630 : i1
      %mul3A_632 = arith.constant 1.900000e+01 : f32
      %mul3A_633 = arith.mulf %get3A_628, %mul3A_632 : f32
      %add3A_634 = arith.constant 96 : i32
      %add3A_635 = arith.addi %add3A_634, %scan3A_622 : i32
      %get3A_636 = arith.constant 0 : index
      %get3A_637 = arith.constant 0 : index
      %get3A_638 = arith.index_cast %add3A_635 : i32 to index
      %get3A_639 = memref.load %arg1[%get3A_636, %get3A_637, %get3A_638] : memref<1x1x240xf32, #tpu.memory_space<smem>>
      %mul3A_640 = arith.constant 1.900000e+01 : f32
      %mul3A_641 = arith.mulf %get3A_639, %mul3A_640 : f32
      %add3A_642 = arith.constant 144 : i32
      %add3A_643 = arith.addi %add3A_642, %scan3A_622 : i32
      %get3A_644 = arith.constant 0 : index
      %get3A_645 = arith.constant 0 : index
      %get3A_646 = arith.index_cast %add3A_643 : i32 to index
      %get3A_647 = memref.load %arg1[%get3A_644, %get3A_645, %get3A_646] : memref<1x1x240xf32, #tpu.memory_space<smem>>
      %mul3A_648 = arith.constant 1.900000e+01 : f32
      %mul3A_649 = arith.mulf %get3A_647, %mul3A_648 : f32
      %add3A_650 = arith.constant 192 : i32
      %add3A_651 = arith.addi %add3A_650, %scan3A_622 : i32
      %get3A_652 = arith.constant 0 : index
      %get3A_653 = arith.constant 0 : index
      %get3A_654 = arith.index_cast %add3A_651 : i32 to index
      %get3A_655 = memref.load %arg1[%get3A_652, %get3A_653, %get3A_654] : memref<1x1x240xf32, #tpu.memory_space<smem>>
      %mul3A_656 = arith.constant 1.900000e+01 : f32
      %mul3A_657 = arith.mulf %get3A_655, %mul3A_656 : f32
      %div3A_658 = arith.constant 2.000000e+00 : f32
      %div3A_659 = arith.divf %mul3A_649, %div3A_658 : f32
      %div3A_660 = arith.constant 2.000000e+00 : f32
      %div3A_661 = arith.divf %mul3A_657, %div3A_660 : f32
      %sub3A_662 = arith.subf %mul3A_633, %div3A_659 : f32
      %min3A_663 = vector.broadcast %sub3A_662 : f32 to vector<5x361xf32>
      %min3A_664 = arith.minimumf %sub3A_153, %min3A_663 : vector<5x361xf32>
      %add3A_665 = arith.addf %mul3A_633, %div3A_659 : f32
      %max3A_666 = vector.broadcast %add3A_665 : f32 to vector<5x361xf32>
      %max3A_667 = arith.maximumf %add3A_157, %max3A_666 : vector<5x361xf32>
      %sub3A_668 = arith.subf %mul3A_641, %div3A_661 : f32
      %min3A_669 = vector.broadcast %sub3A_668 : f32 to vector<5x361xf32>
      %min3A_670 = arith.minimumf %sub3A_161, %min3A_669 : vector<5x361xf32>
      %add3A_671 = arith.addf %mul3A_641, %div3A_661 : f32
      %max3A_672 = vector.broadcast %add3A_671 : f32 to vector<5x361xf32>
      %max3A_673 = arith.maximumf %add3A_165, %max3A_672 : vector<5x361xf32>
      %sub3A_674 = arith.subf %max3A_667, %min3A_664 : vector<5x361xf32>
      %sub3A_675 = arith.subf %max3A_673, %min3A_670 : vector<5x361xf32>
      %add3A_676 = vector.broadcast %mul3A_649 : f32 to vector<5x361xf32>
      %add3A_677 = arith.addf %mul3A_145, %add3A_676 : vector<5x361xf32>
      %sub3A_678 = arith.subf %add3A_677, %sub3A_674 : vector<5x361xf32>
      %add3A_679 = vector.broadcast %mul3A_657 : f32 to vector<5x361xf32>
      %add3A_680 = arith.addf %mul3A_148, %add3A_679 : vector<5x361xf32>
      %sub3A_681 = arith.subf %add3A_680, %sub3A_675 : vector<5x361xf32>
      %gt3A_682 = arith.constant 0.000000e+00 : f32
      %gt3A_683 = vector.broadcast %gt3A_682 : f32 to vector<5x361xf32>
      %gt3A_684 = arith.cmpf ogt, %sub3A_678, %gt3A_683 : vector<5x361xf32>
      %gt3A_685 = arith.constant 0.000000e+00 : f32
      %gt3A_686 = vector.broadcast %gt3A_685 : f32 to vector<5x361xf32>
      %gt3A_687 = arith.cmpf ogt, %sub3A_681, %gt3A_686 : vector<5x361xf32>
      %and3A_688 = arith.andi %gt3A_684, %gt3A_687 : vector<5x361xi1>
      %mul3A_689 = arith.mulf %sub3A_678, %sub3A_681 : vector<5x361xf32>
      %mul3A_690 = arith.mulf %mul3A_649, %mul3A_657 : f32
      %add3A_691 = vector.broadcast %mul3A_690 : f32 to vector<5x361xf32>
      %add3A_692 = arith.addf %mul3A_149, %add3A_691 : vector<5x361xf32>
      %mul3A_693 = arith.constant 3.750000e-01 : f32
      %mul3A_694 = vector.broadcast %mul3A_693 : f32 to vector<5x361xf32>
      %mul3A_695 = arith.mulf %mul3A_694, %add3A_692 : vector<5x361xf32>
      %gt3A_696 = arith.cmpf ogt, %mul3A_689, %mul3A_695 : vector<5x361xf32>
      %and3A_697 = arith.andi %and3A_688, %gt3A_696 : vector<5x361xi1>
      %and3A_698 = vector.broadcast %and3A_631 : i1 to vector<5x361xi1>
      %and3A_699 = arith.andi %and3A_697, %and3A_698 : vector<5x361xi1>
      %jit3A_700 = arith.constant 1.000000e+00 : f32
      %jit3A_701 = arith.constant 0.000000e+00 : f32
      %broadcast_in_dim3A_702 = vector.broadcast %jit3A_700 : f32 to vector<5x361xf32>
      %broadcast_in_dim3A_703 = vector.broadcast %jit3A_701 : f32 to vector<5x361xf32>
      %select_n3A_704 = arith.select %and3A_699, %broadcast_in_dim3A_702, %broadcast_in_dim3A_703 : vector<5x361xi1>, vector<5x361xf32>
      %max3A_705 = arith.maximumf %max3A_620, %select_n3A_704 : vector<5x361xf32>
      scf.yield %max3A_705, %and3A_631 : vector<5x361xf32>, i1
    }
    %scan3A_183 = arith.constant 30 : i32
    %sub3A_184 = arith.constant 1.000000e+00 : f32
    %sub3A_185 = vector.broadcast %sub3A_184 : f32 to vector<5x361xf32>
    %sub3A_186 = arith.subf %sub3A_185, %scan3A_182#0 : vector<5x361xf32>
    %mul3A_187 = arith.mulf %sub3A_186, %div3A_175 : vector<5x361xf32>
    %mul3A_188 = arith.mulf %mul3A_187, %div3A_175 : vector<5x361xf32>
    %reduce_sum3A = vector.shape_cast %mul3A_188 : vector<5x361xf32> to vector<1x5x361xf32>
    %reduce_sum3A_189 = arith.constant dense<0.000000e+00> : vector<1xf32>
    %reduce_sum3A_190 = vector.multi_reduction <add>, %reduce_sum3A, %reduce_sum3A_189 [1, 2] : vector<1x5x361xf32> to vector<1xf32>
    %reduce_sum3A_191 = vector.shape_cast %reduce_sum3A_190 : vector<1xf32> to vector<1x1x1xf32>
    %reduce_sum3A_192 = vector.extract %reduce_sum3A_191[0, 0, 0] : f32 from vector<1x1x1xf32>
    %mul3A_193 = arith.constant 5.000000e-01 : f32
    %mul3A_194 = arith.mulf %mul3A_193, %reduce_sum3A_192 : f32
    %swap3A = arith.constant 0 : index
    %swap3A_195 = arith.constant 0 : index
    %swap3A_196 = arith.constant 0 : index
    %swap3A_197 = memref.load %arg3[%swap3A, %swap3A_195, %swap3A_196] : memref<1x1x1xf32, #tpu.memory_space<smem>>
    memref.store %mul3A_194, %arg3[%swap3A, %swap3A_195, %swap3A_196] : memref<1x1x1xf32, #tpu.memory_space<smem>>
    return
  }
  func.func @transform_0(%arg0: i32) -> (i32, i32, i32) {
    %c0_i32 = arith.constant 0 : i32
    %c0_i32_0 = arith.constant 0 : i32
    %c0_i32_1 = arith.constant 0 : i32
    return %arg0, %c0_i32, %c0_i32_0 : i32, i32, i32
  }
  func.func @transform_1(%arg0: i32) -> (i32, i32, i32, i32) {
    %c0_i32 = arith.constant 0 : i32
    %c0_i32_0 = arith.constant 0 : i32
    %c0_i32_1 = arith.constant 0 : i32
    %c0_i32_2 = arith.constant 0 : i32
    return %arg0, %c0_i32, %c0_i32_0, %c0_i32_1 : i32, i32, i32, i32
  }
  func.func @transform_2(%arg0: i32) -> (i32, i32, i32) {
    %c0_i32 = arith.constant 0 : i32
    %c0_i32_0 = arith.constant 0 : i32
    %c0_i32_1 = arith.constant 0 : i32
    return %arg0, %c0_i32, %c0_i32_0 : i32, i32, i32
  }
}

</mosaic_0001>

<sc_bundles>
// kernel: kernel.4.cloned.1.call-start
scs
__scs_entry_jumppad:
0x0: {  	(pc) =	sbr.rel $0x88, $3  }
0x1: {  	(tag) =	ssettag $0x0;
	lr =	simm.s32 $0x1  }
0x2: {  	[smem:$0x3F9F] =	sst lr;
	_ =	strace $0xD0000000  }
0x3: {  	_ = 	snop  }
0x4: {  	_ = 	snop  }
0x5: {  	_ = 	snop  }
0x6: {  	_ = 	snop  }
0x7: {  	_ = 	snop  }
__scs_overlays_trampoline_lowered:
0x8: {  	[smem:$0x3FAE] =	sst s0  }
0x9: {  	[smem:$0x3FAF] =	sst s1  }
0xa: {  	[smem:$0x3FB0] =	sst s2  }
0xb: {  	[smem:$0x3FB1] =	sst s3  }
0xc: {  	[smem:$0x3FB2] =	sst s4  }
0xd: {  	[smem:$0x3FB3] =	sst s5  }
0xe: {  	[smem:$0x3FB4] =	sst s6  }
0xf: {  	[smem:$0x3FB5] =	sst s7  }
0x10: {  	[smem:$0x3FB6] =	sst s8  }
0x11: {  	[smem:$0x3FB7] =	sst s9;
	s0 =	simm.s32 @!p0 $0x0  }
0x12: {  	s1 =	sld [smem:$0x3F9D];
	s0 =	simm.s32 @p0 $0x1  }
0x13: {  	[smem:$0x3FB8] =	sst s0;
	s0 =	simm.s32 @!p1 $0x0  }
0x14: {  	s2 =	sld [smem:$0x3F9C];
	s0 =	simm.s32 @p1 $0x1  }
0x15: {  	[smem:$0x3FB9] =	sst s0;
	s0 =	simm.s32 @!p2 $0x0  }
0x16: {  	s3 =	sld [smem:$0x3FDB];
	s0 =	simm.s32 @p2 $0x1  }
0x17: {  	s4 =	simm.s32 $0x1BF5;
	[smem:$0x3FBB] =	sst s0  }
0x18: {  	s0 =	sld [smem:$0x3F9E];
	_ =	swait.ge [sflag:s4], $0x0  }
0x19: {  	s7 =	sld [smem:$0x3F9F]  }
0x1a: {  	s8 =	sadd.s32 $0xFFFFE003, lr  }
0x1b: {  	s9 =	sadd.s32 $0xFFFFFEF7, lr;
	s5 =	simm.s32 $0xFFFFFFFF;
	p2 =	slt.u32 s8, $0xFFFFF086  }
0x1c: {  	p1 =	slt.u32 s9, $0xF7A;
	s5 =	simm.s32 @!p2 $0x0  }
0x1d: {  	s5 =	simm.s32 @p1 $0x1;
	p0 =	seq.s32 s7, s2  }
0x1e: {  	s7 =	smul.u32 @!p0 $0xF7A, s2;
	p2 =	seq.s32 @!p0 s5, $0x0  }
0x1f: {  	s9 =	smul.u32 $0xF7A, s1;
	s8 =	simm.s32 @!p0 $0x1BF5;
	p2 =	por !p2, p0  }
0x20: {  	[sflag:s8] =	ssyncset.s32 @!p0 $0xFFFFF086;
	s6 =	sadd.s32 @!p0 s3, s7;
	s7 =	simm.s32 @!p0 $0x108  }
0x21: {  	s3 =	sadd.s32 s3, s9;
	s6 =	sadd.s32 @!p0 $0x88, s6;
	s7 =	simm.s32 @p2 $0x1082  }
0x22: {  	[simem:s7], [sflag:s8] =	dma.local @!p0 [hbm:s6], $0xF7A  }
0x23: {  	s9 =	sor.u32 $0xD0000000, s2;
	s6 =	simm.s32 $0x108;
	_ =	swait.ge @!p0 [sflag:s8], $0x0  }
0x24: {  	s3 =	sadd.s32 $0x88, s3;
	s6 =	simm.s32 @!p1 $0x1082;
	[sflag:s4] =	ssyncset.s32 $0xFFFFF086  }
0x25: {  	[simem:s6], [sflag:s4] =	dma.local [hbm:s3], $0xF7A  }
0x26: {  	[smem:$0x3F9F] =	sst s1;
	(tag) =	ssettag s2;
	_ =	strace s9  }
0x27: {  	s1 =	sld [smem:$0x3FAF]  }
0x28: {  	s2 =	sld [smem:$0x3FB0]  }
0x29: {  	s4 =	sld [smem:$0x3FB2]  }
0x2a: {  	p0 =	seq.s32 s5, $0x0;
	s5 =	sld [smem:$0x3FB3]  }
0x2b: {  	s6 =	sld [smem:$0x3FB4]  }
0x2c: {  	s7 =	sld [smem:$0x3FB5]  }
0x2d: {  	s3 =	simm.s32 $0x108;
	s8 =	sld [smem:$0x3FB6]  }
0x2e: {  	s3 =	simm.s32 @!p0 $0x1082;
	s9 =	sld [smem:$0x3FB7]  }
0x2f: {  	lr =	sadd.s32 s0, s3;
	s0 =	sld [smem:$0x3FAE]  }
0x30: {  	s3 =	sld [smem:$0x3FB1]  }
0x31: {  	[smem:$0x3FBA] =	sst s10  }
0x32: {  	s10 =	sld [smem:$0x3FB8];
	_ =	sdelay $0x3  }
0x33: {  	p0 =	seq.s32 s10, $0x1;
	s10 =	sld [smem:$0x3FBA];
	_ =	sdelay $0x3  }
0x34: {  	[smem:$0x3FBA] =	sst s10  }
0x35: {  	s10 =	sld [smem:$0x3FB9];
	_ =	sdelay $0x3  }
0x36: {  	p1 =	seq.s32 s10, $0x1;
	s10 =	sld [smem:$0x3FBA];
	_ =	sdelay $0x3  }
0x37: {  	[smem:$0x3FBA] =	sst s10  }
0x38: {  	s10 =	sld [smem:$0x3FBB]  }
0x39: {  	_ = 	snop;
	(pc) =	sbr.ind lr, $3  }
0x3a: {  	_ = 	snop  }
0x3b: {  	_ = 	snop  }
0x3c: {  	p2 =	seq.s32 s10, $0x1;
	s10 =	sld [smem:$0x3FBA]  }
0x3d: {  	_ =	shalt  }
0x3e: {  	_ =	shalt  }
0x3f: {  	_ =	shalt  }
0x40: {  	_ =	shalt  }
0x41: {  	_ =	shalt  }
0x42: {  	_ =	shalt  }
0x43: {  	_ =	shalt  }
0x44: {  	_ =	shalt  }
0x45: {  	_ =	shalt  }
0x46: {  	_ =	shalt  }
0x47: {  	_ =	shalt  }
0x48: {  	_ =	shalt  }
0x49: {  	_ =	shalt  }
0x4a: {  	_ =	shalt  }
0x4b: {  	_ =	shalt  }
0x4c: {  	_ =	shalt  }
0x4d: {  	_ =	shalt  }
0x4e: {  	_ =	shalt  }
0x4f: {  	_ =	shalt  }
0x50: {  	_ =	shalt  }
0x51: {  	_ =	shalt  }
0x52: {  	_ =	shalt  }
0x53: {  	_ =	shalt  }
0x54: {  	_ =	shalt  }
0x55: {  	_ =	shalt  }
0x56: {  	_ =	shalt  }
0x57: {  	_ =	shalt  }
0x58: {  	_ =	shalt  }
0x59: {  	_ =	shalt  }
0x5a: {  	_ =	shalt  }
0x5b: {  	_ =	shalt  }
0x5c: {  	_ =	shalt  }
0x5d: {  	_ =	shalt  }
0x5e: {  	_ =	shalt  }
0x5f: {  	_ =	shalt  }
0x60: {  	_ =	shalt  }
0x61: {  	_ =	shalt  }
0x62: {  	_ =	shalt  }
0x63: {  	_ =	shalt  }
0x64: {  	_ =	shalt  }
0x65: {  	_ =	shalt  }
0x66: {  	_ =	shalt  }
0x67: {  	_ =	shalt  }
0x68: {  	_ =	shalt  }
0x69: {  	_ =	shalt  }
0x6a: {  	_ =	shalt  }
0x6b: {  	_ =	shalt  }
0x6c: {  	_ =	shalt  }
0x6d: {  	_ =	shalt  }
0x6e: {  	_ =	shalt  }
0x6f: {  	_ =	shalt  }
0x70: {  	_ =	shalt  }
0x71: {  	_ =	shalt  }
0x72: {  	_ =	shalt  }
0x73: {  	_ =	shalt  }
0x74: {  	_ =	shalt  }
0x75: {  	_ =	shalt  }
0x76: {  	_ =	shalt  }
0x77: {  	_ =	shalt  }
0x78: {  	_ =	shalt  }
0x79: {  	_ =	shalt  }
0x7a: {  	_ =	shalt  }
0x7b: {  	_ =	shalt  }
0x7c: {  	_ =	shalt  }
0x7d: {  	_ =	shalt  }
0x7e: {  	_ =	shalt  }
0x7f: {  	_ =	shalt  }
0x80: {  	_ =	shalt  }
0x81: {  	_ =	shalt  }
0x82: {  	_ =	shalt  }
0x83: {  	_ =	shalt  }
0x84: {  	_ =	shalt  }
0x85: {  	_ =	shalt  }
0x86: {  	_ =	shalt  }
0x87: {  	_ =	shalt  }
.Lfunc_end0:
.L_simem_size_0:
called_computation_lowered:
.L_overlay_start_0:
0x88: {  	s2 =	sld [smem:$0x3FD9]  }
0x89: {  	s3 =	sld [smem:$0x3FFE];
	_ =	sdelay $0x1  }
0x8a: {  	s1 =	srdreg.scid  }
0x8b: {  	s0 =	sand.u32 $0x1, s1  }
0x8c: {  	s16 =	sshll.u32 s0, $0xA;
	s2 =	sadd.s32 s3, s2  }
0x8d: {  	s2 =	sadd.s32 s2, s16  }
0x8e: {  	[smem:$0x3FC6] =	sst s2  }
0x8f: {  	_ = 	snop  }
0x90: {  	(tm) =	ssettm $0x1  }
0x91: {  	s17 =	sld [smem:$0x3FFB];
	_ =	sdelay $0x3  }
0x92: {  	_ =	strace s17  }
0x93: {  	s2 =	sld [smem:$0x3FFC];
	_ =	sdelay $0x3  }
0x94: {  	_ =	strace s2  }
0x95: {  	s2 =	sld [smem:$0x3FFD];
	_ =	sdelay $0x3  }
0x96: {  	_ =	strace s2  }
0x97: {  	_ =	strace $0x8FFFFFFF  }
0x98: {  	s18 =	sld [smem:$0x3FDB];
	_ =	sdelay $0x1  }
0x99: {  	s19 =	simm.s32 $_scs_section_size  }
0x9a: {  	s4 =	simm.s32 $_size__tile_overlayer_lowered;
	s5 =	simm.s32 $_tile_overlayer_lowered  }
0x9b: {  	s22 =	simm.s32 $0x1BFF;
	s21 =	sshll.u32 s5, $0x1;
	s2 =	sadd.s32 s19, s18  }
0x9c: {  	s6 =	simm.s32 $0x0;
	s20 =	sshll.u32 s4, $0x1;
	s4 =	sadd.s32 s21, s2  }
0x9d: {  	[timem:s6], [sflag:s22] =	dma.local [hbm:s4], s20  }
0x9e: {  	_ =	swait.ge [sflag:s22], s20  }
0x9f: {  	s3 =	ssub.s32 $0x0, s20;
	[sflag:s22] =	ssyncset.done $0x0  }
0xa0: {  	[sflag:s22] =	ssyncadd.s32 s3;
	_ =	sdelay $0x1  }
0xa1: {  	s23 =	simm.s32 $0x1B8B  }
0xa2: {  	_ =	swait.ge [sflag:s23], $0x1  }
0xa3: {  	[sflag:s23] =	ssyncset.done $0x0  }
0xa4: {  	s25 =	simm.s32 $0x1B8E;
	s24 =	sld [smem:$0x3FFE];
	[sflag:s23] =	ssyncadd.s32 $0xFFFFFFFF  }
0xa5: {  	s26 =	simm.s32 $execute0_lowered;
	[smem:$0x3FD2] =	sst s25  }
0xa6: {  	s4 =	sshll.u32 s26, $0x1;
	_ =	strace $0x80000046;
	[dreg:$0x1] =	wrdreg $0xFFFFFFFF  }
0xa7: {  	s28 =	simm.s32 $_size_execute0_lowered;
	s2 =	sadd.s32 s2, s4;
	[dreg:$0x0] =	wrdreg $0x0  }
0xa8: {  	s4 =	sshll.u32 s28, $0x1;
	[dreg:$0x2] =	wrdreg s2  }
0xa9: {  	[dreg:$0x3] =	wrdreg s4  }
0xaa: {  	[dreg:$0x4] =	wrdreg $0xC0  }
0xab: {  	_ =	task [dreg:s6], $0x5FFFF  }
0xac: {  	[dreg:$0x1] =	wrdreg $0xFFFFFFFF  }
0xad: {  	[dreg:$0x0] =	wrdreg $0x60  }
0xae: {  	[dreg:$0x2] =	wrdreg s24  }
0xaf: {  	[dreg:$0x3] =	wrdreg $0x9  }
0xb0: {  	_ =	task.clear_ibuf [dreg:s6], $0x4FFFF;
	_ =	strace $0x90000046  }
0xb1: {  	s29 =	simm.s32 $0x9;
	_ =	strace $0x80000048  }
0xb2: {  	_ =	swait.ge [sflag:s29], $0x1  }
0xb3: {  	[sflag:s29] =	ssyncadd.s32 $0xFFFFFFFF  }
0xb4: {  	_ =	strace $0x90000048  }
0xb5: {  	_ =	sfence  }
0xb6: {  	s30 =	sld [smem:$0x0];
	_ =	sdelay $0x2  }
0xb7: {  	s31 =	sshll.u32 s1, $0xD;
	s1 =	sshrl.u32 s1, $0x2  }
0xb8: {  	s3 =	sand.u32 $0x4000, s31;
	s1 =	sadd.s32 s1, s30  }
0xb9: {  	s0 =	sor.u32 s3, s0;
	s1 =	sshll.u32 s1, $0x11  }
0xba: {  	s0 =	sor.u32 s1, s0  }
0xbb: {  	s0 =	sadd.s32 $0x8F2B, s0  }
0xbc: {  	[sflag:s0] =	ssyncadd.remote.s32 $0x1  }
0xbd: {  	_ =	sfence.sel $0xFFFF  }
0xbe: {  	[dreg:$0x0] =	wrdreg $0xFFFFFFFF;
	(pc) =	sbr.abs _section_cstart, $3  }
0xbf: {  	[dreg:$0x1] =	wrdreg $0xFFFFFFFF  }
0xc0: {  	_ =	task.clear_ibuf [dreg:s6], $0x2FFFF;
	_ =	strace $0x9FFFFFFF  }
0xc1: {  	(tm) =	ssettm $0x7FFFFFFF  }
tec
execute0_lowered:
.L_overlay_start_1:
0x0: {  	(tag) =	ssettag $0x1  }
0x1: {  	s3 =	rddreg [dreg:$0x0];
	s2 =	simm.s32 $0x0  }
0x2: {  	[smem:$0x7FF] =	sst s2  }
0x3: {  	s0 =	rddreg [dreg:$0x1];
	v0 =	vimm.f32 $2.000000000e+00;
	_ =	strace $0x80000047  }
0x4: {  	(erf) = vrcp.f32 v0  }
0x5: {  	s4 =	srdreg.scid;
	s1 =	stileid.u32;
	s9 =	simm.s32 $0x80  }
0x6: {  	s10 =	simm.s32 $0x400;
	s11 =	simm.s32 $0xB500;
	s4 =	sand.u32 $0x1, s4  }
0x7: {  	s5 =	sshll.u32 s1, $0x8;
	s7 =	sshrl.u32 s1, $0x2;
	s6 =	sshll.u32 s4, $0x7  }
0x8: {  	s12 =	simm.s32 $0x0;
	s30 =	smul.u32 $0x58400, s7;
	s5 =	sor.u32 s6, s5  }
0x9: {  	s7 =	sshll.u32 s7, $0xA;
	s4 =	ssub.s32 $0x2, s4;
	s8 =	sand.u32 $0x380, s5  }
0xa: {  	s31 =	sshrl.u32 s4, $0x1;
	s6 =	sor.u32 s30, s8;
	s7 =	sor.u32 s7, s8  }
0xb: {  	vm14 =	vmmov $0xffff;
	v63 =	vimm.s32 $0x0;
	s5 =	sadd.s32 s5, s3;
	s6 =	sshrl.u32 s6, $0x3;
	s7 =	sshrl.u32 s7, $0x3  }
0xc: {  	v29 =	vimm.f32 $1.322100040e+00;
	v42 =	vimm.f32 $1.731449960e+00;
	v0 =	vsel vm14, $0xFFFFFFFF, v63;
	s8 =	ssub.s32 s4, s31;
	s6 =	sadd.s32 s6, s3;
	s7 =	sadd.s32 s7, s3  }
0xd: {  	[tilespmem:$0x1FFE0] =	vst v0;
	s3 =	sadd.s32 $0x400, s5;
	s4 =	sadd.s32 $0x177400, s6;
	s5 =	sadd.s32 $0x1400, s7;
	v50 =	vpop (erf)  }
0xe: {  	v35 =	vimm.s32 $0x0;
	vm1 =	vmxor vm1, vm1;
	v4 =	vlaneseq.u32;
	s6 =	smax.u32 s8, $0x1;
	s7 =	simm.s32 $0xB080;
	s8 =	simm.s32 $0x1;
	[tilespmem:$0x1FFF0] =	vst v50  }
.LBB2_1:
0xf: {  	[tilespmem:s7], [sflag:$0x1] =	stream.linear.gather [hbm4b:s3+s2], $0x280, $0x38;
	[tilespmem:$0xB580] =	vst v63  }
0x10: {  	_ =	swait.ge [sflag:s8], $0x280  }
0x11: {  	[sflag:s8] =	ssyncset.done $0x0  }
0x12: {  	[sflag:s8] =	ssyncadd.s32 $0xFFFFFD80  }
0x13: {  	[tilespmem:s2], [sflag:$0x1] =	stream.strided.gather [hbm4b:s4+s9], $0xB080, s10, s9, $0x38;
	[tilespmem:$0xB580] =	vst v63  }
0x14: {  	_ =	swait.ge [sflag:s8], $0xB080  }
0x15: {  	[sflag:s8] =	ssyncset.done $0x0  }
0x16: {  	[sflag:s8] =	ssyncadd.s32 $0xFFFF4F80  }
0x17: {  	v0 =	vld [tilespmem:$0xB200]  }
0x18: {  	v1 =	vld [tilespmem:$0xB280];
	_ =	sdelay $0x3  }
0x19: {  	v25 =	vmul.f32 $1.900000000e+01, v0  }
0x1a: {  	v23 =	vmul.f32 $1.900000000e+01, v1  }
0x1b: {  	v28 =	vmul.f32 v25, v50  }
0x1c: {  	v27 =	vmul.f32 v23, v50  }
0x1d: {  	v0 =	vsub.f32 $0.0e+00, v28  }
0x1e: {  	v7 =	vadd.f32 $1.322100040e+00, v25;
	v1 =	vsub.f32 $0.0e+00, v27  }
0x1f: {  	v9 =	vadd.f32 $3.192749980e+00, v25;
	v3 =	vmax.f32 v28, $6.610500210e-01;
	v2 =	vmin.f32 v0, $-6.610500210e-01  }
0x20: {  	v6 =	vmax.f32 v27, $8.657249800e-01;
	v5 =	vmin.f32 v1, $-8.657249800e-01;
	v2 =	vsub.f32 v2, v3  }
0x21: {  	v26 =	vmul.f32 v23, v25;
	v3 =	vadd.f32 $1.731449960e+00, v23;
	v5 =	vsub.f32 v5, v6  }
0x22: {  	v10 =	vadd.f32 $5.055874820e+00, v25;
	v8 =	vmax.f32 v27, $2.004718780e+00;
	v6 =	vmax.f32 v28, $1.596374990e+00  }
0x23: {  	v2 =	vadd.f32 v2, v7;
	v3 =	vadd.f32 v5, v3;
	v5 =	vmin.f32 v0, $-1.596374990e+00  }
0x24: {  	v7 =	vmin.f32 v1, $-2.004718780e+00;
	v5 =	vsub.f32 v5, v6;
	v6 =	vadd.f32 $4.009437560e+00, v23  }
0x25: {  	vm0 =	vle.f32 v2, $0.0e+00;
	vm2 =	vle.f32 v3, $0.0e+00;
	v2 =	vmul.f32 v3, v2  }
0x26: {  	v7 =	vsub.f32 v7, v8;
	v3 =	vadd.f32 $2.289150000e+00, v26;
	vm0 =	vmor vm0, vm2  }
0x27: {  	v8 =	vmin.f32 v1, $-4.049453260e+00;
	v5 =	vadd.f32 v5, v9;
	v2 =	vsel vm0, $0x0, v2  }
0x28: {  	v6 =	vadd.f32 v7, v6;
	v9 =	vmax.f32 v27, $4.049453260e+00;
	v3 =	vsub.f32 v3, v2  }
0x29: {  	v7 =	vmax.f32 v28, $2.527937410e+00;
	v8 =	vsub.f32 v8, v9;
	vm0 =	vle.f32 v5, $0.0e+00  }
0x2a: {  	vm2 =	vle.f32 v6, $0.0e+00;
	(erf) = vrcp.f32 v3;
	v3 =	vmul.f32 v6, v5  }
0x2b: {  	vm0 =	vmor vm0, vm2;
	v5 =	vadd.f32 $1.280113120e+01, v26;
	v6 =	vmin.f32 v0, $-2.527937410e+00  }
0x2c: {  	v6 =	vsub.f32 v6, v7;
	v7 =	vadd.f32 $8.098906510e+00, v23;
	v3 =	vsel vm0, $0x0, v3  }
0x2d: {  	v12 =	vmax.f32 v27, $2.420265670e+00;
	v5 =	vsub.f32 v5, v3  }
0x2e: {  	v9 =	vmax.f32 v28, $4.735562320e+00;
	v6 =	vadd.f32 v6, v10;
	v7 =	vadd.f32 v8, v7  }
0x2f: {  	v8 =	vmin.f32 v0, $-4.735562320e+00;
	v10 =	vmin.f32 v1, $-2.420265670e+00;
	(erf) = vrcp.f32 v5  }
0x30: {  	vm0 =	vle.f32 v6, $0.0e+00;
	vm2 =	vle.f32 v7, $0.0e+00;
	v5 =	vmul.f32 v7, v6  }
0x31: {  	v8 =	vsub.f32 v8, v9;
	v6 =	vadd.f32 $4.094705580e+01, v26;
	vm0 =	vmor vm0, vm2  }
0x32: {  	v9 =	vadd.f32 $4.840531350e+00, v23;
	v10 =	vsub.f32 v10, v12;
	v5 =	vsel vm0, $0x0, v5  }
0x33: {  	v6 =	vsub.f32 v6, v5  }
0x34: {  	v9 =	vadd.f32 v10, v9;
	v10 =	vld [tilespmem:$0xB210]  }
0x35: {  	(erf) = vrcp.f32 v6  }
0x36: {  	v13 =	vadd.f32 $9.471124640e+00, v25;
	v7 =	vpop (erf)  }
0x37: {  	v2 =	vmul.f32 v7, v2  }
0x38: {  	v0 =	vmin.f32 v0, $-5.618203160e+00;
	v1 =	vmin.f32 v1, $-5.003546710e+00;
	v8 =	vadd.f32 v8, v13;
	v6 =	vld [tilespmem:$0xB100];
	v11 =	vpop (erf)  }
0x39: {  	v7 =	vld [tilespmem:$0xB180];
	v19 =	vmul.f32 $1.900000000e+01, v10;
	vm0 =	vgt.f32 v2, $0.0e+00;
	v3 =	vmul.f32 v11, v3  }
0x3a: {  	v12 =	vadd.f32 $1.123640630e+01, v25;
	vm3 =	vle.f32 v9, $0.0e+00;
	v2 =	vnsel vm0, $0x0, v2  }
0x3b: {  	vm0 =	vle.f32 v8, $0.0e+00;
	v21 =	vmul.f32 v19, v50;
	vm2 =	vgt.f32 v3, v2  }
0x3c: {  	v15 =	vadd.f32 $3.192749980e+00, v19;
	v17 =	vadd.f32 $5.055874820e+00, v19;
	v2 =	vsel vm2, v3, v2;
	v3 =	vld [tilespmem:$0xB290]  }
0x3d: {  	v18 =	vadd.f32 $9.471124640e+00, v19;
	vm0 =	vmor vm0, vm3;
	v11 =	vmax.f32 v27, $5.003546710e+00  }
0x3e: {  	v54 =	vmul.f32 $1.900000000e+01, v6;
	v53 =	vmul.f32 $1.900000000e+01, v7;
	v1 =	vsub.f32 v1, v11;
	v7 =	vpop (erf)  }
0x3f: {  	v5 =	vmul.f32 v7, v5;
	v7 =	vmul.f32 v9, v8;
	v9 =	vmax.f32 v28, $5.618203160e+00  }
0x40: {  	v6 =	vsel vm2, $0x1, v35;
	v8 =	vadd.f32 $4.584527590e+01, v26;
	v0 =	vsub.f32 v0, v9  }
0x41: {  	v9 =	vmax.f32 v21, $6.610500210e-01;
	vm3 =	vgt.f32 v5, v2;
	v14 =	vmul.f32 $1.900000000e+01, v3  }
0x42: {  	v3 =	vsel vm0, $0x0, v7;
	v7 =	vadd.f32 $1.000709340e+01, v23;
	v0 =	vadd.f32 v0, v12  }
0x43: {  	v2 =	vsel vm3, v5, v2;
	v5 =	vsub.f32 $0.0e+00, v21;
	v8 =	vsub.f32 v8, v3  }
0x44: {  	v12 =	vadd.f32 $1.322100040e+00, v19;
	v20 =	vmul.f32 v14, v50;
	v1 =	vadd.f32 v1, v7  }
0x45: {  	vm0 =	vle.f32 v0, $0.0e+00;
	v24 =	vmul.f32 v14, v19;
	(erf) = vrcp.f32 v8  }
0x46: {  	v8 =	vmin.f32 v5, $-6.610500210e-01;
	v7 =	vsub.f32 $0.0e+00, v20;
	vm4 =	vle.f32 v1, $0.0e+00  }
0x47: {  	v11 =	vmax.f32 v20, $8.657249800e-01;
	v8 =	vsub.f32 v8, v9;
	v0 =	vmul.f32 v1, v0  }
0x48: {  	v1 =	vadd.f32 $1.731449960e+00, v14;
	v13 =	vmax.f32 v20, $2.004718780e+00;
	v10 =	vmin.f32 v7, $-8.657249800e-01  }
0x49: {  	v16 =	vmax.f32 v20, $4.049453260e+00;
	vm0 =	vmor vm0, vm4;
	v9 =	vsub.f32 v10, v11  }
0x4a: {  	v0 =	vsel vm0, $0x0, v0;
	v8 =	vadd.f32 v8, v12;
	v12 =	vmin.f32 v7, $-2.004718780e+00  }
0x4b: {  	v10 =	vadd.f32 $1.124437710e+02, v26;
	v11 =	vmax.f32 v21, $1.596374990e+00;
	v1 =	vadd.f32 v9, v1  }
0x4c: {  	v12 =	vsub.f32 v12, v13;
	vm0 =	vle.f32 v8, $0.0e+00;
	v9 =	vmin.f32 v5, $-1.596374990e+00  }
0x4d: {  	v9 =	vsub.f32 v9, v11;
	v11 =	vadd.f32 $4.009437560e+00, v14;
	vm4 =	vle.f32 v1, $0.0e+00  }
0x4e: {  	v13 =	vmax.f32 v21, $2.527937410e+00;
	v1 =	vmul.f32 v1, v8;
	vm0 =	vmor vm0, vm4  }
0x4f: {  	v8 =	vpop (erf);
	v9 =	vadd.f32 v9, v15;
	v11 =	vadd.f32 v12, v11;
	v12 =	vmin.f32 v5, $-2.527937410e+00  }
0x50: {  	v15 =	vmin.f32 v7, $-4.049453260e+00;
	v3 =	vmul.f32 v8, v3;
	v8 =	vsub.f32 v10, v0  }
0x51: {  	v1 =	vsel vm0, $0x0, v1;
	v10 =	vadd.f32 $2.289150000e+00, v24;
	v12 =	vsub.f32 v12, v13  }
0x52: {  	v13 =	vadd.f32 $8.098906510e+00, v14;
	v15 =	vsub.f32 v15, v16;
	v16 =	vmin.f32 v7, $-2.420265670e+00  }
0x53: {  	v7 =	vmin.f32 v7, $-5.003546710e+00;
	vm0 =	vle.f32 v9, $0.0e+00;
	vm4 =	vle.f32 v11, $0.0e+00  }
0x54: {  	v9 =	vmul.f32 v11, v9;
	v11 =	vadd.f32 $1.280113120e+01, v24;
	vm0 =	vmor vm0, vm4  }
0x55: {  	v10 =	vsub.f32 v10, v1;
	(erf) = vrcp.f32 v8;
	v8 =	vadd.f32 v12, v17  }
0x56: {  	v12 =	vadd.f32 v15, v13;
	v13 =	vmin.f32 v5, $-4.735562320e+00;
	v15 =	vmax.f32 v21, $4.735562320e+00  }
0x57: {  	v17 =	vmax.f32 v20, $2.420265670e+00;
	v5 =	vmin.f32 v5, $-5.618203160e+00;
	v9 =	vsel vm0, $0x0, v9  }
0x58: {  	vm0 =	vgt.f32 v3, v2;
	v13 =	vsub.f32 v13, v15;
	v15 =	vsub.f32 v16, v17  }
0x59: {  	v16 =	vmax.f32 v20, $5.003546710e+00;
	v17 =	vadd.f32 $1.123640630e+01, v19;
	v11 =	vsub.f32 v11, v9  }
0x5a: {  	(erf) = vrcp.f32 v10;
	v10 =	vadd.f32 $4.840531350e+00, v14;
	vm4 =	vle.f32 v8, $0.0e+00  }
0x5b: {  	vm5 =	vle.f32 v12, $0.0e+00;
	v8 =	vmul.f32 v12, v8;
	v7 =	vsub.f32 v7, v16  }
0x5c: {  	vm4 =	vmor vm4, vm5;
	v12 =	vadd.f32 v13, v18;
	v10 =	vadd.f32 v15, v10  }
0x5d: {  	(erf) = vrcp.f32 v11;
	v8 =	vsel vm4, $0x0, v8;
	v15 =	vmax.f32 v21, $5.618203160e+00  }
0x5e: {  	v11 =	vadd.f32 $4.094705580e+01, v24;
	vm4 =	vle.f32 v12, $0.0e+00;
	v5 =	vsub.f32 v5, v15  }
0x5f: {  	vm5 =	vle.f32 v10, $0.0e+00;
	v10 =	vmul.f32 v10, v12;
	v12 =	vadd.f32 $1.000709340e+01, v14  }
0x60: {  	v6 =	vsel vm3, $0x2, v6;
	v2 =	vsel vm0, v3, v2;
	v11 =	vsub.f32 v11, v8  }
0x61: {  	vm4 =	vmor vm4, vm5;
	v5 =	vadd.f32 v5, v17;
	v7 =	vadd.f32 v7, v12  }
0x62: {  	v15 =	vadd.f32 $4.584527590e+01, v24;
	v10 =	vsel vm4, $0x0, v10;
	(erf) = vrcp.f32 v11  }
0x63: {  	vm4 =	vle.f32 v5, $0.0e+00;
	vm5 =	vle.f32 v7, $0.0e+00;
	v5 =	vmul.f32 v7, v5  }
0x64: {  	v11 =	vsub.f32 v15, v10;
	v7 =	vadd.f32 $1.124437710e+02, v24;
	vm4 =	vmor vm4, vm5  }
0x65: {  	v3 =	vsel vm0, $0x3, v6;
	v13 =	vtrunc.f32 v54;
	v5 =	vsel vm4, $0x0, v5  }
0x66: {  	v12 =	vtrunc.f32 v53;
	(erf) = vrcp.f32 v11;
	v6 =	vsub.f32 v7, v5  }
0x67: {  	v13 =	vcvt.f32.s32 v13;
	v12 =	vcvt.f32.s32 v12  }
0x68: {  	v11 =	vpop (erf)  }
0x69: {  	vm5 =	vgt.s32 v12, $0x0;
	vm4 =	vgt.s32 v13, $0x0;
	v0 =	vmul.f32 v11, v0;
	v7 =	vpop (erf)  }
0x6a: {  	v11 =	vnsel vm5, $0x0, v12;
	v1 =	vmul.f32 v7, v1;
	(erf) = vrcp.f32 v6;
	v6 =	vpop (erf)  }
0x6b: {  	[tilespmem:$0x1FE00] =	vst v12;
	v12 =	vld [tilespmem:$0xB190];
	vm6 =	vgt.f32 v0, v2;
	v2 =	vnsel vm4, $0x0, v13;
	v6 =	vmul.f32 v6, v9  }
0x6c: {  	v7 =	vld [tilespmem:$0xB110];
	vm4 =	vgt.f32 v1, $0.0e+00  }
0x6d: {  	v0 =	vmin.u32 v11, $0x12;
	v1 =	vnsel vm4, $0x0, v1  }
0x6e: {  	v11 =	vmul.u32 $0x13, v0;
	v9 =	vmin.u32 v2, $0x12;
	v2 =	vpop (erf);
	vm4 =	vgt.f32 v6, v1  }
0x6f: {  	v3 =	vsel vm6, $0x4, v3;
	v2 =	vmul.f32 v2, v8;
	v1 =	vsel vm4, v6, v1;
	v6 =	vpop (erf)  }
0x70: {  	v11 =	vadd.s32 v9, v11;
	v12 =	vmul.f32 $1.900000000e+01, v12;
	v6 =	vmul.f32 v6, v10  }
0x71: {  	[tilespmem:$0x1FE10] =	vst v13;
	v8 =	vmul.u32 $0x169, v3;
	v13 =	vmul.f32 $1.900000000e+01, v7;
	vm5 =	vgt.f32 v2, v1  }
0x72: {  	v7 =	vsel vm4, $0x1, v35;
	v1 =	vsel vm5, v2, v1;
	v2 =	vtrunc.f32 v12  }
0x73: {  	[tilespmem:$0x1FE20] =	vst v12;
	v10 =	vtrunc.f32 v13;
	v12 =	vcvt.f32.s32 v2;
	vm7 =	vgt.f32 v6, v1  }
0x74: {  	v2 =	vsel vm5, $0x2, v7;
	v10 =	vcvt.f32.s32 v10;
	v1 =	vsel vm7, v6, v1;
	v6 =	vpop (erf)  }
0x75: {  	v7 =	vmul.u32 $0x2341, v3;
	vm8 =	vgt.s32 v12, $0x0;
	v5 =	vmul.f32 v6, v5  }
0x76: {  	v2 =	vsel vm7, $0x3, v2;
	[tilespmem:$0x1FE40] =	vst v12;
	v6 =	vnsel vm8, $0x0, v12;
	vm8 =	vgt.s32 v10, $0x0  }
0x77: {  	[tilespmem:$0x1FE50] =	vst v10;
	v10 =	vnsel vm8, $0x0, v10;
	v12 =	vmin.u32 v6, $0x12;
	vm8 =	vgt.f32 v5, v1  }
0x78: {  	[tilespmem:$0x1FE30] =	vst v13;
	v13 =	vadd.s32 v11, v7;
	v1 =	vmul.u32 $0x13, v12;
	v3 =	vsel vm8, $0x4, v2  }
0x79: {  	v7 =	vmin.u32 v10, $0x12;
	v6 =	vmul.u32 $0x169, v3  }
0x7a: {  	[tilespmem:$0x1FDF0] =	vst v24;
	v2 =	vadd.s32 v11, v8;
	v5 =	vadd.s32 v7, v1  }
0x7b: {  	[tilespmem:$0xB480] =	vst v2;
	v24 =	vadd.s32 v5, v6  }
0x7c: {  	[tilespmem:$0xB490] =	vst v24  }
0x7d: {  	v1 =	vld.idx.msk [tilespmem:v13+s2+$0x0], $0xffff;
	_ =	sdelay $0x4  }
0x7e: {  	v1 =	vsub.f32 $0.0e+00, v1;
	_ =	sdelay $0x1  }
0x7f: {  	v1 =	vmul.f32 $1.442695020e+00, v1  }
0x80: {  	v6 =	vadd.s32 $0x169, v13  }
0x81: {  	(erf) = vpow2.f32 v1;
	_ =	sdelay $0x3  }
0x82: {  	v1 =	vld.idx.msk [tilespmem:v6+s2+$0x0], $0xffff;
	_ =	sdelay $0x4  }
0x83: {  	v1 =	vsub.f32 $0.0e+00, v1;
	v6 =	vpop (erf)  }
0x84: {  	v6 =	vadd.f32 $1.000000000e+00, v6  }
0x85: {  	v1 =	vmul.f32 $1.442695020e+00, v1  }
0x86: {  	(erf) = vrcp.f32 v6  }
0x87: {  	(erf) = vpow2.f32 v1;
	v1 =	vld [tilespmem:$0xB080];
	_ =	sdelay $0x4  }
0x88: {  	[tilespmem:$0x1FE60] =	vst v1;
	v1 =	vld [tilespmem:$0xB090];
	_ =	sdelay $0x4  }
0x89: {  	[tilespmem:$0x1FE70] =	vst v1;
	v1 =	vadd.s32 $0x43B, v13;
	_ =	sdelay $0x4  }
0x8a: {  	v30 =	vld.idx.msk [tilespmem:v1+s2+$0x0], $0xffff;
	v1 =	vadd.s32 $0x9DF, v13  }
0x8b: {  	v6 =	vadd.s32 $0x5A4, v13;
	_ =	sdelay $0x1  }
0x8c: {  	s13 =	simm.s32 $0xB180;
	v8 =	vadd.s32 $0x2D2, v13  }
0x8d: {  	v10 =	vld [tilespmem:s13+$0xFFFFFF80]  }
0x8e: {  	v1 =	vld.idx.msk [tilespmem:v1+s2+$0x0], $0xffff  }
0x8f: {  	v22 =	vld.idx.msk [tilespmem:v6+s2+$0x0], $0xffff;
	v6 =	vadd.s32 $0xB48, v13;
	_ =	sdelay $0x1  }
0x90: {  	v31 =	vld.idx.msk [tilespmem:v8+s2+$0x0], $0xffff;
	v8 =	vadd.s32 $0x70D, v13  }
0x91: {  	v15 =	vadd.s32 $0x876, v13;
	v11 =	vld [tilespmem:s13+$0x80]  }
0x92: {  	[tilespmem:$0x1FEA0] =	vst v1;
	v1 =	vadd.s32 $0xF83, v13  }
0x93: {  	(v2sf) =	vpush v10, $0x0;
	v10 =	vadd.s32 $0xCB1, v13;
	v6 =	vld.idx.msk [tilespmem:v6+s2+$0x0], $0xffff;
	_ =	sdelay $0x1  }
0x94: {  	v55 =	vld.idx.msk [tilespmem:v8+s2+$0x0], $0xffff  }
0x95: {  	(v2sf) =	vpush v11, $0x0;
	v11 =	vld.idx.msk [tilespmem:v15+s2+$0x0], $0xffff  }
0x96: {  	v8 =	vadd.s32 $0xE1A, v13;
	v1 =	vld.idx.msk [tilespmem:v1+s2+$0x0], $0xffff  }
0x97: {  	[tilespmem:$0x1FEC0] =	vst v6;
	v6 =	vld.idx.msk [tilespmem:v10+s2+$0x0], $0xffff;
	_ =	sdelay $0x1  }
0x98: {  	v32 =	vpop (erf)  }
0x99: {  	v16 =	vld [tilespmem:s13+$0x100];
	[tilespmem:$0x1FE80] =	vst v11;
	v17 =	vpop (erf)  }
0x9a: {  	v8 =	vld.idx.msk [tilespmem:v8+s2+$0x0], $0xffff;
	v17 =	vadd.f32 $1.000000000e+00, v17;
	[tilespmem:$0x1FEF0] =	vst v1;
	v1 =	vadd.s32 $0x1527, v13  }
0x9b: {  	v11 =	vmul.f32 $1.442695020e+00, v31;
	[tilespmem:$0x1FED0] =	vst v6;
	v6 =	vadd.s32 $0x10EC, v13  }
0x9c: {  	s21 =	simm.s32 $0xB181;
	v18 =	vld [tilespmem:s13+$0x0];
	(erf) = vrcp.f32 v17;
	v15 =	vmul.f32 $1.442695020e+00, v30  }
0x9d: {  	(erf) = vpow2.f32 v11;
	v11 =	vld [tilespmem:s21+$0xFFFFFF80]  }
0x9e: {  	(erf) = vpow2.f32 v15;
	v15 =	vld [tilespmem:s21+$0x80]  }
0x9f: {  	(v2sf) =	vpush v16, $0x0;
	v16 =	vsel vm2, $0x404C5604, v29;
	[tilespmem:$0x1FEE0] =	vst v8;
	v8 =	vadd.s32 $0x1255, v13;
	v1 =	vld.idx.msk [tilespmem:v1+s2+$0x0], $0xffff  }
0xa0: {  	v63 =	vld.idx.msk [tilespmem:v6+s2+$0x0], $0xffff;
	v6 =	vsel vm3, $0x40A1C9BA, v16  }
0xa1: {  	(v2sf) =	vpush v18, $0x0;
	v6 =	vsel vm0, $0x411789BA, v6  }
0xa2: {  	v10 =	vadd.s32 $0x13BE, v13;
	(v2sf) =	vpush v11, $0x0;
	v56 =	vsel vm6, $0x4133C852, v6  }
0xa3: {  	v6 =	vcvt.s32.f32 v9;
	v9 =	vld [tilespmem:s21+$0x100];
	(v2sf) =	vpush v15, $0x0;
	v15 =	vadd.s32 $0x17F9, v13  }
0xa4: {  	v8 =	vld.idx.msk [tilespmem:v8+s2+$0x0], $0xffff;
	v17 =	vsel vm2, $0x40804D50, v42;
	[tilespmem:$0x1FF20] =	vst v1;
	v1 =	vadd.s32 $0x1690, v13  }
0xa5: {  	v16 =	vsel vm3, $0x4101951F, v17;
	v17 =	vadd.s32 $0x1962, v13;
	_ =	sdelay $0x1  }
0xa6: {  	s14 =	spop (v2sf);
	v10 =	vld.idx.msk [tilespmem:v10+s2+$0x0], $0xffff  }
0xa7: {  	s23 =	spop (v2sf);
	(v2sf) =	vpush v9, $0x0;
	v9 =	vld.idx.msk [tilespmem:v15+s2+$0x0], $0xffff  }
0xa8: {  	[tilespmem:$0x1FF00] =	vst v8;
	v1 =	vld.idx.msk [tilespmem:v1+s2+$0x0], $0xffff  }
0xa9: {  	[tilespmem:$0x1FEB0] =	vst v30;
	v30 =	vadd.s32 $0x1ACB, v13;
	v8 =	vsel vm0, $0x409AE5A2, v16;
	v15 =	vld.idx.msk [tilespmem:v17+s2+$0x0], $0xffff  }
0xaa: {  	[tilespmem:$0x1FE90] =	vst v31;
	v31 =	vpop (erf)  }
0xab: {  	s16 =	simm.s32 $0xB182;
	[tilespmem:$0x1FF10] =	vst v10;
	v10 =	vpop (erf)  }
0xac: {  	v33 =	vld [tilespmem:s16+$0xFFFFFF80];
	v58 =	vsel vm6, $0x41201D0E, v8;
	v40 =	vmul.f32 v56, v10;
	v8 =	vpop (erf)  }
0xad: {  	v0 =	vcvt.s32.f32 v0;
	v36 =	vld [tilespmem:s16+$0x80];
	v16 =	vmul.f32 v58, v8;
	[tilespmem:$0x1FF50] =	vst v1;
	v1 =	vadd.s32 $0x1C34, v13  }
0xae: {  	v34 =	vadd.s32 $0x1D9D, v13;
	v10 =	vadd.f32 v6, v32;
	v11 =	vmul.f32 v40, v50;
	[tilespmem:$0x1FF70] =	vst v15;
	v15 =	vld.idx.msk [tilespmem:v30+s2+$0x0], $0xffff  }
0xaf: {  	s15 =	simm.s32 $0xB480;
	[tilespmem:$0x1FF40] =	vst v31;
	v0 =	vadd.f32 v0, v31;
	v8 =	vld [tilespmem:s21+$0x0];
	v31 =	vmul.f32 v16, v50  }
0xb0: {  	v18 =	vld.msk [tilespmem:s15+$0x0 ss:$0x0], $0xffff;
	s15 =	smul.f32 $1.900000000e+01, s23;
	v6 =	vsub.f32 v10, v11;
	v10 =	vadd.f32 v11, v10  }
0xb1: {  	s22 =	smul.f32 $1.900000000e+01, s14;
	[tilespmem:$0x1FF30] =	vst v32;
	v11 =	vsub.f32 v0, v31;
	v32 =	vadd.f32 v31, v0;
	v0 =	vld [tilespmem:s16+$0x100]  }
0xb2: {  	s24 =	smul.f32 $5.000000000e-01, s15;
	v1 =	vld.idx.msk [tilespmem:v1+s2+$0x0], $0xffff  }
0xb3: {  	v62 =	vadd.s32 $0x1F06, v13;
	[tilespmem:$0x1FF80] =	vst v15;
	v15 =	vld.idx.msk [tilespmem:v34+s2+$0x0], $0xffff  }
0xb4: {  	s20 =	ssub.f32 s22, s24;
	(v2sf) =	vpush v8, $0x0  }
0xb5: {  	s17 =	spop (v2sf);
	s13 =	sadd.f32 s24, s22;
	(v2sf) =	vpush v33, $0x0  }
0xb6: {  	s25 =	spop (v2sf);
	(v2sf) =	vpush v36, $0x0  }
0xb7: {  	(v2sf) =	vpush v0, $0x0;
	v0 =	vmax.f32 v10, s13;
	[tilespmem:$0x1FF90] =	vst v1;
	v1 =	vmin.f32 v6, s20  }
0xb8: {  	v31 =	vadd.s32 $0x206F, v13;
	[tilespmem:$0x1FFA0] =	vst v15;
	v15 =	vsub.f32 v0, v1;
	v0 =	vld.idx.msk [tilespmem:v62+s2+$0x0], $0xffff;
	_ =	sdelay $0x2  }
0xb9: {  	p0 =	slt.f32 s14, $0.0e+00  }
0xba: {  	p1 =	sgt.f32 s14, $0.0e+00;
	s18 =	smul.f32 $1.900000000e+01, s17;
	[tilespmem:$0x1FF60] =	vst v9  }
0xbb: {  	s17 =	smul.f32 $1.900000000e+01, s25;
	v9 =	vadd.s32 $0x21D8, v13;
	[tilespmem:$0x1FFB0] =	vst v0;
	v0 =	vld.idx.msk [tilespmem:v31+s2+$0x0], $0xffff  }
0xbc: {  	p2 =	por $0x1, $0x1;
	p0 =	por p1, p0;
	s19 =	smul.f32 $5.000000000e-01, s18  }
0xbd: {  	p0 =	por !p2, !p0;
	v8 =	vmov s2  }
0xbe: {  	p0 =	por !p0, !p0;
	s28 =	sadd.f32 s19, s17;
	vm2 =	veq.s32 v18, v2;
	vm6 =	vmmov vm1;
	vm0 =	vgt.u32 v8, v4;
	v13 =	vld [tilespmem:s16+$0x0]  }
0xbf: {  	s26 =	ssub.f32 s17, s19;
	vm6 =	vmneg @p0 vm6;
	vm0 =	vmand vm0, vm2  }
0xc0: {  	v33 =	vmul.f32 v16, v40;
	v17 =	vmax.f32 v32, s28;
	vm0 =	vmand vm6, vm0;
	[tilespmem:$0x1FFC0] =	vst v0;
	v0 =	vld.idx.msk [tilespmem:v9+s2+$0x0], $0xffff  }
0xc1: {  	s29 =	smul.f32 s18, s15;
	s30 =	spop (v2sf);
	vm2 =	veq.s32 v8, v4;
	vm0 =	vmneg vm0;
	s13 =	simm.s32 $0xB481;
	v1 =	vmin.f32 v11, s26  }
0xc2: {  	p5 =	slt.f32 s30, $0.0e+00;
	p6 =	sgt.f32 s30, $0.0e+00;
	v8 =	vadd.f32 s15, v40;
	vm3 =	vmand vm14, vm0;
	v30 =	vsub.f32 v17, v1;
	v17 =	vld.msk [tilespmem:s13+$0x0 ss:$0x0], $0xffff  }
0xc3: {  	s31 =	simm.s32 $0x1;
	vm0 =	vmand vm2, vm6;
	(v2sf) =	vpush v13, $0x0;
	v13 =	vadd.f32 s29, v33  }
0xc4: {  	s14 =	simm.s32 $0xB183;
	s17 =	simm.s32 $0x2;
	p2 =	por p6, p5;
	vm2 =	vmmov vm1;
	vm0 =	vmor vm1, vm0;
	v15 =	vsub.f32 v8, v15  }
0xc5: {  	s15 =	smul.f32 $1.900000000e+01, s30;
	s19 =	spop (v2sf);
	s16 =	simm.s32 $0x3;
	v8 =	vmov s31;
	v9 =	vmul.f32 $3.750000000e-01, v13;
	v13 =	vadd.f32 s18, v16;
	[tilespmem:$0x1FFD0] =	vst v0  }
.LBB2_2:
0xc6: {  	v31 =	vmov s17  }
0xc7: {  	v18 =	vld [tilespmem:s14+$0xFFFFFF80];
	p1 =	sne.s32 s16, $0x1D;
	p0 =	por !p0, !p2;
	vm10 =	vgt.u32 v8, v4;
	s17 =	spop (v2sf);
	vm9 =	vmmov vm6;
	vm11 =	veq.s32 v17, v2  }
0xc8: {  	s18 =	smul.f32 $1.900000000e+01, s19;
	vm6 =	vmmov vm1;
	v34 =	vld [tilespmem:s14+$0x80];
	p0 =	por !p0, !p0;
	s19 =	spop (v2sf);
	v13 =	vsub.f32 v13, v30;
	vm12 =	vgt.f32 v15, $0.0e+00  }
0xc9: {  	s20 =	smul.f32 $1.900000000e+01, s17;
	vm10 =	vmand vm10, vm11;
	vm11 =	veq.s32 v8, v4;
	v8 =	vmovc v31;
	s17 =	smov.u32 s16;
	v30 =	vld [tilespmem:s14+$0x100];
	vm6 =	vmneg @p0 vm6  }
0xca: {  	s21 =	smul.f32 $5.000000000e-01, s18;
	v35 =	vadd.f32 s18, v40;
	v31 =	vld [tilespmem:s14+$0x0];
	vm13 =	vgt.f32 v13, $0.0e+00;
	v15 =	vmul.f32 v13, v15  }
0xcb: {  	s22 =	smul.f32 $5.000000000e-01, s20;
	v13 =	vadd.f32 s20, v16;
	vm10 =	vmand vm6, vm10;
	vm12 =	vmand vm12, vm13  }
0xcc: {  	s19 =	smul.f32 $1.900000000e+01, s19;
	s23 =	ssub.f32 s15, s21;
	vm10 =	vmneg vm10;
	(v2sf) =	vpush v18, $0x0;
	vm13 =	vgt.f32 v15, v9  }
0xcd: {  	s13 =	sadd.s32 $0x1, s13;
	s18 =	smul.f32 s20, s18;
	s15 =	sadd.f32 s21, s15;
	vm3 =	vmand vm3, vm10;
	vm10 =	vmand vm11, vm6;
	vm11 =	vmand vm12, vm13  }
.Ltmp0:
0xce: {  	s20 =	ssub.f32 s19, s22;
	v9 =	vmin.f32 v6, s23;
	(v2sf) =	vpush v34, $0x0;
	v17 =	vld.msk [tilespmem:s13+$0x0 ss:$0x0], $0xffff;
	vm9 =	vmand vm9, vm11;
	(pc) =	sbr.rel @p1 .LBB2_2-.Ltmp0, $4  }
0xcf: {  	s22 =	sadd.f32 s22, s19;
	v18 =	vadd.f32 s18, v33;
	v15 =	vmax.f32 v10, s15;
	s21 =	spop (v2sf);
	vm2 =	vmor vm2, vm9  }
0xd0: {  	v15 =	vsub.f32 v15, v9;
	(v2sf) =	vpush v30, $0x0;
	p2 =	slt.f32 s21, $0.0e+00;
	p3 =	sgt.f32 s21, $0.0e+00;
	v30 =	vmin.f32 v11, s20  }
0xd1: {  	v9 =	vmul.f32 $3.750000000e-01, v18;
	s15 =	smul.f32 $1.900000000e+01, s21;
	(v2sf) =	vpush v31, $0x0;
	s19 =	spop (v2sf);
	v31 =	vmax.f32 v32, s22  }
0xd2: {  	s16 =	sadd.s32 $0x1, s16;
	s14 =	sadd.s32 $0x1, s14;
	vm0 =	vmor vm0, vm10;
	v15 =	vsub.f32 v35, v15;
	p2 =	por p3, p2;
	v30 =	vsub.f32 v31, v30  }
0xd3: {  	v3 =	vmul.u32 $0x2341, v3;
	_ =	sdelay $0x1  }
0xd4: {  	v18 =	vadd.s32 v5, v3;
	_ =	sdelay $0x3  }
0xd5: {  	s14 =	simm.s32 $0x0  }
0xd6: {  	v3 =	vld.idx.msk [tilespmem:v18+s14+$0x0], $0xffff;
	_ =	sdelay $0x2  }
0xd7: {  	vm11 =	vgt.u32 v8, v4;
	vm10 =	vmmov vm6;
	vm6 =	veq.s32 v17, v2  }
0xd8: {  	p0 =	por !p0, !p2;
	s16 =	spop (v2sf);
	s29 =	smul.f32 $1.900000000e+01, s19;
	vm9 =	vmmov vm1;
	v0 =	vimm.s32 $0x0;
	v13 =	vsub.f32 v13, v30  }
0xd9: {  	p0 =	por !p0, !p0;
	vm12 =	vgt.f32 v15, $0.0e+00;
	s16 =	smul.f32 $1.900000000e+01, s16;
	vm6 =	vmand vm11, vm6;
	v3 =	vsub.f32 $0.0e+00, v3  }
0xda: {  	vm11 =	veq.s32 v8, v4;
	s30 =	spop (v2sf);
	v5 =	vmov s17;
	vm9 =	vmneg @p0 vm9;
	s18 =	smul.f32 $5.000000000e-01, s29  }
0xdb: {  	s19 =	smul.f32 $1.900000000e+01, s30;
	v15 =	vmul.f32 v13, v15;
	vm13 =	vgt.f32 v13, $0.0e+00;
	v3 =	vmul.f32 $1.442695020e+00, v3  }
0xdc: {  	s13 =	sadd.s32 $0x1, s13;
	v8 =	vadd.s32 $0x169, v18;
	s20 =	smul.f32 $5.000000000e-01, s16;
	vm6 =	vmand vm9, vm6;
	s21 =	ssub.f32 s15, s18;
	vm12 =	vmand vm12, vm13  }
0xdd: {  	s31 =	sadd.f32 s18, s15;
	vm6 =	vmneg vm6;
	vm13 =	vgt.f32 v15, v9;
	v9 =	vld.msk [tilespmem:s13+$0x0 ss:$0x0], $0xffff;
	(erf) = vpow2.f32 v3  }
0xde: {  	v17 =	vadd.f32 s29, v40;
	vm6 =	vmand vm3, vm6;
	s17 =	ssub.f32 s19, s20;
	vm3 =	vmand vm12, vm13  }
0xdf: {  	v13 =	vmin.f32 v6, s21;
	v15 =	vmax.f32 v10, s31;
	s21 =	sadd.f32 s20, s19;
	vm3 =	vmand vm10, vm3  }
0xe0: {  	vm10 =	vmand vm11, vm9;
	v13 =	vsub.f32 v15, v13;
	v15 =	vmin.f32 v11, s17  }
0xe1: {  	s31 =	simm.s32 $0xB180;
	s18 =	spop (v2sf);
	v8 =	vld.idx.msk [tilespmem:v8+s14+$0x0], $0xffff;
	v31 =	vmax.f32 v32, s21;
	vm0 =	vmor vm0, vm10;
	vm10 =	vgt.u32 v5, v4  }
0xe2: {  	p1 =	slt.f32 s18, $0.0e+00;
	p5 =	sgt.f32 s18, $0.0e+00;
	v13 =	vsub.f32 v17, v13;
	v17 =	vld [tilespmem:s31+$0xFFFFFF80];
	vm11 =	veq.s32 v9, v2;
	v3 =	vadd.f32 s16, v16  }
0xe3: {  	s23 =	spop (v2sf);
	vm10 =	vmand vm10, vm11;
	vm11 =	veq.s32 v5, v4;
	v5 =	vadd.s32 $0x5A4, v18  }
0xe4: {  	v60 =	vimm.s32 $0x0;
	v61 =	vadd.s32 $0x13BE, v18;
	v15 =	vsub.f32 v31, v15;
	p1 =	por p5, p1;
	s15 =	smul.f32 $1.900000000e+01, s23  }
0xe5: {  	vm3 =	vmor vm2, vm3;
	vm2 =	vmmov vm1;
	s22 =	smul.f32 $1.900000000e+01, s18;
	v9 =	vadd.s32 $0x2D2, v18;
	p0 =	por !p0, !p1  }
0xe6: {  	vm12 =	vgt.f32 v13, $0.0e+00;
	p0 =	por !p0, !p0;
	v8 =	vsub.f32 $0.0e+00, v8;
	s25 =	smul.f32 $5.000000000e-01, s15;
	v47 =	vsub.f32 v3, v15;
	v3 =	vpop (erf)  }
0xe7: {  	s24 =	spop (v2sf);
	vm2 =	vmneg @p0 vm2;
	(v2sf) =	vpush v17, $0x0;
	s16 =	smul.f32 s16, s29;
	v3 =	vadd.f32 $1.000000000e+00, v3  }
0xe8: {  	s26 =	spop (v2sf);
	v8 =	vmul.f32 $1.442695020e+00, v8;
	vm10 =	vmand vm2, vm10;
	v49 =	vld.idx.msk [tilespmem:v5+s14+$0x0], $0xffff;
	v5 =	vadd.s32 $0x876, v18  }
0xe9: {  	s13 =	sadd.f32 s25, s22;
	v30 =	vadd.f32 s16, v33;
	s16 =	smul.f32 $1.900000000e+01, s24;
	v15 =	vadd.s32 $0x43B, v18;
	(erf) = vrcp.f32 v3  }
0xea: {  	v35 =	vld [tilespmem:s31+$0x80];
	s18 =	smul.f32 $1.900000000e+01, s26;
	vm10 =	vmneg vm10;
	(erf) = vpow2.f32 v8;
	v8 =	vadd.s32 $0x70D, v18  }
0xeb: {  	v17 =	vadd.s32 $0xF83, v18;
	v38 =	vld.idx.msk [tilespmem:v9+s14+$0x0], $0xffff;
	vm6 =	vmand vm6, vm10;
	v9 =	vmax.f32 v10, s13;
	s28 =	smul.f32 $5.000000000e-01, s16  }
0xec: {  	v36 =	vld [tilespmem:s31+$0x100];
	s29 =	ssub.f32 s22, s25;
	v0 =	vsel vm6, $0xFFFFFFFF, v0;
	vm6 =	vmand vm11, vm2;
	v30 =	vmul.f32 $3.750000000e-01, v30  }
0xed: {  	vm13 =	vgt.f32 v47, $0.0e+00;
	v2 =	vmul.f32 v47, v13;
	v34 =	vld.idx.msk [tilespmem:v5+s14+$0x0], $0xffff;
	s30 =	ssub.f32 s18, s28;
	v3 =	vadd.f32 s15, v40;
	s15 =	smul.f32 s16, s15  }
0xee: {  	v48 =	vmin.f32 v6, s29;
	vm12 =	vmand vm12, vm13;
	v5 =	vadd.s32 $0xE1A, v18;
	s18 =	sadd.f32 s28, s18;
	v39 =	vld.idx.msk [tilespmem:v15+s14+$0x0], $0xffff  }
0xef: {  	vm13 =	vgt.f32 v2, v30;
	v15 =	vadd.s32 $0x9DF, v18;
	v30 =	vld.idx.msk [tilespmem:v8+s14+$0x0], $0xffff;
	v8 =	vadd.f32 s15, v33  }
0xf0: {  	v41 =	vld [tilespmem:s31+$0x0];
	v2 =	vsub.f32 v9, v48;
	v31 =	vmin.f32 v11, s30;
	v9 =	vmax.f32 v32, s18  }
0xf1: {  	vm0 =	vmor vm0, vm6;
	v44 =	vld.idx.msk [tilespmem:v17+s14+$0x0], $0xffff;
	v9 =	vsub.f32 v9, v31;
	v31 =	vadd.s32 $0xB48, v18  }
0xf2: {  	[tilespmem:$0x1FC50] =	vst v0;
	v0 =	vsel vm0, $0xFFFFFFFF, v60;
	v60 =	vld.idx.msk [tilespmem:v61+s14+$0x0], $0xffff;
	v2 =	vsub.f32 v3, v2;
	v3 =	vadd.s32 $0xCB1, v18;
	v46 =	vpop (erf)  }
0xf3: {  	v17 =	vadd.s32 $0x1527, v18;
	v59 =	vld.idx.msk [tilespmem:v5+s14+$0x0], $0xffff;
	v37 =	vmul.f32 $3.750000000e-01, v8;
	v8 =	vpop (erf)  }
0xf4: {  	v13 =	vadd.f32 s16, v16;
	v51 =	vld.idx.msk [tilespmem:v15+s14+$0x0], $0xffff;
	s16 =	simm.s32 $0xB181;
	v8 =	vadd.f32 $1.000000000e+00, v8  }
0xf5: {  	v45 =	vadd.s32 $0x1690, v18;
	[tilespmem:$0x1FC80] =	vst v38;
	v38 =	vmul.f32 $1.442695020e+00, v38;
	v62 =	vld [tilespmem:s16+$0xFFFFFF80]  }
0xf6: {  	v52 =	vld.idx.msk [tilespmem:v31+s14+$0x0], $0xffff;
	v31 =	vmul.f32 $1.442695020e+00, v39;
	(erf) = vrcp.f32 v8  }
0xf7: {  	(v2sf) =	vpush v35, $0x0;
	v5 =	vadd.s32 $0x1255, v18;
	v57 =	vld.idx.msk [tilespmem:v3+s14+$0x0], $0xffff;
	(erf) = vpow2.f32 v38  }
0xf8: {  	(v2sf) =	vpush v36, $0x0;
	v17 =	vld.idx.msk [tilespmem:v17+s14+$0x0], $0xffff;
	(erf) = vpow2.f32 v31  }
0xf9: {  	(v2sf) =	vpush v41, $0x0;
	[tilespmem:$0x1FCE0] =	vst v44;
	v3 =	vadd.s32 $0x10EC, v18  }
0xfa: {  	[tilespmem:$0x1FD10] =	vst v60;
	(v2sf) =	vpush v62, $0x0;
	v62 =	vadd.s32 $0x17F9, v18;
	v31 =	vsel vm4, $0x404C5604, v29;
	v29 =	vld.idx.msk [tilespmem:v45+s14+$0x0], $0xffff  }
0xfb: {  	v12 =	vcvt.s32.f32 v12;
	vm9 =	vmmov vm9;
	vm10 =	vmand vm12, vm13;
	[tilespmem:$0x1FC70] =	vst v51  }
0xfc: {  	v1 =	vadd.s32 $0x1962, v18;
	vm9 =	vmand vm9, vm10;
	v51 =	vsel vm4, $0x40804D50, v42;
	[tilespmem:$0x1FCB0] =	vst v57;
	v57 =	vld.idx.msk [tilespmem:v5+s14+$0x0], $0xffff  }
0xfd: {  	v48 =	vadd.s32 $0x1F06, v18;
	v44 =	vadd.s32 $0x1C34, v18;
	vm3 =	vmor vm3, vm9;
	v47 =	vld [tilespmem:s16+$0x80];
	[tilespmem:$0x1FD20] =	vst v17  }
0xfe: {  	v60 =	vadd.s32 $0x206F, v18;
	v13 =	vsub.f32 v13, v9;
	[tilespmem:$0x1FC90] =	vst v52;
	v52 =	vld.idx.msk [tilespmem:v3+s14+$0x0], $0xffff;
	v3 =	vsel vm5, $0x40A1C9BA, v31  }
0xff: {  	vm9 =	vgt.f32 v2, $0.0e+00;
	v41 =	vsel vm5, $0x4101951F, v51;
	v3 =	vsel vm7, $0x411789BA, v3;
	[tilespmem:$0x1FD30] =	vst v29;
	v29 =	vld.idx.msk [tilespmem:v62+s14+$0x0], $0xffff;
	v51 =	vpop (erf)  }
0x100: {  	[tilespmem:$0x1FCC0] =	vst v59;
	v2 =	vmul.f32 v13, v2;
	v59 =	vsel vm7, $0x409AE5A2, v41;
	v41 =	vsel vm8, $0x4133C852, v3;
	v17 =	vpop (erf)  }
0x101: {  	v61 =	vsel vm8, $0x41201D0E, v59;
	[tilespmem:$0x1FD00] =	vst v57;
	v57 =	vcvt.s32.f32 v7;
	v7 =	vmul.f32 v17, v41;
	v17 =	vpop (erf)  }
0x102: {  	(v2sf) =	vpush v47, $0x0;
	v47 =	vadd.s32 $0x1D9D, v18;
	v17 =	vmul.f32 v17, v61  }
0x103: {  	vm6 =	vgt.f32 v2, v37;
	v37 =	vadd.f32 v57, v46;
	[tilespmem:$0x1FD70] =	vst v51;
	v59 =	vmul.f32 v7, v50  }
0x104: {  	v43 =	vld [tilespmem:s16+$0x100];
	v2 =	vadd.s32 $0x1ACB, v18;
	v51 =	vadd.f32 v12, v51;
	[tilespmem:$0x1FD60] =	vst v29;
	v29 =	vmul.f32 v17, v50  }
0x105: {  	s20 =	simm.s32 $0xB182;
	[tilespmem:$0x1FD40] =	vst v61;
	v45 =	vld [tilespmem:s16+$0x0];
	v61 =	vadd.s32 $0x21D8, v18;
	v38 =	vsub.f32 v37, v59;
	v18 =	vadd.f32 v59, v37  }
0x106: {  	v37 =	vsub.f32 v51, v29;
	v36 =	vadd.f32 v29, v51;
	v29 =	vld [tilespmem:s20+$0xFFFFFF80];
	_ =	sdelay $0x1  }
0x107: {  	s17 =	simm.s32 $0xB480  }
0x108: {  	[tilespmem:$0x1FC60] =	vst v49;
	v49 =	vld.msk [tilespmem:s17+$0x0 ss:$0x0], $0xffff;
	s18 =	spop (v2sf);
	(v2sf) =	vpush v43, $0x0  }
0x109: {  	[tilespmem:$0x1FCD0] =	vst v0;
	v0 =	vld [tilespmem:s20+$0x100];
	vm10 =	vgt.f32 v13, $0.0e+00;
	p3 =	slt.f32 s18, $0.0e+00;
	(v2sf) =	vpush v45, $0x0  }
0x10a: {  	p4 =	sgt.f32 s18, $0.0e+00;
	s19 =	spop (v2sf);
	vm0 =	vmand vm9, vm10;
	(v2sf) =	vpush v29, $0x0;
	v29 =	vld.idx.msk [tilespmem:v47+s14+$0x0], $0xffff  }
0x10b: {  	p6 =	por $0x1, $0x1;
	vm2 =	vmmov vm2;
	v44 =	vld.idx.msk [tilespmem:v44+s14+$0x0], $0xffff;
	s13 =	smul.f32 $1.900000000e+01, s18;
	vm0 =	vmand vm0, vm6  }
0x10c: {  	v35 =	vld.idx.msk [tilespmem:v60+s14+$0x0], $0xffff;
	s21 =	spop (v2sf);
	p1 =	por p4, p3;
	s15 =	smul.f32 $1.900000000e+01, s19;
	vm0 =	vmand vm2, vm0  }
0x10d: {  	s17 =	smul.f32 $1.900000000e+01, s21;
	p0 =	por !p6, !p1;
	[tilespmem:$0x1FD50] =	vst v46;
	vm2 =	veq.s32 v49, v24;
	v46 =	vor.u32 $0x10, v4;
	v62 =	vmov s14;
	v12 =	vld.idx.msk [tilespmem:v1+s14+$0x0], $0xffff  }
0x10e: {  	s24 =	spop (v2sf);
	p0 =	por !p0, !p0;
	s23 =	smul.f32 $5.000000000e-01, s15;
	vm6 =	vmor vm3, vm0;
	[tilespmem:$0x1FCF0] =	vst v52;
	v52 =	vld [tilespmem:s20+$0x80];
	vm8 =	vmmov vm1;
	vm0 =	vgt.u32 v62, v46  }
0x10f: {  	s22 =	simm.s32 $0x1;
	s26 =	smul.f32 $1.900000000e+01, s24;
	vm8 =	vmneg @p0 vm8;
	vm0 =	vmand vm0, vm2;
	[tilespmem:$0x1FDB0] =	vst v29;
	v29 =	vld.idx.msk [tilespmem:v48+s14+$0x0], $0xffff  }
0x110: {  	s25 =	smul.f32 $5.000000000e-01, s17;
	v43 =	vmov s22;
	s28 =	ssub.f32 s13, s23;
	v1 =	vld [tilespmem:s20+$0x0];
	vm0 =	vmand vm8, vm0  }
0x111: {  	[tilespmem:$0x1FCA0] =	vst v39;
	s13 =	sadd.f32 s23, s13;
	v42 =	vld.idx.msk [tilespmem:v2+s14+$0x0], $0xffff;
	vm7 =	vmmov vm1;
	vm2 =	veq.s32 v62, v46;
	vm0 =	vmneg vm0  }
0x112: {  	s29 =	ssub.f32 s26, s25;
	vm4 =	vmand vm14, vm0;
	v2 =	vadd.f32 s15, v7;
	s15 =	smul.f32 s17, s15;
	[tilespmem:$0x1FD80] =	vst v12;
	v12 =	vmul.f32 v17, v7;
	v61 =	vld.idx.msk [tilespmem:v61+s14+$0x0], $0xffff  }
0x113: {  	[tilespmem:$0x1FDA0] =	vst v44;
	s31 =	sadd.f32 s25, s26;
	s30 =	spop (v2sf);
	vm0 =	vmand vm2, vm8;
	v57 =	vmax.f32 v18, s13;
	(v2sf) =	vpush v52, $0x0;
	s14 =	simm.s32 $0xB481  }
0x114: {  	p5 =	slt.f32 s30, $0.0e+00;
	p6 =	sgt.f32 s30, $0.0e+00;
	v59 =	vadd.f32 s15, v12;
	(v2sf) =	vpush v0, $0x0;
	v44 =	vld.msk [tilespmem:s14+$0x0 ss:$0x0], $0xffff;
	[tilespmem:$0x1FDC0] =	vst v29;
	v29 =	vmin.f32 v38, s28  }
0x115: {  	[tilespmem:$0x1FDD0] =	vst v35;
	vm5 =	vmor vm1, vm0;
	(v2sf) =	vpush v1, $0x0;
	v29 =	vsub.f32 v57, v29  }
0x116: {  	s18 =	simm.s32 $0x3;
	[tilespmem:$0x1FD90] =	vst v42;
	s16 =	spop (v2sf);
	p1 =	por p6, p5;
	v45 =	vadd.f32 s17, v17;
	v60 =	vmin.f32 v37, s29;
	v62 =	vmax.f32 v36, s31  }
0x117: {  	v35 =	vmovc v46;
	s17 =	simm.s32 $0xB183;
	s13 =	simm.s32 $0x2;
	s15 =	smul.f32 $1.900000000e+01, s30;
	v42 =	vmul.f32 $3.750000000e-01, v59;
	v49 =	vsub.f32 v62, v60;
	[tilespmem:$0x1FDE0] =	vst v61;
	v47 =	vsub.f32 v2, v29  }
.LBB2_4:
0x118: {  	p2 =	sne.s32 s18, $0x1D;
	v48 =	vmov s13  }
0x119: {  	v29 =	vld [tilespmem:s17+$0xFFFFFF80];
	p0 =	por !p0, !p1;
	vm2 =	vgt.u32 v43, v35;
	s19 =	spop (v2sf);
	vm0 =	vmmov vm8;
	s13 =	smov.u32 s18;
	vm3 =	veq.s32 v44, v24  }
0x11a: {  	s16 =	smul.f32 $1.900000000e+01, s16;
	vm8 =	vmmov vm1;
	v51 =	vld [tilespmem:s17+$0x80];
	p0 =	por !p0, !p0;
	s20 =	spop (v2sf);
	v44 =	vsub.f32 v45, v49;
	vm9 =	vgt.f32 v47, $0.0e+00  }
0x11b: {  	s19 =	smul.f32 $1.900000000e+01, s19;
	vm2 =	vmand vm2, vm3;
	vm3 =	veq.s32 v43, v35;
	v43 =	vmovc v48;
	v35 =	vmovc v46;
	v49 =	vld [tilespmem:s17+$0x100];
	vm8 =	vmneg @p0 vm8  }
0x11c: {  	s21 =	smul.f32 $5.000000000e-01, s16;
	v52 =	vadd.f32 s16, v7;
	v48 =	vld [tilespmem:s17+$0x0];
	vm10 =	vgt.f32 v44, $0.0e+00;
	v44 =	vmul.f32 v44, v47  }
0x11d: {  	s22 =	smul.f32 $5.000000000e-01, s19;
	v45 =	vadd.f32 s19, v17;
	vm2 =	vmand vm8, vm2;
	vm9 =	vmand vm9, vm10  }
0x11e: {  	s20 =	smul.f32 $1.900000000e+01, s20;
	s23 =	ssub.f32 s15, s21;
	vm2 =	vmneg vm2;
	(v2sf) =	vpush v29, $0x0;
	vm10 =	vgt.f32 v44, v42  }
0x11f: {  	s14 =	sadd.s32 $0x1, s14;
	s16 =	smul.f32 s19, s16;
	s15 =	sadd.f32 s21, s15;
	vm4 =	vmand vm4, vm2;
	vm2 =	vmand vm3, vm8;
	vm3 =	vmand vm9, vm10  }
.Ltmp1:
0x120: {  	s19 =	ssub.f32 s20, s22;
	v29 =	vmin.f32 v38, s23;
	(v2sf) =	vpush v51, $0x0;
	v44 =	vld.msk [tilespmem:s14+$0x0 ss:$0x0], $0xffff;
	vm0 =	vmand vm0, vm3;
	(pc) =	sbr.rel @p2 .LBB2_4-.Ltmp1, $4  }
0x121: {  	s20 =	sadd.f32 s22, s20;
	v47 =	vadd.f32 s16, v12;
	v42 =	vmax.f32 v18, s15;
	s21 =	spop (v2sf);
	vm7 =	vmor vm7, vm0  }
0x122: {  	v29 =	vsub.f32 v42, v29;
	(v2sf) =	vpush v49, $0x0;
	p1 =	slt.f32 s21, $0.0e+00;
	p3 =	sgt.f32 s21, $0.0e+00;
	v49 =	vmin.f32 v37, s19  }
0x123: {  	v42 =	vmul.f32 $3.750000000e-01, v47;
	s15 =	smul.f32 $1.900000000e+01, s21;
	(v2sf) =	vpush v48, $0x0;
	s16 =	spop (v2sf);
	v48 =	vmax.f32 v36, s20  }
0x124: {  	s18 =	sadd.s32 $0x1, s18;
	s17 =	sadd.s32 $0x1, s17;
	vm5 =	vmor vm5, vm2;
	v47 =	vsub.f32 v52, v29;
	p1 =	por p3, p1;
	v49 =	vsub.f32 v48, v49  }
0x125: {  	v29 =	vsub.f32 $0.0e+00, v22;
	_ =	sdelay $0x1  }
0x126: {  	v29 =	vmul.f32 $1.442695020e+00, v29;
	_ =	sdelay $0x1  }
0x127: {  	v48 =	vsub.f32 v54, v28;
	v28 =	vadd.f32 v28, v54;
	(erf) = vpow2.f32 v29  }
0x128: {  	v29 =	vsub.f32 v53, v27;
	v27 =	vadd.f32 v27, v53  }
0x129: {  	v62 =	vadd.f32 v40, v25;
	v16 =	vadd.f32 v16, v23;
	v6 =	vmin.f32 v48, v6  }
0x12a: {  	v10 =	vmax.f32 v28, v10;
	v11 =	vmin.f32 v29, v11;
	v27 =	vmax.f32 v27, v32  }
0x12b: {  	v6 =	vsub.f32 v10, v6;
	v61 =	vsub.f32 v27, v11;
	_ =	sdelay $0x1  }
0x12c: {  	v6 =	vsub.f32 v62, v6;
	v10 =	vsub.f32 v16, v61;
	_ =	sdelay $0x1  }
0x12d: {  	vm0 =	vle.f32 v6, $0.0e+00;
	vm2 =	vle.f32 v10, $0.0e+00;
	v6 =	vmul.f32 v10, v6  }
0x12e: {  	v0 =	vadd.f32 v33, v26;
	vm0 =	vmor vm0, vm2;
	v1 =	vpop (erf)  }
0x12f: {  	v11 =	vsel vm0, $0x0, v6;
	v6 =	vadd.f32 $1.000000000e+00, v1  }
0x130: {  	v10 =	vsub.f32 v0, v11  }
0x131: {  	(erf) = vrcp.f32 v6  }
0x132: {  	(erf) = vrcp.f32 v10  }
0x133: {  	(erf) = vrcp.f32 v56;
	_ =	sdelay $0x6  }
0x134: {  	v0 =	vpop (erf)  }
0x135: {  	v16 =	vpop (erf)  }
0x136: {  	v2 =	vpop (erf)  }
0x137: {  	v26 =	vmul.f32 v2, v25;
	_ =	sdelay $0x1  }
0x138: {  	v10 =	vand.u32 $0x7FFFFF, v26  }
0x139: {  	v10 =	vor.u32 $0x3F800000, v10  }
0x13a: {  	v9 =	vmul.f32 $5.000000000e-01, v10  }
0x13b: {  	vm12 =	vgt.f32 v10, $1.414213540e+00  }
0x13c: {  	v48 =	vsel vm12, v9, v10  }
0x13d: {  	v56 =	vld [tilespmem:$0x1FE80];
	v10 =	vadd.f32 $1.000000000e+00, v48  }
0x13e: {  	v57 =	vld [tilespmem:$0x1FEA0]  }
0x13f: {  	v39 =	vld [tilespmem:$0x1FEC0];
	(erf) = vrcp.f32 v10  }
0x140: {  	(erf) = vrcp.f32 v58;
	v58 =	vld [tilespmem:$0x1FED0]  }
0x141: {  	v59 =	vld [tilespmem:$0x1FEE0]  }
0x142: {  	v60 =	vld [tilespmem:$0x1FEF0];
	v13 =	vmax.f32 v55, v56  }
0x143: {  	v25 =	vmax.f32 v13, v57  }
0x144: {  	v61 =	vld [tilespmem:$0x1FF00];
	v15 =	vmax.f32 v25, v39  }
0x145: {  	v62 =	vld [tilespmem:$0x1FF10];
	v10 =	vmax.f32 v15, v58  }
0x146: {  	[tilespmem:$0x1FC00] =	vst v0;
	v0 =	vld [tilespmem:$0x1FF20];
	v10 =	vmax.f32 v10, v59  }
0x147: {  	v1 =	vld [tilespmem:$0x1FF50];
	v10 =	vmax.f32 v10, v60  }
0x148: {  	v5 =	vld [tilespmem:$0x1FF60];
	v10 =	vmax.f32 v10, v63  }
0x149: {  	v31 =	vld [tilespmem:$0x1FF70];
	v10 =	vmax.f32 v10, v61  }
0x14a: {  	v2 =	vld [tilespmem:$0x1FF80];
	v10 =	vmax.f32 v10, v62  }
0x14b: {  	v3 =	vld [tilespmem:$0x1FF90];
	v10 =	vmax.f32 v10, v0  }
0x14c: {  	v8 =	vld [tilespmem:$0x1FFA0];
	v10 =	vmax.f32 v10, v1  }
0x14d: {  	v15 =	vld [tilespmem:$0x1FFB0];
	v40 =	vpop (erf);
	v10 =	vmax.f32 v10, v5  }
0x14e: {  	v9 =	vld [tilespmem:$0x1FFC0];
	v22 =	vpop (erf);
	v10 =	vmax.f32 v10, v31  }
0x14f: {  	v13 =	vld [tilespmem:$0x1FFD0];
	v25 =	vmul.f32 v22, v23;
	v10 =	vmax.f32 v10, v2  }
0x150: {  	v10 =	vmax.f32 v10, v3  }
0x151: {  	v23 =	vand.u32 $0x7FFFFF, v25;
	v10 =	vmax.f32 v10, v8  }
0x152: {  	v23 =	vor.u32 $0x3F800000, v23;
	v10 =	vmax.f32 v10, v15  }
0x153: {  	v27 =	vmul.f32 $5.000000000e-01, v23;
	v10 =	vmax.f32 v10, v9  }
0x154: {  	vm15 =	vgt.f32 v23, $1.414213540e+00;
	v10 =	vmax.f32 v10, v13  }
0x155: {  	v28 =	vsel vm15, v27, v23;
	v32 =	vsub.f32 v55, v10  }
0x156: {  	v27 =	vadd.f32 $1.000000000e+00, v28;
	v29 =	vsub.f32 v56, v10  }
0x157: {  	v23 =	vmul.f32 $1.442695020e+00, v32  }
0x158: {  	(erf) = vrcp.f32 v27;
	v27 =	vmul.f32 $1.442695020e+00, v29;
	v29 =	vsub.f32 v57, v10  }
0x159: {  	(erf) = vpow2.f32 v23  }
0x15a: {  	v33 =	vmul.f32 $1.442695020e+00, v29;
	(erf) = vpow2.f32 v27;
	v27 =	vsub.f32 v39, v10;
	_ =	sdelay $0x1  }
0x15b: {  	(erf) = vpow2.f32 v33;
	v50 =	vmul.f32 $1.442695020e+00, v27;
	v27 =	vsub.f32 v58, v10;
	_ =	sdelay $0x1  }
0x15c: {  	(erf) = vpow2.f32 v50;
	v51 =	vmul.f32 $1.442695020e+00, v27;
	v27 =	vsub.f32 v59, v10;
	_ =	sdelay $0x1  }
0x15d: {  	(erf) = vpow2.f32 v51;
	v52 =	vmul.f32 $1.442695020e+00, v27  }
0x15e: {  	v32 =	vpop (erf);
	v27 =	vsub.f32 v60, v10  }
0x15f: {  	(erf) = vpow2.f32 v52;
	v50 =	vpop (erf)  }
0x160: {  	v51 =	vsub.f32 v63, v10;
	v27 =	vmul.f32 $1.442695020e+00, v27;
	v29 =	vpop (erf)  }
0x161: {  	v23 =	vadd.f32 v29, v50  }
0x162: {  	v52 =	vsub.f32 v61, v10;
	(erf) = vpow2.f32 v27;
	v27 =	vmul.f32 $1.442695020e+00, v51;
	v29 =	vpop (erf)  }
0x163: {  	v23 =	vadd.f32 v23, v29  }
0x164: {  	v50 =	vsub.f32 v62, v10;
	(erf) = vpow2.f32 v27;
	v27 =	vmul.f32 $1.442695020e+00, v52;
	v29 =	vpop (erf)  }
0x165: {  	v23 =	vadd.f32 v23, v29  }
0x166: {  	v51 =	vsub.f32 v0, v10;
	(erf) = vpow2.f32 v27;
	v27 =	vmul.f32 $1.442695020e+00, v50;
	v29 =	vpop (erf)  }
0x167: {  	v23 =	vadd.f32 v23, v29  }
0x168: {  	v52 =	vsub.f32 v1, v10;
	(erf) = vpow2.f32 v27;
	v27 =	vmul.f32 $1.442695020e+00, v51;
	v29 =	vpop (erf)  }
0x169: {  	v23 =	vadd.f32 v23, v29  }
0x16a: {  	(erf) = vpow2.f32 v27;
	v27 =	vmul.f32 $1.442695020e+00, v52;
	v29 =	vsub.f32 v5, v10;
	_ =	sdelay $0x1  }
0x16b: {  	v50 =	vsub.f32 v31, v10;
	v22 =	vpop (erf);
	(erf) = vpow2.f32 v27;
	v27 =	vmul.f32 $1.442695020e+00, v29  }
0x16c: {  	v23 =	vadd.f32 v23, v22  }
0x16d: {  	v51 =	vsub.f32 v2, v10;
	v29 =	vpop (erf);
	(erf) = vpow2.f32 v27;
	v27 =	vmul.f32 $1.442695020e+00, v50  }
0x16e: {  	v23 =	vadd.f32 v23, v29  }
0x16f: {  	v52 =	vsub.f32 v3, v10;
	v29 =	vpop (erf);
	(erf) = vpow2.f32 v27;
	v27 =	vmul.f32 $1.442695020e+00, v51  }
0x170: {  	v23 =	vadd.f32 v23, v29  }
0x171: {  	v50 =	vsub.f32 v8, v10;
	v29 =	vpop (erf);
	(erf) = vpow2.f32 v27;
	v27 =	vmul.f32 $1.442695020e+00, v52  }
0x172: {  	v23 =	vadd.f32 v23, v29  }
0x173: {  	v51 =	vsub.f32 v15, v10;
	v29 =	vpop (erf);
	(erf) = vpow2.f32 v27;
	v27 =	vmul.f32 $1.442695020e+00, v50  }
0x174: {  	v23 =	vadd.f32 v23, v29  }
0x175: {  	v29 =	vpop (erf);
	(erf) = vpow2.f32 v27;
	v27 =	vmul.f32 $1.442695020e+00, v51  }
0x176: {  	v52 =	vsub.f32 v9, v10;
	v23 =	vadd.f32 v23, v29  }
0x177: {  	v29 =	vpop (erf);
	(erf) = vpow2.f32 v27  }
0x178: {  	v27 =	vmul.f32 $1.442695020e+00, v52;
	v23 =	vadd.f32 v23, v29;
	v29 =	vsub.f32 v13, v10;
	_ =	sdelay $0x1  }
0x179: {  	v22 =	vpop (erf);
	(erf) = vpow2.f32 v27;
	v27 =	vmul.f32 $1.442695020e+00, v29  }
0x17a: {  	v23 =	vadd.f32 v23, v22  }
0x17b: {  	v29 =	vpop (erf)  }
0x17c: {  	(erf) = vpow2.f32 v27;
	v23 =	vadd.f32 v23, v29  }
0x17d: {  	v27 =	vpop (erf)  }
0x17e: {  	v23 =	vadd.f32 v23, v27  }
0x17f: {  	v27 =	vpop (erf)  }
0x180: {  	v23 =	vadd.f32 v23, v27  }
0x181: {  	v27 =	vpop (erf)  }
0x182: {  	v23 =	vadd.f32 v23, v27  }
0x183: {  	v27 =	vpop (erf)  }
0x184: {  	v23 =	vadd.f32 v23, v27  }
0x185: {  	v27 =	vpop (erf)  }
0x186: {  	v23 =	vadd.f32 v23, v27;
	_ =	sdelay $0x1  }
0x187: {  	v27 =	vand.u32 $0x7FFFFF, v23  }
0x188: {  	v27 =	vor.u32 $0x3F800000, v27  }
0x189: {  	v29 =	vmul.f32 $5.000000000e-01, v27  }
0x18a: {  	v6 =	vld [tilespmem:$0x1FC60];
	vm13 =	vgt.f32 v27, $1.414213540e+00  }
0x18b: {  	v27 =	vsel vm13, v29, v27  }
0x18c: {  	v50 =	vadd.f32 $1.000000000e+00, v27;
	_ =	sdelay $0x1  }
0x18d: {  	(erf) = vrcp.f32 v50;
	v50 =	vld [tilespmem:$0x1FE20]  }
0x18e: {  	v29 =	vsub.f32 $0.0e+00, v6;
	_ =	sdelay $0x1  }
0x18f: {  	v29 =	vmul.f32 $1.442695020e+00, v29;
	_ =	sdelay $0x1  }
0x190: {  	(erf) = vpow2.f32 v29;
	v29 =	vsub.f32 v50, v20;
	v51 =	vadd.f32 v20, v50  }
0x191: {  	v52 =	vmov v55;
	v55 =	vmov v53;
	v53 =	vld [tilespmem:$0x1FE30]  }
0x192: {  	v29 =	vmin.f32 v29, v37;
	v20 =	vmax.f32 v51, v36  }
0x193: {  	v51 =	vadd.f32 v17, v14;
	v20 =	vsub.f32 v20, v29;
	_ =	sdelay $0x1  }
0x194: {  	v20 =	vsub.f32 v51, v20;
	v51 =	vld [tilespmem:$0x1FDF0]  }
0x195: {  	v33 =	vsub.f32 v53, v21;
	v21 =	vadd.f32 v21, v53;
	_ =	sdelay $0x1  }
0x196: {  	v33 =	vmin.f32 v33, v38;
	v21 =	vmax.f32 v21, v18  }
0x197: {  	v21 =	vsub.f32 v21, v33;
	v29 =	vadd.f32 v7, v19  }
0x198: {  	v22 =	vadd.f32 v12, v51;
	v51 =	vld [tilespmem:$0x1FE60]  }
0x199: {  	v21 =	vsub.f32 v29, v21;
	_ =	sdelay $0x2  }
0x19a: {  	vm0 =	vle.f32 v21, $0.0e+00;
	vm2 =	vle.f32 v20, $0.0e+00;
	v20 =	vmul.f32 v20, v21;
	v29 =	vpop (erf)  }
0x19b: {  	vm0 =	vmor vm0, vm2;
	v21 =	vpop (erf);
	v33 =	vtrunc.f32 v51  }
0x19c: {  	v6 =	vsel vm0, $0x0, v20;
	v20 =	vadd.f32 $1.000000000e+00, v21;
	v51 =	vcvt.f32.s32 v33  }
0x19d: {  	v22 =	vsub.f32 v22, v6  }
0x19e: {  	(erf) = vrcp.f32 v20;
	vm0 =	veq.s32 v51, $0x0  }
0x19f: {  	(erf) = vrcp.f32 v22;
	v52 =	vnsel vm0, $0x0, v52;
	vm0 =	veq.s32 v51, $0x1  }
0x1a0: {  	(erf) = vrcp.f32 v41;
	v20 =	vsel vm0, v56, v52;
	vm0 =	veq.s32 v51, $0x2  }
0x1a1: {  	v20 =	vsel vm0, v57, v20;
	vm0 =	veq.s32 v51, $0x3  }
0x1a2: {  	v20 =	vsel vm0, v39, v20;
	vm0 =	veq.s32 v51, $0x4  }
0x1a3: {  	v20 =	vsel vm0, v58, v20;
	vm0 =	veq.s32 v51, $0x5  }
0x1a4: {  	v20 =	vsel vm0, v59, v20;
	vm0 =	veq.s32 v51, $0x6  }
0x1a5: {  	v59 =	vsel vm0, v60, v20;
	vm0 =	veq.s32 v51, $0x7  }
0x1a6: {  	v60 =	vsel vm0, v63, v59;
	vm0 =	veq.s32 v51, $0x8  }
0x1a7: {  	v20 =	vpop (erf);
	v33 =	vsel vm0, v61, v60;
	vm0 =	veq.s32 v51, $0x9  }
0x1a8: {  	[tilespmem:$0x1FC10] =	vst v6;
	v6 =	vpop (erf);
	v33 =	vsel vm0, v62, v33;
	vm0 =	veq.s32 v51, $0xA  }
0x1a9: {  	vm10 =	vgt.u32 v43, v35;
	v61 =	vpop (erf);
	v33 =	vsel vm0, v0, v33;
	vm0 =	veq.s32 v51, $0xB  }
0x1aa: {  	v21 =	vmul.f32 v61, v19;
	v33 =	vsel vm0, v1, v33;
	vm0 =	veq.s32 v51, $0xC  }
0x1ab: {  	v25 =	vshrl.u32 v25, $0x17;
	v33 =	vsel vm0, v5, v33;
	vm0 =	veq.s32 v51, $0xD  }
0x1ac: {  	v63 =	vand.u32 $0x7FFFFF, v21;
	v33 =	vsel vm0, v31, v33;
	vm0 =	veq.s32 v51, $0xE  }
0x1ad: {  	v41 =	vor.u32 $0x3F800000, v63;
	v33 =	vsel vm0, v2, v33;
	vm0 =	veq.s32 v51, $0xF  }
0x1ae: {  	v0 =	vmul.f32 $5.000000000e-01, v41;
	v1 =	vsel vm0, v3, v33;
	vm0 =	veq.s32 v51, $0x10  }
0x1af: {  	v22 =	vld [tilespmem:$0x1FC90];
	vm14 =	vgt.f32 v41, $1.414213540e+00;
	v2 =	vsel vm0, v8, v1;
	vm0 =	veq.s32 v51, $0x11  }
0x1b0: {  	s16 =	smul.f32 $1.900000000e+01, s16;
	s17 =	spop (v2sf);
	v3 =	vld [tilespmem:$0x1FE70];
	v33 =	vsel vm14, v0, v41;
	v8 =	vsel vm0, v15, v2;
	vm0 =	veq.s32 v51, $0x12  }
0x1b1: {  	s17 =	smul.f32 $1.900000000e+01, s17;
	vm2 =	veq.s32 v43, v35;
	v43 =	vadd.f32 $1.000000000e+00, v33;
	v19 =	vsel vm0, v9, v8;
	v9 =	vld [tilespmem:$0x1FC70]  }
0x1b2: {  	vm11 =	veq.s32 v44, v24;
	s21 =	spop (v2sf);
	s18 =	smul.f32 $5.000000000e-01, s16;
	v11 =	vmul.f32 v16, v11;
	v25 =	vand.u32 $0xFF, v25;
	v8 =	vld [tilespmem:$0x1FCB0]  }
0x1b3: {  	s23 =	smul.f32 $1.900000000e+01, s21;
	v23 =	vshrl.u32 v23, $0x17;
	[tilespmem:$0x1FC20] =	vst v6;
	v6 =	vimm.s32 $0x0;
	(erf) = vrcp.f32 v43;
	v43 =	vld [tilespmem:$0x1FD40]  }
0x1b4: {  	s20 =	smul.f32 $5.000000000e-01, s17;
	s22 =	sadd.f32 s18, s15;
	v52 =	vld [tilespmem:$0x1FCC0];
	v62 =	vsub.f32 v45, v49;
	v6 =	vsel vm2, $0xFFFFFFFF, v6;
	vm0 =	veq.s32 v51, $0x13  }
0x1b5: {  	vm2 =	vgt.f32 v47, $0.0e+00;
	v15 =	vmax.f32 v30, v34;
	v2 =	vld [tilespmem:$0x1FCE0];
	v1 =	vsel vm0, v13, v19  }
0x1b6: {  	s24 =	ssub.f32 s23, s20;
	vm3 =	vgt.f32 v62, $0.0e+00;
	v63 =	vmax.f32 v18, s22;
	[tilespmem:$0x1FC30] =	vst v1;
	v1 =	vld [tilespmem:$0x1FCF0];
	v41 =	vmax.f32 v15, v9  }
0x1b7: {  	v31 =	vld [tilespmem:$0x1FD00];
	vm0 =	vmand vm2, vm3;
	v3 =	vtrunc.f32 v3;
	v0 =	vmax.f32 v41, v22  }
0x1b8: {  	s19 =	ssub.f32 s15, s18;
	s25 =	spop (v2sf);
	v5 =	vld [tilespmem:$0x1FD10];
	v15 =	vmin.f32 v37, s24;
	(erf) = vrcp.f32 v43;
	v0 =	vmax.f32 v0, v8  }
0x1b9: {  	s26 =	spop (v2sf);
	v57 =	vld [tilespmem:$0x1FD20];
	v43 =	vadd.f32 $-1.000000000e+00, v48;
	v45 =	vmax.f32 v0, v52;
	v0 =	vcvt.f32.s32 v3  }
0x1ba: {  	s15 =	smul.f32 $1.900000000e+01, s26;
	v56 =	vld [tilespmem:$0x1FD30];
	v3 =	vmul.f32 v62, v47;
	v62 =	vmin.f32 v38, s19;
	v47 =	vmax.f32 v45, v2  }
0x1bb: {  	v58 =	vld [tilespmem:$0x1FD60];
	v40 =	vmul.f32 v40, v43;
	v43 =	vadd.f32 s16, v7;
	v35 =	vmax.f32 v47, v1  }
0x1bc: {  	v59 =	vld [tilespmem:$0x1FD80];
	v7 =	vadd.f32 s15, v7;
	vm2 =	veq.s32 v0, $0x0;
	v35 =	vmax.f32 v35, v31  }
0x1bd: {  	vm3 =	veq.s32 v0, $0x1;
	v49 =	vnsel vm2, $0x0, v30;
	v35 =	vmax.f32 v35, v5  }
0x1be: {  	s14 =	sadd.s32 $0x1, s14;
	vm2 =	veq.s32 v0, $0x2;
	v41 =	vsel vm3, v34, v49;
	v35 =	vmax.f32 v35, v57  }
0x1bf: {  	v51 =	vld.msk [tilespmem:s14+$0x0 ss:$0x0], $0xffff;
	v41 =	vsel vm2, v9, v41;
	vm2 =	veq.s32 v0, $0x3;
	v35 =	vmax.f32 v35, v56  }
0x1c0: {  	[tilespmem:$0x1FC40] =	vst v6;
	v6 =	vpop (erf);
	v41 =	vsel vm2, v22, v41;
	vm2 =	veq.s32 v0, $0x4;
	v60 =	vmax.f32 v35, v58  }
0x1c1: {  	v41 =	vsel vm2, v8, v41;
	vm2 =	vgt.f32 v3, v42;
	v3 =	vmax.f32 v60, v59;
	v61 =	vpop (erf);
	v60 =	vld [tilespmem:$0x1FD90]  }
0x1c2: {  	vm3 =	veq.s32 v0, $0x5;
	v35 =	vimm.s32 $0x0;
	v14 =	vmul.f32 v61, v14;
	v61 =	vld [tilespmem:$0x1FDA0]  }
0x1c3: {  	v42 =	vsub.f32 v63, v62;
	v62 =	vld [tilespmem:$0x1FDB0];
	v41 =	vsel vm3, v52, v41;
	v45 =	vsel vm12, $0x1, v35  }
0x1c4: {  	v63 =	vld [tilespmem:$0x1FDC0];
	vm12 =	veq.s32 v51, v24;
	v44 =	vsel vm15, $0x1, v35;
	vm0 =	vmand vm0, vm2  }
0x1c5: {  	v39 =	vld [tilespmem:$0x1FDD0];
	vm2 =	veq.s32 v0, $0x6;
	v25 =	vadd.s32 v44, v25;
	v13 =	vand.u32 $0x7FFFFF, v14  }
0x1c6: {  	v19 =	vld [tilespmem:$0x1FDE0];
	v25 =	vadd.s32 $0xFFFFFF81, v25;
	v24 =	vor.u32 $0x3F800000, v13;
	v3 =	vmax.f32 v3, v60  }
0x1c7: {  	s20 =	sadd.f32 s20, s23;
	v25 =	vcvt.s32.f32 v25;
	v47 =	vmul.f32 $5.000000000e-01, v24;
	v3 =	vmax.f32 v3, v61  }
0x1c8: {  	v14 =	vshrl.u32 v14, $0x17;
	vm15 =	vgt.f32 v24, $1.414213540e+00;
	v3 =	vmax.f32 v3, v62  }
0x1c9: {  	s21 =	smul.f32 $1.900000000e+01, s25;
	s28 =	spop (v2sf);
	v13 =	vmax.f32 v36, s20;
	v24 =	vsel vm15, v47, v24;
	v3 =	vmax.f32 v3, v63  }
0x1ca: {  	s18 =	smul.f32 $1.900000000e+01, s28;
	v14 =	vand.u32 $0xFF, v14;
	v47 =	vadd.f32 $1.000000000e+00, v24;
	v3 =	vmax.f32 v3, v39  }
0x1cb: {  	s29 =	smul.f32 $5.000000000e-01, s15;
	v48 =	vsub.f32 v13, v15;
	v13 =	vadd.f32 s17, v17;
	v3 =	vmax.f32 v3, v19  }
0x1cc: {  	s30 =	spop (v2sf);
	(erf) = vrcp.f32 v47;
	v47 =	vadd.f32 $-1.000000000e+00, v28;
	v30 =	vsub.f32 v30, v3  }
0x1cd: {  	s23 =	ssub.f32 s21, s29;
	s22 =	smul.f32 $5.000000000e-01, s18;
	v25 =	vmul.f32 $6.931471820e-01, v25;
	v15 =	vsub.f32 v34, v3;
	v34 =	vsub.f32 v13, v48  }
0x1ce: {  	s20 =	smul.f32 $1.900000000e+01, s30;
	v49 =	vmul.f32 $1.442695020e+00, v30;
	v30 =	vsub.f32 v43, v42;
	v42 =	vmul.f32 v40, v40  }
0x1cf: {  	s19 =	sadd.f32 s29, s21;
	v48 =	vmin.f32 v38, s23;
	v22 =	vsub.f32 v22, v3;
	v8 =	vsub.f32 v8, v3  }
0x1d0: {  	s31 =	ssub.f32 s20, s22;
	v38 =	vadd.f32 s18, v17;
	v15 =	vmul.f32 $1.442695020e+00, v15;
	v51 =	vmul.f32 $1.111111120e-01, v42  }
0x1d1: {  	s20 =	sadd.f32 s22, s20;
	v28 =	vmul.f32 $1.442695020e+00, v8;
	(erf) = vpow2.f32 v49;
	v49 =	vmax.f32 v18, s19  }
0x1d2: {  	v43 =	vld [tilespmem:$0x1FE10];
	v18 =	vsub.f32 v49, v48;
	(erf) = vpow2.f32 v15;
	v51 =	vadd.f32 $1.428571490e-01, v51  }
0x1d3: {  	v48 =	vsub.f32 v9, v3;
	v49 =	vmin.f32 v37, s31;
	v9 =	vmax.f32 v36, s20  }
0x1d4: {  	v36 =	vsub.f32 v9, v49;
	v9 =	vsub.f32 v7, v18;
	v7 =	vmul.f32 v51, v42  }
0x1d5: {  	v37 =	vmul.f32 $1.442695020e+00, v22;
	v22 =	vadd.f32 v40, v40;
	v15 =	vmul.f32 $1.442695020e+00, v48  }
0x1d6: {  	s16 =	smul.f32 s17, s16;
	vm3 =	vgt.f32 v30, $0.0e+00;
	v40 =	vsub.f32 v57, v3;
	v49 =	vld [tilespmem:$0x1FE00];
	v7 =	vadd.f32 $2.000000030e-01, v7  }
0x1d7: {  	v18 =	vcvt.s32.f32 v43;
	v48 =	vshrl.u32 v26, $0x17;
	(erf) = vpow2.f32 v15  }
0x1d8: {  	v43 =	vadd.f32 s16, v12;
	v8 =	vsub.f32 v38, v36;
	v7 =	vmul.f32 v7, v42  }
0x1d9: {  	v51 =	vsub.f32 v52, v3;
	v17 =	vsub.f32 v54, v18;
	(erf) = vpow2.f32 v37  }
0x1da: {  	v15 =	vmul.f32 v32, v47;
	(erf) = vpow2.f32 v28;
	v28 =	vadd.f32 $3.333333430e-01, v7  }
0x1db: {  	v18 =	vand.u32 $0xFF, v48;
	v13 =	vmul.f32 $1.442695020e+00, v51;
	v26 =	vcvt.s32.f32 v49  }
0x1dc: {  	v18 =	vadd.s32 v45, v18;
	v32 =	vmul.f32 v15, v15;
	v7 =	vpop (erf);
	v28 =	vmul.f32 v28, v42  }
0x1dd: {  	v51 =	vsub.f32 v1, v3;
	v18 =	vadd.s32 $0xFFFFFF81, v18;
	v49 =	vsub.f32 v2, v3;
	v52 =	vpop (erf)  }
0x1de: {  	v26 =	vsub.f32 v55, v26;
	v55 =	vmul.f32 $1.111111120e-01, v32;
	v54 =	vpop (erf);
	v28 =	vadd.f32 $1.000000000e+00, v28  }
0x1df: {  	v15 =	vadd.f32 v15, v15;
	v18 =	vcvt.s32.f32 v18;
	v36 =	vadd.f32 v54, v52  }
0x1e0: {  	v38 =	vmul.f32 $1.442695020e+00, v49;
	v49 =	vmul.f32 v34, v30;
	v37 =	vadd.f32 $1.428571490e-01, v55;
	v45 =	vpop (erf)  }
0x1e1: {  	v47 =	vmul.f32 $6.931471820e-01, v18;
	(erf) = vpow2.f32 v13;
	v36 =	vadd.f32 v36, v45  }
0x1e2: {  	v37 =	vmul.f32 v37, v32;
	v54 =	vsub.f32 v31, v3;
	v48 =	vmul.f32 v28, v22;
	v28 =	vpop (erf)  }
0x1e3: {  	(erf) = vpow2.f32 v38;
	v22 =	vsub.f32 v5, v3;
	v28 =	vadd.f32 v36, v28  }
0x1e4: {  	v45 =	vmul.f32 $3.750000000e-01, v43;
	v43 =	vsub.f32 v63, v3;
	v13 =	vadd.f32 v48, v47;
	v52 =	vpop (erf)  }
0x1e5: {  	v55 =	vmul.f32 $1.442695020e+00, v54;
	v18 =	vadd.f32 v28, v52;
	v28 =	vadd.f32 $2.000000030e-01, v37  }
0x1e6: {  	v42 =	vmul.f32 $1.442695020e+00, v22;
	v47 =	vsel vm2, v2, v41;
	v36 =	vmul.f32 $1.442695020e+00, v51  }
0x1e7: {  	v48 =	vsub.f32 v56, v3;
	vm2 =	veq.s32 v0, $0x7;
	v28 =	vmul.f32 v28, v32  }
0x1e8: {  	v2 =	vsel vm2, v1, v47;
	vm2 =	vmmov vm8;
	(erf) = vpow2.f32 v36  }
0x1e9: {  	vm9 =	vgt.f32 v49, v45;
	vm0 =	vmand vm2, vm0;
	v28 =	vadd.f32 $3.333333430e-01, v28  }
0x1ea: {  	vm2 =	veq.s32 v0, $0x8;
	v36 =	vmul.f32 $1.442695020e+00, v40;
	v37 =	vmul.f32 $1.442695020e+00, v48  }
0x1eb: {  	v52 =	vsub.f32 v58, v3;
	(erf) = vpow2.f32 v55;
	v28 =	vmul.f32 v28, v32  }
0x1ec: {  	v2 =	vsel vm2, v31, v2;
	v31 =	vsub.f32 v60, v3;
	(erf) = vpow2.f32 v42  }
0x1ed: {  	s15 =	smul.f32 s18, s15;
	v40 =	vadd.f32 $-1.000000000e+00, v27;
	v44 =	vpop (erf);
	(erf) = vpow2.f32 v36;
	v28 =	vadd.f32 $1.000000000e+00, v28  }
0x1ee: {  	vm2 =	vmor vm7, vm0;
	vm0 =	veq.s32 v0, $0x9;
	v18 =	vadd.f32 v18, v44  }
0x1ef: {  	vm7 =	vgt.f32 v8, $0.0e+00;
	v55 =	vadd.f32 s15, v12;
	v51 =	vpop (erf);
	(erf) = vpow2.f32 v37  }
0x1f0: {  	v2 =	vsel vm0, v5, v2;
	v5 =	vsub.f32 v19, v3;
	v18 =	vadd.f32 v18, v51  }
0x1f1: {  	vm0 =	vgt.f32 v34, $0.0e+00;
	v54 =	vmul.f32 $1.442695020e+00, v52;
	v15 =	vmul.f32 v28, v15;
	v28 =	vpop (erf)  }
0x1f2: {  	p0 =	por !p0, !p1;
	vm3 =	vmand vm3, vm0;
	v18 =	vadd.f32 v18, v28;
	v28 =	vsub.f32 v59, v3  }
0x1f3: {  	p0 =	por !p0, !p0;
	vm0 =	vmmov vm1;
	v12 =	vmul.f32 $3.750000000e-01, v55;
	v5 =	vmul.f32 $1.442695020e+00, v5  }
0x1f4: {  	vm0 =	vmneg @p0 vm0;
	vm3 =	vmand vm3, vm9;
	v1 =	vpop (erf);
	v28 =	vmul.f32 $1.442695020e+00, v28  }
0x1f5: {  	v37 =	vmul.f32 v8, v9;
	vm9 =	vmmov vm0;
	(erf) = vpow2.f32 v54;
	v22 =	vpop (erf)  }
0x1f6: {  	vm3 =	vmand vm9, vm3;
	v38 =	vpop (erf);
	(erf) = vpow2.f32 v28;
	v28 =	vmul.f32 $1.442695020e+00, v31  }
0x1f7: {  	v36 =	vld [tilespmem:$0x1FF30];
	vm8 =	vgt.f32 v37, v12;
	v12 =	vmul.f32 v29, v40;
	v18 =	vadd.f32 v18, v1  }
0x1f8: {  	v41 =	vpop (erf);
	v31 =	vsub.f32 v61, v3;
	(erf) = vpow2.f32 v28;
	v28 =	vsub.f32 v62, v3  }
0x1f9: {  	v29 =	vimm.f32 $1.000000000e+00;
	vm3 =	vmor vm2, vm3;
	v18 =	vadd.f32 v18, v22  }
0x1fa: {  	p6 =	slt.f32 s25, $0.0e+00;
	p2 =	sgt.f32 s25, $0.0e+00;
	vm2 =	vmmov vm1;
	v27 =	vmul.f32 $1.442695020e+00, v31;
	v44 =	vmul.f32 $1.442695020e+00, v28;
	v28 =	vld [tilespmem:$0x1FF40]  }
0x1fb: {  	v48 =	vsel vm6, $0x0, v29;
	v49 =	vmul.f32 v12, v12;
	v18 =	vadd.f32 v18, v38  }
0x1fc: {  	p1 =	por p2, p6;
	vm6 =	vgt.f32 v9, $0.0e+00;
	v17 =	vsub.f32 v36, v17;
	(erf) = vpow2.f32 v27  }
0x1fd: {  	p0 =	por !p0, !p1;
	v51 =	vld [tilespmem:$0x1FE90];
	v12 =	vadd.f32 v12, v12;
	v54 =	vmul.f32 $1.111111120e-01, v49;
	v42 =	vadd.f32 v18, v41  }
0x1fe: {  	p0 =	por !p0, !p0;
	v27 =	vsub.f32 v39, v3;
	v18 =	vmul.f32 $1.442695020e+00, v43;
	(erf) = vpow2.f32 v44  }
0x1ff: {  	vm2 =	vmneg @p0 vm2;
	v55 =	vadd.f32 $1.428571490e-01, v54;
	v26 =	vsub.f32 v28, v26;
	v28 =	vpop (erf)  }
0x200: {  	v32 =	vld [tilespmem:$0x1FC00];
	v45 =	vmul.f32 $1.442695020e+00, v27;
	(erf) = vpow2.f32 v18;
	v16 =	vadd.f32 v42, v28  }
0x201: {  	vm6 =	vmand vm6, vm7;
	vm9 =	vmmov vm2;
	v8 =	vmul.f32 v55, v49;
	v47 =	vpop (erf)  }
0x202: {  	v9 =	vsub.f32 v51, v13;
	(erf) = vpow2.f32 v45;
	v16 =	vadd.f32 v16, v47  }
0x203: {  	v34 =	vld [tilespmem:$0x1FEB0];
	vm6 =	vmand vm6, vm8;
	v8 =	vadd.f32 $2.000000030e-01, v8;
	v52 =	vpop (erf);
	v26 =	vmul.f32 v26, v26  }
0x204: {  	v17 =	vmul.f32 v17, v17;
	(erf) = vpow2.f32 v5;
	v13 =	vadd.f32 v16, v52  }
0x205: {  	vm6 =	vmand vm9, vm6;
	v11 =	vsub.f32 v32, v11;
	v8 =	vmul.f32 v8, v49;
	v5 =	vpop (erf)  }
0x206: {  	v9 =	vmul.f32 v9, v9;
	v15 =	vadd.f32 v15, v25;
	v5 =	vadd.f32 v13, v5  }
0x207: {  	v37 =	vmul.f32 $5.000000000e+00, v11;
	v8 =	vadd.f32 $3.333333430e-01, v8;
	v22 =	vadd.f32 v26, v17;
	v26 =	vpop (erf)  }
0x208: {  	vm3 =	vmor vm3, vm6;
	v15 =	vsub.f32 v34, v15;
	v5 =	vadd.f32 v5, v26  }
0x209: {  	v11 =	vmul.f32 v37, v11;
	v38 =	vadd.f32 $-1.000000000e+00, v33;
	v8 =	vmul.f32 v8, v49;
	v36 =	vpop (erf)  }
0x20a: {  	v15 =	vmul.f32 v15, v15;
	v42 =	vadd.f32 $-1.000000000e+00, v24;
	v5 =	vadd.f32 v5, v36  }
0x20b: {  	v41 =	vand.u32 $0xFF, v23;
	v43 =	vmul.f32 v48, v32;
	v8 =	vadd.f32 $1.000000000e+00, v8;
	v40 =	vpop (erf)  }
0x20c: {  	v27 =	vsel vm13, $0x1, v35;
	v7 =	vmul.f32 v7, v42;
	v5 =	vadd.f32 v5, v40  }
0x20d: {  	v28 =	vsel vm14, $0x1, v35;
	v8 =	vmul.f32 v8, v12;
	v17 =	vmul.f32 v6, v38;
	v45 =	vpop (erf)  }
0x20e: {  	v6 =	vmul.f32 v43, v32;
	v48 =	vmul.f32 v7, v7;
	v5 =	vadd.f32 v5, v45  }
0x20f: {  	v7 =	vadd.f32 v7, v7;
	v9 =	vadd.f32 v9, v22;
	v44 =	vmul.f32 v17, v17  }
0x210: {  	v6 =	vsub.f32 v11, v6;
	v33 =	vadd.f32 v17, v17;
	v49 =	vand.u32 $0x7FFFFF, v5  }
0x211: {  	v13 =	vadd.s32 v27, v41;
	v51 =	vmul.f32 $1.111111120e-01, v48;
	v23 =	vor.u32 $0x3F800000, v49  }
0x212: {  	v32 =	vld [tilespmem:$0x1FE40];
	v27 =	vsel vm15, $0x1, v35;
	v47 =	vmul.f32 $1.111111120e-01, v44;
	v52 =	vmul.f32 $5.000000000e-01, v23  }
0x213: {  	v13 =	vadd.s32 $0xFFFFFF81, v13;
	v25 =	vadd.f32 $1.428571490e-01, v51;
	vm13 =	vgt.f32 v23, $1.414213540e+00  }
0x214: {  	v9 =	vadd.f32 v9, v15;
	v16 =	vadd.f32 $1.428571490e-01, v47;
	v23 =	vsel vm13, v52, v23  }
0x215: {  	v6 =	vmul.f32 $5.000000000e-01, v6;
	v54 =	vmul.f32 v25, v48;
	v55 =	vadd.f32 $1.000000000e+00, v23  }
0x216: {  	v22 =	vld [tilespmem:$0x1FE50];
	v14 =	vadd.s32 v27, v14;
	v13 =	vcvt.s32.f32 v13;
	v16 =	vmul.f32 v16, v44  }
0x217: {  	v15 =	vcvt.s32.f32 v32;
	v12 =	vadd.f32 $2.000000030e-01, v54;
	(erf) = vrcp.f32 v55  }
0x218: {  	v34 =	vadd.s32 $0xFFFFFF81, v14;
	v13 =	vmul.f32 $6.931471820e-01, v13;
	v16 =	vadd.f32 $2.000000030e-01, v16  }
0x219: {  	v9 =	vmul.f32 $5.000000000e-01, v9;
	v25 =	vshrl.u32 v21, $0x17;
	v12 =	vmul.f32 v12, v48  }
0x21a: {  	v15 =	vsub.f32 v50, v15;
	v8 =	vadd.f32 v8, v13;
	v1 =	vmul.f32 v16, v44  }
0x21b: {  	v26 =	vand.u32 $0xFF, v25;
	v13 =	vcvt.s32.f32 v22;
	v40 =	vld [tilespmem:$0x1FD70];
	v12 =	vadd.f32 $3.333333430e-01, v12  }
0x21c: {  	v37 =	vld [tilespmem:$0x1FD50];
	v8 =	vadd.f32 v8, v10;
	v10 =	vadd.s32 v28, v26;
	v11 =	vadd.f32 $3.333333430e-01, v1  }
0x21d: {  	v6 =	vadd.f32 v6, v9;
	v10 =	vadd.s32 $0xFFFFFF81, v10;
	v12 =	vmul.f32 v12, v48  }
0x21e: {  	v13 =	vsub.f32 v53, v13;
	v10 =	vcvt.s32.f32 v10;
	v11 =	vmul.f32 v11, v44  }
0x21f: {  	v5 =	vshrl.u32 v5, $0x17;
	v12 =	vadd.f32 $1.000000000e+00, v12;
	v36 =	vadd.f32 $-1.000000000e+00, v23  }
0x220: {  	v47 =	vld [tilespmem:$0x1FC10];
	v15 =	vsub.f32 v40, v15;
	v5 =	vand.u32 $0xFF, v5;
	v11 =	vadd.f32 $1.000000000e+00, v11;
	v38 =	vpop (erf)  }
0x221: {  	v48 =	vld [tilespmem:$0x1FC20];
	v7 =	vmul.f32 v12, v7;
	v12 =	vsub.f32 v37, v13;
	v13 =	vmul.f32 v38, v36  }
0x222: {  	v10 =	vmul.f32 $6.931471820e-01, v10;
	v42 =	vmul.f32 v15, v15;
	v54 =	vsel vm13, $0x1, v35  }
0x223: {  	v5 =	vadd.s32 v54, v5;
	v11 =	vmul.f32 v11, v33;
	v43 =	vmul.f32 v13, v13  }
0x224: {  	v5 =	vadd.s32 $0xFFFFFF81, v5;
	v55 =	vsel vm3, $0x0, v29;
	vm3 =	veq.s32 v0, $0xA  }
0x225: {  	v10 =	vadd.f32 v11, v10;
	v11 =	vcvt.s32.f32 v34;
	v45 =	vmul.f32 $1.111111120e-01, v43  }
0x226: {  	v41 =	vld [tilespmem:$0x1FC80];
	v5 =	vcvt.s32.f32 v5;
	v14 =	vmul.f32 v48, v47;
	v2 =	vsel vm3, v57, v2  }
0x227: {  	vm3 =	veq.s32 v0, $0xB;
	v11 =	vmul.f32 $6.931471820e-01, v11;
	v50 =	vadd.f32 $1.428571490e-01, v45  }
0x228: {  	v12 =	vmul.f32 v12, v12;
	v5 =	vmul.f32 $6.931471820e-01, v5;
	v2 =	vsel vm3, v56, v2  }
0x229: {  	vm3 =	veq.s32 v0, $0xC;
	v7 =	vadd.f32 v7, v11;
	v11 =	vmul.f32 v50, v43  }
0x22a: {  	v57 =	vld [tilespmem:$0x1FC30];
	v51 =	vsub.f32 v20, v14;
	v44 =	vadd.f32 v42, v12;
	v2 =	vsel vm3, v58, v2  }
0x22b: {  	v49 =	vld [tilespmem:$0x1FCA0];
	vm3 =	veq.s32 v0, $0xD;
	v10 =	vsub.f32 v41, v10;
	v52 =	vadd.f32 $2.000000030e-01, v11  }
0x22c: {  	v53 =	vmul.f32 $5.000000000e+00, v51;
	v2 =	vsel vm3, v59, v2;
	vm3 =	veq.s32 v0, $0xE  }
0x22d: {  	v2 =	vsel vm3, v60, v2;
	vm3 =	veq.s32 v0, $0xF;
	v9 =	vmul.f32 v52, v43  }
0x22e: {  	v10 =	vmul.f32 v10, v10;
	v2 =	vsel vm3, v61, v2;
	vm3 =	veq.s32 v0, $0x10  }
0x22f: {  	v1 =	vsub.f32 v8, v57;
	v2 =	vsel vm3, v62, v2;
	v9 =	vadd.f32 $3.333333430e-01, v9  }
0x230: {  	vm3 =	veq.s32 v0, $0x11;
	v7 =	vsub.f32 v49, v7;
	v10 =	vadd.f32 v44, v10  }
0x231: {  	v60 =	vld [tilespmem:$0x1FC40];
	v2 =	vsel vm3, v63, v2;
	vm3 =	veq.s32 v0, $0x12;
	v9 =	vmul.f32 v9, v43  }
0x232: {  	v2 =	vsel vm3, v39, v2;
	v7 =	vmul.f32 v7, v7;
	v11 =	vmul.f32 v55, v20  }
0x233: {  	vm3 =	veq.s32 v0, $0x13;
	v56 =	vadd.f32 v13, v13;
	v9 =	vadd.f32 $1.000000000e+00, v9  }
0x234: {  	v7 =	vadd.f32 v10, v7;
	v10 =	vmul.f32 v53, v51;
	v11 =	vmul.f32 v11, v20  }
0x235: {  	v1 =	vadd.f32 v6, v1;
	v0 =	vsel vm3, v19, v2;
	v9 =	vmul.f32 v9, v56  }
0x236: {  	vm3 =	vmand vm10, vm11;
	vm9 =	vnez.u8 v60;
	v10 =	vsub.f32 v10, v11  }
0x237: {  	v1 =	vadd.f32 $0.0e+00, v1;
	vm3 =	vmand vm0, vm3;
	v5 =	vadd.f32 v9, v5  }
0x238: {  	v62 =	vld [tilespmem:$0x1FCD0];
	vm0 =	vmand vm9, vm0;
	v7 =	vmul.f32 $5.000000000e-01, v7;
	v58 =	vmul.f32 $5.000000000e-01, v10  }
0x239: {  	v61 =	vld [tilespmem:$0x1FC50];
	vm3 =	vmneg vm3;
	v3 =	vadd.f32 v5, v3;
	v5 =	vmov s13  }
0x23a: {  	vm0 =	vmor vm5, vm0;
	v59 =	vadd.f32 v58, v7;
	vm10 =	vgt.u32 v5, v46  }
0x23b: {  	vm11 =	veq.s32 v5, v46;
	v0 =	vsub.f32 v3, v0;
	vm6 =	vmand vm10, vm12  }
0x23c: {  	vm3 =	vmand vm4, vm3;
	vm10 =	vmand vm2, vm6;
	vm2 =	vmand vm11, vm2  }
0x23d: {  	vm11 =	vnez.u8 v62;
	v0 =	vadd.f32 v59, v0;
	vm4 =	vmneg vm10  }
0x23e: {  	vm0 =	vmor vm0, vm2;
	vm2 =	vnez.u8 v61;
	vm3 =	vmand vm3, vm4  }
0x23f: {  	vm2 =	vmand vm2, vm11;
	vm0 =	vmand vm3, vm0  }
0x240: {  	v1 =	vnsel vm2, $0x0, v1;
	v0 =	vnsel vm0, $0x0, v0  }
0x241: {  	v0 =	vadd.f32 v0, v1;
	_ =	sdelay $0x1  }
0x242: {  	[tilespmem:$0xB500] =	vst v0  }
0x243: {  	[hbm4b:s5+s2] =	stream.linear.scatter [tilespmem:s11], [sflag:$0x1], $0x80, $0x38;
	[tilespmem:$0xB580] =	vst v63  }
0x244: {  	s12 =	sadd.s32 $0x1, s12;
	_ =	swait.ge [sflag:s8], $0x80  }
0x245: {  	p0 =	sne.s32 s12, s6;
	v63 =	vld [tilespmem:$0x1FFE0]  }
.Ltmp2:
0x246: {  	_ = 	snop;
	(pc) =	sbr.rel @p0 .LBB2_1-.Ltmp2, $3  }
0x247: {  	_ =	sdelay $0x1  }
0x248: {  	v29 =	vimm.f32 $1.322100040e+00;
	[sflag:s8] =	ssyncset.done $0x0  }
0x249: {  	v42 =	vimm.f32 $1.731449960e+00;
	v50 =	vld [tilespmem:$0x1FFF0];
	[sflag:s8] =	ssyncadd.s32 $0xFFFFFF80;
	vm14 =	vnez.u8 v63  }
0x24a: {  	_ =	sfence.sel $0x180000  }
0x24b: {  	[bflag:$0x0] =	sbarrier.arrive $0xFFFF  }
0x24c: {  	p0 =	sne.s32 s1, $0x0;
	_ =	strace $0x90000047  }
0x24d: {  	s0 =	sadd.s32 @!p0 $0x100000, s0;
	[bflag:$0x2] =	sbarrier.arrive $0xFFFF  }
0x24e: {  	[sflag:s0] =	ssyncadd.tile.s32 @!p0 $0x1;
	_ =	shalt  }
.Lfunc_end2:
_tile_overlayer_lowered:
.L_overlay_start_2:
0x24f: {  	(tag) =	ssettag $0x2  }
0x250: {  	s0 =	rddreg [dreg:$0x0];
	s2 =	stileid.u32  }
0x251: {  	s1 =	rddreg [dreg:$0x1];
	p0 =	sne.s32 s2, $0x0  }
0x252: {  	s3 =	rddreg [dreg:$0x2];
	[bflag:$0x3] =	sbarrier.arrive $0xFFFF;
	s2 =	simm.s32 @!p0 $0x1C01  }
0x253: {  	[timem:s3], [sflag:s2] =	dma.local @!p0 [hbm:s0], s1  }
0x254: {  	s0 =	simm.s32 @!p0 $0x1  }
0x255: {  	_ =	swait.ge @!p0 [sflag:s0], s1  }
0x256: {  	s1 =	ssub.s32 @!p0 $0x0, s1;
	[sflag:s0] =	ssyncset.done @!p0 $0x0  }
0x257: {  	[sflag:s0] =	ssyncadd.s32 @!p0 s1  }
0x258: {  	[bflag:$0x3] =	sbarrier.arrive $0xFFFF  }
0x259: {  	_ =	shalt  }

</sc_bundles>
